<compile_context>
chip_gen: v7x
topology: tpu7x:2x2x1
jax: 0.10.2.dev20260603
libtpu: 0.0.44.dev20260713+nightly
codegen_flags: <defaults>
</compile_context>

<pallas_src>
import jax
import jax.numpy as jnp
from jax import lax
from jax.experimental import pallas as pl
from jax.experimental.pallas import tpu as pltpu
from jax.experimental.pallas import tpu_sc as plsc

N = 10000
E = 320000
D = 128
G = 8

NC = 2
NS = 16
NW = NC * NS
CH = 128

N_CH = 80
QCH = 40
E_PER_W = N_CH * CH
E_PAD = NW * E_PER_W
N_ACC = ((N + 16 + 8 * NS - 1) // (8 * NS)) * (8 * NS)
ROWS_PER_SUB = N_ACC // NS

DW = 128

BN = 1000
NB = N // BN



_MESH = plsc.VectorSubcoreMesh(
    core_axis_name="c", subcore_axis_name="s", num_cores=NC, num_subcores=NS)


def _sc_degree_body(dst_hbm, ones_hbm, zeros_hbm, out_hbm, didx, ones_v, acc,
                    sem):
    c = lax.axis_index("c")
    s = lax.axis_index("s")
    wid = s * NC + c
    pltpu.sync_copy(zeros_hbm.at[pl.ds(s * ROWS_PER_SUB, ROWS_PER_SUB)],
                    acc.at[pl.ds(s * ROWS_PER_SUB, ROWS_PER_SUB)])
    pltpu.sync_copy(ones_hbm, ones_v)
    pltpu.sync_copy(dst_hbm.at[pl.ds(wid * N_CH, N_CH)], didx)
    plsc.subcore_barrier()

    def chunk(i, carry):
        pltpu.sync_copy(ones_v, acc.at[didx.at[i]], add=True)
        return carry

    lax.fori_loop(0, N_CH, chunk, 0)
    plsc.subcore_barrier()
    pltpu.sync_copy(acc.at[pl.ds(s * ROWS_PER_SUB, ROWS_PER_SUB)],
                    out_hbm.at[c, pl.ds(s * ROWS_PER_SUB, ROWS_PER_SUB)])


def _sc_aggregate_body(y_hbm, src_hbm, dst_hbm, zeros_hbm, out_hbm,
                       sidx, didx, rows0, rows1, acc, gsem0, gsem1):
    c = lax.axis_index("c")
    s = lax.axis_index("s")
    wid = s * NC + c
    pltpu.sync_copy(zeros_hbm.at[pl.ds(s * ROWS_PER_SUB, ROWS_PER_SUB)],
                    acc.at[pl.ds(s * ROWS_PER_SUB, ROWS_PER_SUB)])
    plsc.subcore_barrier()

    def quarter(q, carry):
        pltpu.sync_copy(src_hbm.at[pl.ds(wid * N_CH + q * QCH, QCH)], sidx)
        pltpu.sync_copy(dst_hbm.at[pl.ds(wid * N_CH + q * QCH, QCH)], didx)
        pltpu.async_copy(y_hbm.at[sidx.at[0]], rows0, gsem0)

        def pair(j, carry2):
            i = 2 * j
            pltpu.async_copy(y_hbm.at[sidx.at[i + 1]], rows1, gsem1)
            pltpu.make_async_copy(y_hbm.at[sidx.at[i]], rows0, gsem0).wait()
            pltpu.sync_copy(rows0, acc.at[didx.at[i]], add=True)

            @pl.when(j < QCH // 2 - 1)
            def _():
                pltpu.async_copy(y_hbm.at[sidx.at[i + 2]], rows0, gsem0)

            pltpu.make_async_copy(y_hbm.at[sidx.at[i + 1]], rows1, gsem1).wait()
            pltpu.sync_copy(rows1, acc.at[didx.at[i + 1]], add=True)
            return carry2

        lax.fori_loop(0, QCH // 2, pair, 0)
        return carry

    lax.fori_loop(0, N_CH // QCH, quarter, 0)
    plsc.subcore_barrier()
    pltpu.sync_copy(acc.at[pl.ds(s * ROWS_PER_SUB, ROWS_PER_SUB)],
                    out_hbm.at[c, pl.ds(s * ROWS_PER_SUB, ROWS_PER_SUB)])


def _make_sc_degree(interpret=False):
    return pl.kernel(
        _sc_degree_body,
        out_type=jax.ShapeDtypeStruct((NC, N_ACC, D), jnp.float32),
        mesh=_MESH,
        scratch_types=[
            pltpu.VMEM((N_CH, CH), jnp.int32),
            pltpu.VMEM((CH, DW), jnp.float32),
            pltpu.VMEM_SHARED((N_ACC, DW), jnp.float32),
            pltpu.SemaphoreType.DMA,
        ],
        compiler_params=pltpu.CompilerParams(use_tc_tiling_on_sc=True),
        interpret=interpret,
    )


def _make_sc_aggregate(interpret=False):
    return pl.kernel(
        _sc_aggregate_body,
        out_type=jax.ShapeDtypeStruct((NC, N_ACC, D), jnp.float32),
        mesh=_MESH,
        scratch_types=[
            pltpu.VMEM((QCH, CH), jnp.int32),
            pltpu.VMEM((QCH, CH), jnp.int32),
            pltpu.VMEM((CH, D), jnp.float32),
            pltpu.VMEM((CH, D), jnp.float32),
            pltpu.VMEM_SHARED((N_ACC, D), jnp.float32),
            pltpu.SemaphoreType.DMA,
            pltpu.SemaphoreType.DMA,
        ],
        compiler_params=pltpu.CompilerParams(use_tc_tiling_on_sc=True),
        interpret=interpret,
    )


_sc_degree = _make_sc_degree()
_sc_aggregate = _make_sc_aggregate()



def _tc_prep_body(cnt_ref, x_ref, w_ref, dinv_ref, y_ref):
    c = cnt_ref[0] + cnt_ref[1]
    deg = 1.0 + c[:, 0:1]
    dinv = lax.rsqrt(deg)
    xw = jnp.dot(x_ref[...], w_ref[...], preferred_element_type=jnp.float32)
    dinvb = jnp.broadcast_to(dinv, (BN, D))
    dinv_ref[...] = dinvb
    y_ref[...] = xw * dinvb


_tc_prep = pl.pallas_call(
    _tc_prep_body,
    grid=(NB,),
    in_specs=[
        pl.BlockSpec((NC, BN, D), lambda i: (0, i, 0)),
        pl.BlockSpec((BN, D), lambda i: (i, 0)),
        pl.BlockSpec((D, D), lambda i: (0, 0)),
    ],
    out_specs=[
        pl.BlockSpec((BN, D), lambda i: (i, 0)),
        pl.BlockSpec((BN, D), lambda i: (i, 0)),
    ],
    out_shape=[
        jax.ShapeDtypeStruct((N, D), jnp.float32),
        jax.ShapeDtypeStruct((N, D), jnp.float32),
    ],
)


def _pool_accum(pool_ref, h, batch_blk):
    rows = [jnp.sum(jnp.where(batch_blk == g, h, 0.0), axis=0)
            for g in range(G)]
    contrib = jnp.stack(rows, axis=0)

    @pl.when(pl.program_id(0) == 0)
    def _():
        pool_ref[...] = jnp.zeros((G, D), jnp.float32)

    pool_ref[...] += contrib


def _tc_mid_body(parts_ref, y_ref, dinv_ref, b_ref, w_ref, batch_ref,
                 ynext_ref, pool_ref):
    dinvb = dinv_ref[...]
    ssum = parts_ref[0] + parts_ref[1]
    h = jnp.maximum(dinvb * (ssum + y_ref[...]) + b_ref[...], 0.0)
    ynext_ref[...] = jnp.dot(
        h, w_ref[...], preferred_element_type=jnp.float32) * dinvb
    _pool_accum(pool_ref, h, batch_ref[...])


_tc_mid = pl.pallas_call(
    _tc_mid_body,
    grid=(NB,),
    in_specs=[
        pl.BlockSpec((NC, BN, D), lambda i: (0, i, 0)),
        pl.BlockSpec((BN, D), lambda i: (i, 0)),
        pl.BlockSpec((BN, D), lambda i: (i, 0)),
        pl.BlockSpec((1, D), lambda i: (0, 0)),
        pl.BlockSpec((D, D), lambda i: (0, 0)),
        pl.BlockSpec((BN, 1), lambda i: (i, 0)),
    ],
    out_specs=[
        pl.BlockSpec((BN, D), lambda i: (i, 0)),
        pl.BlockSpec((G, D), lambda i: (0, 0)),
    ],
    out_shape=[
        jax.ShapeDtypeStruct((N, D), jnp.float32),
        jax.ShapeDtypeStruct((G, D), jnp.float32),
    ],
)


def _tc_last_body(parts_ref, y_ref, dinv_ref, b_ref, batch_ref, pool_ref):
    dinvb = dinv_ref[...]
    ssum = parts_ref[0] + parts_ref[1]
    h = jnp.maximum(dinvb * (ssum + y_ref[...]) + b_ref[...], 0.0)
    _pool_accum(pool_ref, h, batch_ref[...])


_tc_last = pl.pallas_call(
    _tc_last_body,
    grid=(NB,),
    in_specs=[
        pl.BlockSpec((NC, BN, D), lambda i: (0, i, 0)),
        pl.BlockSpec((BN, D), lambda i: (i, 0)),
        pl.BlockSpec((BN, D), lambda i: (i, 0)),
        pl.BlockSpec((1, D), lambda i: (0, 0)),
        pl.BlockSpec((BN, 1), lambda i: (i, 0)),
    ],
    out_specs=pl.BlockSpec((G, D), lambda i: (0, 0)),
    out_shape=jax.ShapeDtypeStruct((G, D), jnp.float32),
)



def kernel(x, edge_index, batch, W1, b1, W2, b2, W3, b3):
    src = edge_index[0].astype(jnp.int32)
    dst = edge_index[1].astype(jnp.int32)

    pad = E_PAD - E
    pad_ar = jnp.arange(pad, dtype=jnp.int32)
    src_p = jnp.concatenate([src, pad_ar]).reshape(NW * N_CH, CH)
    dst_p = jnp.concatenate(
        [dst, N + (pad_ar & 63)]).reshape(NW * N_CH, CH)

    zeros_sm = jnp.zeros((N_ACC, D), jnp.float32)
    ones_dw = jnp.ones((CH, DW), jnp.float32)
    batch2 = batch.astype(jnp.int32).reshape(N, 1)

    cnt = _sc_degree(dst_p, ones_dw, zeros_sm)
    dinvb, y1 = _tc_prep(cnt, x, W1)

    p1 = _sc_aggregate(y1, src_p, dst_p, zeros_sm)
    y2, pool1 = _tc_mid(p1, y1, dinvb, b1.reshape(1, D), W2, batch2)

    p2 = _sc_aggregate(y2, src_p, dst_p, zeros_sm)
    y3, pool2 = _tc_mid(p2, y2, dinvb, b2.reshape(1, D), W3, batch2)

    p3 = _sc_aggregate(y3, src_p, dst_p, zeros_sm)
    pool3 = _tc_last(p3, y3, dinvb, b3.reshape(1, D), batch2)

    return jnp.concatenate([pool1, pool2, pool3], axis=1)

# --- scband reference (transcript-rebuilt; emitter-appended) ---
"""Pipeline reference for scband-gcn-17377437680138 (READ-ONLY COPY).

The authoritative reference and input builder live on the scoring server;
editing this copy changes nothing except your own understanding.
"""

import jax, jax.numpy as jnp
import numpy as np

N = 10000
E = 320000
D = 128
G = 8


def setup_inputs(seed: int = 0) -> dict:
    key = jax.random.key(seed)
    ks = jax.random.split(key, 9)
    x = jax.random.normal(ks[0], (N, D), dtype=jnp.float32)
    edge_index = jax.random.randint(ks[1], (2, E), 0, N)
    batch = jnp.sort(jax.random.randint(ks[2], (N,), 0, G))
    # xavier_uniform for GCNConv weights, zero bias (matches weights_init)
    def xavier(k, fan_in, fan_out):
        a = np.sqrt(6.0 / (fan_in + fan_out))
        return jax.random.uniform(k, (fan_in, fan_out), minval=-a, maxval=a, dtype=jnp.float32)
    W1 = xavier(ks[3], D, D)
    W2 = xavier(ks[4], D, D)
    W3 = xavier(ks[5], D, D)
    b1 = jnp.zeros((D,), dtype=jnp.float32)
    b2 = jnp.zeros((D,), dtype=jnp.float32)
    b3 = jnp.zeros((D,), dtype=jnp.float32)
    return {"x": x, "edge_index": edge_index, "batch": batch,
            "W1": W1, "b1": b1, "W2": W2, "b2": b2, "W3": W3, "b3": b3}


def _gcn_conv(x, src, dst, W, b):
    # PyG GCNConv with add_self_loops=True, normalize=True
    num_nodes = x.shape[0]
    loop = jnp.arange(num_nodes, dtype=src.dtype)
    s = jnp.concatenate([src, loop])
    d = jnp.concatenate([dst, loop])
    ew = jnp.ones(s.shape[0], dtype=x.dtype)
    deg = jax.ops.segment_sum(ew, d, num_segments=num_nodes)
    dinv = jnp.where(deg > 0, deg ** -0.5, 0.0)
    norm = dinv[s] * dinv[d]
    xw = x @ W
    msg = xw[s] * norm[:, None]
    out = jax.ops.segment_sum(msg, d, num_segments=num_nodes)
    return out + b


def reference(x, edge_index, batch, W1, b1, W2, b2, W3, b3):
    src = edge_index[0]
    dst = edge_index[1]
    xs = []
    h = x
    for W, b in ((W1, b1), (W2, b2), (W3, b3)):
        h = _gcn_conv(h, src, dst, W, b)
        h = jax.nn.relu(h)
        xs.append(h)
    # pool='sum' -> global_add_pool per layer output, then concat
    pools = [jax.ops.segment_sum(h, batch, num_segments=G) for h in xs]
    return jnp.concatenate(pools, axis=1)

if __name__ == "__main__":
    import jax
    _d = setup_inputs()
    print(jax.jit(kernel)(*tuple(_d.values())))

</pallas_src>

<mosaic_0001>
#map = affine_map<(d0, d1) -> (0, 0)>
#map1 = affine_map<(d0, d1) -> (0, 0, 0)>
module attributes {stable_mosaic.version = 14 : i64} {
  func.func @_sc_aggregate_body(%arg0: i32, %arg1: i32, %arg2: memref<10000x128xf32, #tpu.memory_space<hbm>>, %arg3: memref<2560x128xi32, #tpu.memory_space<hbm>>, %arg4: memref<2560x128xi32, #tpu.memory_space<hbm>>, %arg5: memref<10112x128xf32, #tpu.memory_space<hbm>>, %arg6: memref<2x10112x128xf32, #tpu.memory_space<hbm>>, %arg7: memref<40x128xi32, #tpu.memory_space<vmem>>, %arg8: memref<40x128xi32, #tpu.memory_space<vmem>>, %arg9: memref<128x128xf32, #tpu.memory_space<vmem>>, %arg10: memref<128x128xf32, #tpu.memory_space<vmem>>, %arg11: memref<10112x128xf32, #tpu.memory_space<vmem_shared>>, %arg12: memref<!tpu.dma_semaphore, #tpu.memory_space<semaphore_mem>>, %arg13: memref<!tpu.dma_semaphore, #tpu.memory_space<semaphore_mem>>) attributes {dimension_semantics = [#tpu.dimension_semantics<core_parallel>, #tpu.dimension_semantics<subcore_parallel>], iteration_bounds = array<i64: 2, 16>, scalar_prefetch = 0 : i64, scratch_operands = 7 : i64, tpu.core_type = #tpu.core_type<sc_vector_subcore>, window_params = [{transform_indices = #map}, {transform_indices = #map}, {transform_indices = #map}, {transform_indices = #map}, {transform_indices = #map1}]} {
    %mul3A = arith.constant 2 : i32
    %mul3A_0 = arith.muli %arg1, %mul3A : i32
    %add3A = arith.addi %mul3A_0, %arg0 : i32
    %mul3A_1 = arith.constant 632 : i32
    %mul3A_2 = arith.muli %arg1, %mul3A_1 : i32
    %mul3A_3 = arith.constant 632 : i32
    %mul3A_4 = arith.muli %arg1, %mul3A_3 : i32
    "tpu.region"() ({
      %run_scoped3A = tpu.sem_alloc : memref<!tpu.dma_semaphore, #tpu.memory_space<semaphore_mem>>
      %dma_start3A = arith.constant 0 : i32
      %dma_start3A_15 = tpu.memref_slice %arg11[%mul3A_4, %dma_start3A] : memref<10112x128xf32, #tpu.memory_space<vmem_shared>> -> memref<632x128xf32, #tpu.memory_space<vmem_shared>>
      %dma_start3A_16 = arith.constant 0 : i32
      %dma_start3A_17 = tpu.memref_slice %arg5[%mul3A_2, %dma_start3A_16] : memref<10112x128xf32, #tpu.memory_space<hbm>> -> memref<632x128xf32, #tpu.memory_space<hbm>>
      tpu.enqueue_dma source(%dma_start3A_17 : memref<632x128xf32, #tpu.memory_space<hbm>>) target(%dma_start3A_15 : memref<632x128xf32, #tpu.memory_space<vmem_shared>>) target_semaphore(%run_scoped3A : memref<!tpu.dma_semaphore, #tpu.memory_space<semaphore_mem>>)
      %dma_wait3A = arith.constant 0 : i32
      %dma_wait3A_18 = tpu.memref_slice %arg11[%mul3A_4, %dma_wait3A] : memref<10112x128xf32, #tpu.memory_space<vmem_shared>> -> memref<632x128xf32, #tpu.memory_space<vmem_shared>>
      %dma_wait3A_19 = arith.constant 0 : i32
      %dma_wait3A_20 = tpu.memref_slice %arg5[%mul3A_2, %dma_wait3A_19] : memref<10112x128xf32, #tpu.memory_space<hbm>> -> memref<632x128xf32, #tpu.memory_space<hbm>>
      tpu.wait_dma2 semaphore(%run_scoped3A : memref<!tpu.dma_semaphore, #tpu.memory_space<semaphore_mem>>) src(%dma_wait3A_20 : memref<632x128xf32, #tpu.memory_space<hbm>>) dst(%dma_wait3A_18 : memref<632x128xf32, #tpu.memory_space<vmem_shared>>)
      tpu.yield
    }) : () -> ()
    %barrier3A = arith.constant 0 : index
    tpu.barrier barrier_id(%barrier3A)
    %scan3A = arith.constant 0 : i32
    %scan3A_5 = arith.constant 0 : i32
    %scan3A_6 = arith.constant 2 : i32
    %scan3A_7 = arith.addi %scan3A_5, %scan3A_6 : i32
    %scan3A_8 = arith.constant 1 : i32
    scf.for %scan3A_15 = %scan3A_5 to %scan3A_7 step %scan3A_8  : i32 {
      %mul3A_16 = arith.constant 80 : i32
      %mul3A_17 = arith.muli %add3A, %mul3A_16 : i32
      %mul3A_18 = arith.constant 40 : i32
      %mul3A_19 = arith.muli %scan3A_15, %mul3A_18 : i32
      %add3A_20 = arith.addi %mul3A_17, %mul3A_19 : i32
      "tpu.region"() ({
        %run_scoped3A = tpu.sem_alloc : memref<!tpu.dma_semaphore, #tpu.memory_space<semaphore_mem>>
        %dma_start3A_38 = arith.constant 0 : i32
        %dma_start3A_39 = tpu.memref_slice %arg3[%add3A_20, %dma_start3A_38] : memref<2560x128xi32, #tpu.memory_space<hbm>> -> memref<40x128xi32, #tpu.memory_space<hbm>>
        %dma_start3A_40 = arith.constant 0 : i32
        %dma_start3A_41 = tpu.memref_slice %arg3[%add3A_20, %dma_start3A_40] : memref<2560x128xi32, #tpu.memory_space<hbm>> -> memref<40x128xi32, #tpu.memory_space<hbm>>
        tpu.enqueue_dma source(%dma_start3A_41 : memref<40x128xi32, #tpu.memory_space<hbm>>) target(%arg7 : memref<40x128xi32, #tpu.memory_space<vmem>>) target_semaphore(%run_scoped3A : memref<!tpu.dma_semaphore, #tpu.memory_space<semaphore_mem>>)
        %dma_wait3A = arith.constant 0 : i32
        %dma_wait3A_42 = tpu.memref_slice %arg3[%add3A_20, %dma_wait3A] : memref<2560x128xi32, #tpu.memory_space<hbm>> -> memref<40x128xi32, #tpu.memory_space<hbm>>
        %dma_wait3A_43 = arith.constant 0 : i32
        %dma_wait3A_44 = tpu.memref_slice %arg3[%add3A_20, %dma_wait3A_43] : memref<2560x128xi32, #tpu.memory_space<hbm>> -> memref<40x128xi32, #tpu.memory_space<hbm>>
        tpu.wait_dma2 semaphore(%run_scoped3A : memref<!tpu.dma_semaphore, #tpu.memory_space<semaphore_mem>>) src(%dma_wait3A_44 : memref<40x128xi32, #tpu.memory_space<hbm>>) dst(%arg7 : memref<40x128xi32, #tpu.memory_space<vmem>>)
        tpu.yield
      }) : () -> ()
      %mul3A_21 = arith.constant 80 : i32
      %mul3A_22 = arith.muli %add3A, %mul3A_21 : i32
      %mul3A_23 = arith.constant 40 : i32
      %mul3A_24 = arith.muli %scan3A_15, %mul3A_23 : i32
      %add3A_25 = arith.addi %mul3A_22, %mul3A_24 : i32
      "tpu.region"() ({
        %run_scoped3A = tpu.sem_alloc : memref<!tpu.dma_semaphore, #tpu.memory_space<semaphore_mem>>
        %dma_start3A_38 = arith.constant 0 : i32
        %dma_start3A_39 = tpu.memref_slice %arg4[%add3A_25, %dma_start3A_38] : memref<2560x128xi32, #tpu.memory_space<hbm>> -> memref<40x128xi32, #tpu.memory_space<hbm>>
        %dma_start3A_40 = arith.constant 0 : i32
        %dma_start3A_41 = tpu.memref_slice %arg4[%add3A_25, %dma_start3A_40] : memref<2560x128xi32, #tpu.memory_space<hbm>> -> memref<40x128xi32, #tpu.memory_space<hbm>>
        tpu.enqueue_dma source(%dma_start3A_41 : memref<40x128xi32, #tpu.memory_space<hbm>>) target(%arg8 : memref<40x128xi32, #tpu.memory_space<vmem>>) target_semaphore(%run_scoped3A : memref<!tpu.dma_semaphore, #tpu.memory_space<semaphore_mem>>)
        %dma_wait3A = arith.constant 0 : i32
        %dma_wait3A_42 = tpu.memref_slice %arg4[%add3A_25, %dma_wait3A] : memref<2560x128xi32, #tpu.memory_space<hbm>> -> memref<40x128xi32, #tpu.memory_space<hbm>>
        %dma_wait3A_43 = arith.constant 0 : i32
        %dma_wait3A_44 = tpu.memref_slice %arg4[%add3A_25, %dma_wait3A_43] : memref<2560x128xi32, #tpu.memory_space<hbm>> -> memref<40x128xi32, #tpu.memory_space<hbm>>
        tpu.wait_dma2 semaphore(%run_scoped3A : memref<!tpu.dma_semaphore, #tpu.memory_space<semaphore_mem>>) src(%dma_wait3A_44 : memref<40x128xi32, #tpu.memory_space<hbm>>) dst(%arg8 : memref<40x128xi32, #tpu.memory_space<vmem>>)
        tpu.yield
      }) : () -> ()
      %dma_start3A = arith.constant 0 : i32
      %dma_start3A_26 = arith.constant 0 : i32
      %dma_start3A_27 = tpu.memref_slice %arg7[%dma_start3A, %dma_start3A_26] : memref<40x128xi32, #tpu.memory_space<vmem>> -> memref<1x128xi32, #tpu.memory_space<vmem>>
      %dma_start3A_28 = tpu.memref_squeeze %dma_start3A_27 : memref<1x128xi32, #tpu.memory_space<vmem>> -> memref<128xi32, #tpu.memory_space<vmem>>
      %dma_start3A_29 = arith.constant 0 : i32
      %dma_start3A_30 = arith.constant 0 : i32
      %dma_start3A_31 = tpu.memref_slice %arg2[%dma_start3A_29, %dma_start3A_30] : memref<10000x128xf32, #tpu.memory_space<hbm>> -> memref<10000x128xf32, #tpu.memory_space<hbm>>
      tpu.enqueue_indirect_dma source(%dma_start3A_31 : memref<10000x128xf32, #tpu.memory_space<hbm>>) target(%arg9 : memref<128x128xf32, #tpu.memory_space<vmem>>) offsets(%dma_start3A_28 : memref<128xi32, #tpu.memory_space<vmem>>) semaphore(%arg12 : memref<!tpu.dma_semaphore, #tpu.memory_space<semaphore_mem>>)
      %scan3A_32 = arith.constant 0 : i32
      %scan3A_33 = arith.constant 0 : i32
      %scan3A_34 = arith.constant 20 : i32
      %scan3A_35 = arith.addi %scan3A_33, %scan3A_34 : i32
      %scan3A_36 = arith.constant 1 : i32
      scf.for %scan3A_38 = %scan3A_33 to %scan3A_35 step %scan3A_36  : i32 {
        %mul3A_39 = arith.constant 2 : i32
        %mul3A_40 = arith.muli %mul3A_39, %scan3A_38 : i32
        %add3A_41 = arith.constant 1 : i32
        %add3A_42 = arith.addi %mul3A_40, %add3A_41 : i32
        %dma_start3A_43 = arith.constant 0 : i32
        %dma_start3A_44 = tpu.memref_slice %arg7[%add3A_42, %dma_start3A_43] : memref<40x128xi32, #tpu.memory_space<vmem>> -> memref<1x128xi32, #tpu.memory_space<vmem>>
        %dma_start3A_45 = tpu.memref_squeeze %dma_start3A_44 : memref<1x128xi32, #tpu.memory_space<vmem>> -> memref<128xi32, #tpu.memory_space<vmem>>
        %dma_start3A_46 = arith.constant 0 : i32
        %dma_start3A_47 = arith.constant 0 : i32
        %dma_start3A_48 = tpu.memref_slice %arg2[%dma_start3A_46, %dma_start3A_47] : memref<10000x128xf32, #tpu.memory_space<hbm>> -> memref<10000x128xf32, #tpu.memory_space<hbm>>
        tpu.enqueue_indirect_dma source(%dma_start3A_48 : memref<10000x128xf32, #tpu.memory_space<hbm>>) target(%arg10 : memref<128x128xf32, #tpu.memory_space<vmem>>) offsets(%dma_start3A_45 : memref<128xi32, #tpu.memory_space<vmem>>) semaphore(%arg13 : memref<!tpu.dma_semaphore, #tpu.memory_space<semaphore_mem>>)
        %dma_wait3A = arith.constant 0 : i32
        %dma_wait3A_49 = tpu.memref_slice %arg7[%mul3A_40, %dma_wait3A] : memref<40x128xi32, #tpu.memory_space<vmem>> -> memref<1x128xi32, #tpu.memory_space<vmem>>
        %dma_wait3A_50 = tpu.memref_squeeze %dma_wait3A_49 : memref<1x128xi32, #tpu.memory_space<vmem>> -> memref<128xi32, #tpu.memory_space<vmem>>
        %dma_wait3A_51 = arith.constant 0 : i32
        %dma_wait3A_52 = arith.constant 0 : i32
        %dma_wait3A_53 = tpu.memref_slice %arg2[%dma_wait3A_51, %dma_wait3A_52] : memref<10000x128xf32, #tpu.memory_space<hbm>> -> memref<10000x128xf32, #tpu.memory_space<hbm>>
        tpu.wait_indirect_dma semaphore(%arg12 : memref<!tpu.dma_semaphore, #tpu.memory_space<semaphore_mem>>) src(%dma_wait3A_53 : memref<10000x128xf32, #tpu.memory_space<hbm>>) dst(%arg9 : memref<128x128xf32, #tpu.memory_space<vmem>>)
        "tpu.region"() ({
          %run_scoped3A = tpu.sem_alloc : memref<!tpu.dma_semaphore, #tpu.memory_space<semaphore_mem>>
          %dma_start3A_66 = arith.constant 0 : i32
          %dma_start3A_67 = tpu.memref_slice %arg8[%mul3A_40, %dma_start3A_66] : memref<40x128xi32, #tpu.memory_space<vmem>> -> memref<1x128xi32, #tpu.memory_space<vmem>>
          %dma_start3A_68 = tpu.memref_squeeze %dma_start3A_67 : memref<1x128xi32, #tpu.memory_space<vmem>> -> memref<128xi32, #tpu.memory_space<vmem>>
          %dma_start3A_69 = arith.constant 0 : i32
          %dma_start3A_70 = arith.constant 0 : i32
          %dma_start3A_71 = tpu.memref_slice %arg11[%dma_start3A_69, %dma_start3A_70] : memref<10112x128xf32, #tpu.memory_space<vmem_shared>> -> memref<10112x128xf32, #tpu.memory_space<vmem_shared>>
          tpu.enqueue_indirect_dma source(%arg9 : memref<128x128xf32, #tpu.memory_space<vmem>>) target(%dma_start3A_71 : memref<10112x128xf32, #tpu.memory_space<vmem_shared>>) offsets(%dma_start3A_68 : memref<128xi32, #tpu.memory_space<vmem>>) semaphore(%run_scoped3A : memref<!tpu.dma_semaphore, #tpu.memory_space<semaphore_mem>>) {add = true}
          %dma_wait3A_72 = arith.constant 0 : i32
          %dma_wait3A_73 = tpu.memref_slice %arg8[%mul3A_40, %dma_wait3A_72] : memref<40x128xi32, #tpu.memory_space<vmem>> -> memref<1x128xi32, #tpu.memory_space<vmem>>
          %dma_wait3A_74 = tpu.memref_squeeze %dma_wait3A_73 : memref<1x128xi32, #tpu.memory_space<vmem>> -> memref<128xi32, #tpu.memory_space<vmem>>
          %dma_wait3A_75 = arith.constant 0 : i32
          %dma_wait3A_76 = arith.constant 0 : i32
          %dma_wait3A_77 = tpu.memref_slice %arg11[%dma_wait3A_75, %dma_wait3A_76] : memref<10112x128xf32, #tpu.memory_space<vmem_shared>> -> memref<10112x128xf32, #tpu.memory_space<vmem_shared>>
          tpu.wait_indirect_dma semaphore(%run_scoped3A : memref<!tpu.dma_semaphore, #tpu.memory_space<semaphore_mem>>) src(%arg9 : memref<128x128xf32, #tpu.memory_space<vmem>>) dst(%dma_wait3A_77 : memref<10112x128xf32, #tpu.memory_space<vmem_shared>>)
          tpu.yield
        }) : () -> ()
        %lt3A = arith.constant 19 : i32
        %lt3A_54 = arith.cmpi slt, %scan3A_38, %lt3A : i32
        %convert_element_type3A = arith.extui %lt3A_54 : i1 to i32
        %cond3A = arith.constant 0 : i32
        %cond3A_55 = arith.cmpi ne, %convert_element_type3A, %cond3A : i32
        scf.if %cond3A_55 {
          %add3A_66 = arith.constant 2 : i32
          %add3A_67 = arith.addi %mul3A_40, %add3A_66 : i32
          %dma_start3A_68 = arith.constant 0 : i32
          %dma_start3A_69 = tpu.memref_slice %arg7[%add3A_67, %dma_start3A_68] : memref<40x128xi32, #tpu.memory_space<vmem>> -> memref<1x128xi32, #tpu.memory_space<vmem>>
          %dma_start3A_70 = tpu.memref_squeeze %dma_start3A_69 : memref<1x128xi32, #tpu.memory_space<vmem>> -> memref<128xi32, #tpu.memory_space<vmem>>
          %dma_start3A_71 = arith.constant 0 : i32
          %dma_start3A_72 = arith.constant 0 : i32
          %dma_start3A_73 = tpu.memref_slice %arg2[%dma_start3A_71, %dma_start3A_72] : memref<10000x128xf32, #tpu.memory_space<hbm>> -> memref<10000x128xf32, #tpu.memory_space<hbm>>
          tpu.enqueue_indirect_dma source(%dma_start3A_73 : memref<10000x128xf32, #tpu.memory_space<hbm>>) target(%arg9 : memref<128x128xf32, #tpu.memory_space<vmem>>) offsets(%dma_start3A_70 : memref<128xi32, #tpu.memory_space<vmem>>) semaphore(%arg12 : memref<!tpu.dma_semaphore, #tpu.memory_space<semaphore_mem>>)
        } else {
        }
        %add3A_56 = arith.constant 1 : i32
        %add3A_57 = arith.addi %mul3A_40, %add3A_56 : i32
        %dma_wait3A_58 = arith.constant 0 : i32
        %dma_wait3A_59 = tpu.memref_slice %arg7[%add3A_57, %dma_wait3A_58] : memref<40x128xi32, #tpu.memory_space<vmem>> -> memref<1x128xi32, #tpu.memory_space<vmem>>
        %dma_wait3A_60 = tpu.memref_squeeze %dma_wait3A_59 : memref<1x128xi32, #tpu.memory_space<vmem>> -> memref<128xi32, #tpu.memory_space<vmem>>
        %dma_wait3A_61 = arith.constant 0 : i32
        %dma_wait3A_62 = arith.constant 0 : i32
        %dma_wait3A_63 = tpu.memref_slice %arg2[%dma_wait3A_61, %dma_wait3A_62] : memref<10000x128xf32, #tpu.memory_space<hbm>> -> memref<10000x128xf32, #tpu.memory_space<hbm>>
        tpu.wait_indirect_dma semaphore(%arg13 : memref<!tpu.dma_semaphore, #tpu.memory_space<semaphore_mem>>) src(%dma_wait3A_63 : memref<10000x128xf32, #tpu.memory_space<hbm>>) dst(%arg10 : memref<128x128xf32, #tpu.memory_space<vmem>>)
        %add3A_64 = arith.constant 1 : i32
        %add3A_65 = arith.addi %mul3A_40, %add3A_64 : i32
        "tpu.region"() ({
          %run_scoped3A = tpu.sem_alloc : memref<!tpu.dma_semaphore, #tpu.memory_space<semaphore_mem>>
          %dma_start3A_66 = arith.constant 0 : i32
          %dma_start3A_67 = tpu.memref_slice %arg8[%add3A_65, %dma_start3A_66] : memref<40x128xi32, #tpu.memory_space<vmem>> -> memref<1x128xi32, #tpu.memory_space<vmem>>
          %dma_start3A_68 = tpu.memref_squeeze %dma_start3A_67 : memref<1x128xi32, #tpu.memory_space<vmem>> -> memref<128xi32, #tpu.memory_space<vmem>>
          %dma_start3A_69 = arith.constant 0 : i32
          %dma_start3A_70 = arith.constant 0 : i32
          %dma_start3A_71 = tpu.memref_slice %arg11[%dma_start3A_69, %dma_start3A_70] : memref<10112x128xf32, #tpu.memory_space<vmem_shared>> -> memref<10112x128xf32, #tpu.memory_space<vmem_shared>>
          tpu.enqueue_indirect_dma source(%arg10 : memref<128x128xf32, #tpu.memory_space<vmem>>) target(%dma_start3A_71 : memref<10112x128xf32, #tpu.memory_space<vmem_shared>>) offsets(%dma_start3A_68 : memref<128xi32, #tpu.memory_space<vmem>>) semaphore(%run_scoped3A : memref<!tpu.dma_semaphore, #tpu.memory_space<semaphore_mem>>) {add = true}
          %dma_wait3A_72 = arith.constant 0 : i32
          %dma_wait3A_73 = tpu.memref_slice %arg8[%add3A_65, %dma_wait3A_72] : memref<40x128xi32, #tpu.memory_space<vmem>> -> memref<1x128xi32, #tpu.memory_space<vmem>>
          %dma_wait3A_74 = tpu.memref_squeeze %dma_wait3A_73 : memref<1x128xi32, #tpu.memory_space<vmem>> -> memref<128xi32, #tpu.memory_space<vmem>>
          %dma_wait3A_75 = arith.constant 0 : i32
          %dma_wait3A_76 = arith.constant 0 : i32
          %dma_wait3A_77 = tpu.memref_slice %arg11[%dma_wait3A_75, %dma_wait3A_76] : memref<10112x128xf32, #tpu.memory_space<vmem_shared>> -> memref<10112x128xf32, #tpu.memory_space<vmem_shared>>
          tpu.wait_indirect_dma semaphore(%run_scoped3A : memref<!tpu.dma_semaphore, #tpu.memory_space<semaphore_mem>>) src(%arg10 : memref<128x128xf32, #tpu.memory_space<vmem>>) dst(%dma_wait3A_77 : memref<10112x128xf32, #tpu.memory_space<vmem_shared>>)
          tpu.yield
        }) : () -> ()
      }
      %scan3A_37 = arith.constant 20 : i32
    }
    %scan3A_9 = arith.constant 2 : i32
    %barrier3A_10 = arith.constant 0 : index
    tpu.barrier barrier_id(%barrier3A_10)
    %mul3A_11 = arith.constant 632 : i32
    %mul3A_12 = arith.muli %arg1, %mul3A_11 : i32
    %mul3A_13 = arith.constant 632 : i32
    %mul3A_14 = arith.muli %arg1, %mul3A_13 : i32
    "tpu.region"() ({
      %run_scoped3A = tpu.sem_alloc : memref<!tpu.dma_semaphore, #tpu.memory_space<semaphore_mem>>
      %dma_start3A = arith.constant 0 : i32
      %dma_start3A_15 = tpu.memref_slice %arg6[%arg0, %mul3A_14, %dma_start3A] : memref<2x10112x128xf32, #tpu.memory_space<hbm>> -> memref<1x632x128xf32, #tpu.memory_space<hbm>>
      %dma_start3A_16 = tpu.memref_squeeze %dma_start3A_15 : memref<1x632x128xf32, #tpu.memory_space<hbm>> -> memref<632x128xf32, #tpu.memory_space<hbm>>
      %dma_start3A_17 = arith.constant 0 : i32
      %dma_start3A_18 = tpu.memref_slice %arg11[%mul3A_12, %dma_start3A_17] : memref<10112x128xf32, #tpu.memory_space<vmem_shared>> -> memref<632x128xf32, #tpu.memory_space<vmem_shared>>
      tpu.enqueue_dma source(%dma_start3A_18 : memref<632x128xf32, #tpu.memory_space<vmem_shared>>) target(%dma_start3A_16 : memref<632x128xf32, #tpu.memory_space<hbm>>) target_semaphore(%run_scoped3A : memref<!tpu.dma_semaphore, #tpu.memory_space<semaphore_mem>>)
      %dma_wait3A = arith.constant 0 : i32
      %dma_wait3A_19 = tpu.memref_slice %arg6[%arg0, %mul3A_14, %dma_wait3A] : memref<2x10112x128xf32, #tpu.memory_space<hbm>> -> memref<1x632x128xf32, #tpu.memory_space<hbm>>
      %dma_wait3A_20 = tpu.memref_squeeze %dma_wait3A_19 : memref<1x632x128xf32, #tpu.memory_space<hbm>> -> memref<632x128xf32, #tpu.memory_space<hbm>>
      %dma_wait3A_21 = arith.constant 0 : i32
      %dma_wait3A_22 = tpu.memref_slice %arg11[%mul3A_12, %dma_wait3A_21] : memref<10112x128xf32, #tpu.memory_space<vmem_shared>> -> memref<632x128xf32, #tpu.memory_space<vmem_shared>>
      tpu.wait_dma2 semaphore(%run_scoped3A : memref<!tpu.dma_semaphore, #tpu.memory_space<semaphore_mem>>) src(%dma_wait3A_22 : memref<632x128xf32, #tpu.memory_space<vmem_shared>>) dst(%dma_wait3A_20 : memref<632x128xf32, #tpu.memory_space<hbm>>)
      tpu.yield
    }) : () -> ()
    return
  }
}

#map = affine_map<(d0, d1) -> (0, 0)>
#map1 = affine_map<(d0, d1) -> (0, 0, 0)>
module attributes {stable_mosaic.version = 14 : i64} {
  func.func @_sc_degree_body(%arg0: i32, %arg1: i32, %arg2: memref<2560x128xi32, #tpu.memory_space<hbm>>, %arg3: memref<128x128xf32, #tpu.memory_space<hbm>>, %arg4: memref<10112x128xf32, #tpu.memory_space<hbm>>, %arg5: memref<2x10112x128xf32, #tpu.memory_space<hbm>>, %arg6: memref<80x128xi32, #tpu.memory_space<vmem>>, %arg7: memref<128x128xf32, #tpu.memory_space<vmem>>, %arg8: memref<10112x128xf32, #tpu.memory_space<vmem_shared>>, %arg9: memref<!tpu.dma_semaphore, #tpu.memory_space<semaphore_mem>>) attributes {dimension_semantics = [#tpu.dimension_semantics<core_parallel>, #tpu.dimension_semantics<subcore_parallel>], iteration_bounds = array<i64: 2, 16>, scalar_prefetch = 0 : i64, scratch_operands = 4 : i64, tpu.core_type = #tpu.core_type<sc_vector_subcore>, window_params = [{transform_indices = #map}, {transform_indices = #map}, {transform_indices = #map}, {transform_indices = #map1}]} {
    %mul3A = arith.constant 2 : i32
    %mul3A_0 = arith.muli %arg1, %mul3A : i32
    %add3A = arith.addi %mul3A_0, %arg0 : i32
    %mul3A_1 = arith.constant 632 : i32
    %mul3A_2 = arith.muli %arg1, %mul3A_1 : i32
    %mul3A_3 = arith.constant 632 : i32
    %mul3A_4 = arith.muli %arg1, %mul3A_3 : i32
    "tpu.region"() ({
      %run_scoped3A = tpu.sem_alloc : memref<!tpu.dma_semaphore, #tpu.memory_space<semaphore_mem>>
      %dma_start3A = arith.constant 0 : i32
      %dma_start3A_17 = tpu.memref_slice %arg8[%mul3A_4, %dma_start3A] : memref<10112x128xf32, #tpu.memory_space<vmem_shared>> -> memref<632x128xf32, #tpu.memory_space<vmem_shared>>
      %dma_start3A_18 = arith.constant 0 : i32
      %dma_start3A_19 = tpu.memref_slice %arg4[%mul3A_2, %dma_start3A_18] : memref<10112x128xf32, #tpu.memory_space<hbm>> -> memref<632x128xf32, #tpu.memory_space<hbm>>
      tpu.enqueue_dma source(%dma_start3A_19 : memref<632x128xf32, #tpu.memory_space<hbm>>) target(%dma_start3A_17 : memref<632x128xf32, #tpu.memory_space<vmem_shared>>) target_semaphore(%run_scoped3A : memref<!tpu.dma_semaphore, #tpu.memory_space<semaphore_mem>>)
      %dma_wait3A = arith.constant 0 : i32
      %dma_wait3A_20 = tpu.memref_slice %arg8[%mul3A_4, %dma_wait3A] : memref<10112x128xf32, #tpu.memory_space<vmem_shared>> -> memref<632x128xf32, #tpu.memory_space<vmem_shared>>
      %dma_wait3A_21 = arith.constant 0 : i32
      %dma_wait3A_22 = tpu.memref_slice %arg4[%mul3A_2, %dma_wait3A_21] : memref<10112x128xf32, #tpu.memory_space<hbm>> -> memref<632x128xf32, #tpu.memory_space<hbm>>
      tpu.wait_dma2 semaphore(%run_scoped3A : memref<!tpu.dma_semaphore, #tpu.memory_space<semaphore_mem>>) src(%dma_wait3A_22 : memref<632x128xf32, #tpu.memory_space<hbm>>) dst(%dma_wait3A_20 : memref<632x128xf32, #tpu.memory_space<vmem_shared>>)
      tpu.yield
    }) : () -> ()
    "tpu.region"() ({
      %run_scoped3A = tpu.sem_alloc : memref<!tpu.dma_semaphore, #tpu.memory_space<semaphore_mem>>
      tpu.enqueue_dma source(%arg3 : memref<128x128xf32, #tpu.memory_space<hbm>>) target(%arg7 : memref<128x128xf32, #tpu.memory_space<vmem>>) target_semaphore(%run_scoped3A : memref<!tpu.dma_semaphore, #tpu.memory_space<semaphore_mem>>)
      tpu.wait_dma2 semaphore(%run_scoped3A : memref<!tpu.dma_semaphore, #tpu.memory_space<semaphore_mem>>) src(%arg3 : memref<128x128xf32, #tpu.memory_space<hbm>>) dst(%arg7 : memref<128x128xf32, #tpu.memory_space<vmem>>)
      tpu.yield
    }) : () -> ()
    %mul3A_5 = arith.constant 80 : i32
    %mul3A_6 = arith.muli %add3A, %mul3A_5 : i32
    "tpu.region"() ({
      %run_scoped3A = tpu.sem_alloc : memref<!tpu.dma_semaphore, #tpu.memory_space<semaphore_mem>>
      %dma_start3A = arith.constant 0 : i32
      %dma_start3A_17 = tpu.memref_slice %arg2[%mul3A_6, %dma_start3A] : memref<2560x128xi32, #tpu.memory_space<hbm>> -> memref<80x128xi32, #tpu.memory_space<hbm>>
      %dma_start3A_18 = arith.constant 0 : i32
      %dma_start3A_19 = tpu.memref_slice %arg2[%mul3A_6, %dma_start3A_18] : memref<2560x128xi32, #tpu.memory_space<hbm>> -> memref<80x128xi32, #tpu.memory_space<hbm>>
      tpu.enqueue_dma source(%dma_start3A_19 : memref<80x128xi32, #tpu.memory_space<hbm>>) target(%arg6 : memref<80x128xi32, #tpu.memory_space<vmem>>) target_semaphore(%run_scoped3A : memref<!tpu.dma_semaphore, #tpu.memory_space<semaphore_mem>>)
      %dma_wait3A = arith.constant 0 : i32
      %dma_wait3A_20 = tpu.memref_slice %arg2[%mul3A_6, %dma_wait3A] : memref<2560x128xi32, #tpu.memory_space<hbm>> -> memref<80x128xi32, #tpu.memory_space<hbm>>
      %dma_wait3A_21 = arith.constant 0 : i32
      %dma_wait3A_22 = tpu.memref_slice %arg2[%mul3A_6, %dma_wait3A_21] : memref<2560x128xi32, #tpu.memory_space<hbm>> -> memref<80x128xi32, #tpu.memory_space<hbm>>
      tpu.wait_dma2 semaphore(%run_scoped3A : memref<!tpu.dma_semaphore, #tpu.memory_space<semaphore_mem>>) src(%dma_wait3A_22 : memref<80x128xi32, #tpu.memory_space<hbm>>) dst(%arg6 : memref<80x128xi32, #tpu.memory_space<vmem>>)
      tpu.yield
    }) : () -> ()
    %barrier3A = arith.constant 0 : index
    tpu.barrier barrier_id(%barrier3A)
    %scan3A = arith.constant 0 : i32
    %scan3A_7 = arith.constant 0 : i32
    %scan3A_8 = arith.constant 80 : i32
    %scan3A_9 = arith.addi %scan3A_7, %scan3A_8 : i32
    %scan3A_10 = arith.constant 1 : i32
    scf.for %scan3A_17 = %scan3A_7 to %scan3A_9 step %scan3A_10  : i32 {
      "tpu.region"() ({
        %run_scoped3A = tpu.sem_alloc : memref<!tpu.dma_semaphore, #tpu.memory_space<semaphore_mem>>
        %dma_start3A = arith.constant 0 : i32
        %dma_start3A_18 = tpu.memref_slice %arg6[%scan3A_17, %dma_start3A] : memref<80x128xi32, #tpu.memory_space<vmem>> -> memref<1x128xi32, #tpu.memory_space<vmem>>
        %dma_start3A_19 = tpu.memref_squeeze %dma_start3A_18 : memref<1x128xi32, #tpu.memory_space<vmem>> -> memref<128xi32, #tpu.memory_space<vmem>>
        %dma_start3A_20 = arith.constant 0 : i32
        %dma_start3A_21 = arith.constant 0 : i32
        %dma_start3A_22 = tpu.memref_slice %arg8[%dma_start3A_20, %dma_start3A_21] : memref<10112x128xf32, #tpu.memory_space<vmem_shared>> -> memref<10112x128xf32, #tpu.memory_space<vmem_shared>>
        tpu.enqueue_indirect_dma source(%arg7 : memref<128x128xf32, #tpu.memory_space<vmem>>) target(%dma_start3A_22 : memref<10112x128xf32, #tpu.memory_space<vmem_shared>>) offsets(%dma_start3A_19 : memref<128xi32, #tpu.memory_space<vmem>>) semaphore(%run_scoped3A : memref<!tpu.dma_semaphore, #tpu.memory_space<semaphore_mem>>) {add = true}
        %dma_wait3A = arith.constant 0 : i32
        %dma_wait3A_23 = tpu.memref_slice %arg6[%scan3A_17, %dma_wait3A] : memref<80x128xi32, #tpu.memory_space<vmem>> -> memref<1x128xi32, #tpu.memory_space<vmem>>
        %dma_wait3A_24 = tpu.memref_squeeze %dma_wait3A_23 : memref<1x128xi32, #tpu.memory_space<vmem>> -> memref<128xi32, #tpu.memory_space<vmem>>
        %dma_wait3A_25 = arith.constant 0 : i32
        %dma_wait3A_26 = arith.constant 0 : i32
        %dma_wait3A_27 = tpu.memref_slice %arg8[%dma_wait3A_25, %dma_wait3A_26] : memref<10112x128xf32, #tpu.memory_space<vmem_shared>> -> memref<10112x128xf32, #tpu.memory_space<vmem_shared>>
        tpu.wait_indirect_dma semaphore(%run_scoped3A : memref<!tpu.dma_semaphore, #tpu.memory_space<semaphore_mem>>) src(%arg7 : memref<128x128xf32, #tpu.memory_space<vmem>>) dst(%dma_wait3A_27 : memref<10112x128xf32, #tpu.memory_space<vmem_shared>>)
        tpu.yield
      }) : () -> ()
    }
    %scan3A_11 = arith.constant 80 : i32
    %barrier3A_12 = arith.constant 0 : index
    tpu.barrier barrier_id(%barrier3A_12)
    %mul3A_13 = arith.constant 632 : i32
    %mul3A_14 = arith.muli %arg1, %mul3A_13 : i32
    %mul3A_15 = arith.constant 632 : i32
    %mul3A_16 = arith.muli %arg1, %mul3A_15 : i32
    "tpu.region"() ({
      %run_scoped3A = tpu.sem_alloc : memref<!tpu.dma_semaphore, #tpu.memory_space<semaphore_mem>>
      %dma_start3A = arith.constant 0 : i32
      %dma_start3A_17 = tpu.memref_slice %arg5[%arg0, %mul3A_16, %dma_start3A] : memref<2x10112x128xf32, #tpu.memory_space<hbm>> -> memref<1x632x128xf32, #tpu.memory_space<hbm>>
      %dma_start3A_18 = tpu.memref_squeeze %dma_start3A_17 : memref<1x632x128xf32, #tpu.memory_space<hbm>> -> memref<632x128xf32, #tpu.memory_space<hbm>>
      %dma_start3A_19 = arith.constant 0 : i32
      %dma_start3A_20 = tpu.memref_slice %arg8[%mul3A_14, %dma_start3A_19] : memref<10112x128xf32, #tpu.memory_space<vmem_shared>> -> memref<632x128xf32, #tpu.memory_space<vmem_shared>>
      tpu.enqueue_dma source(%dma_start3A_20 : memref<632x128xf32, #tpu.memory_space<vmem_shared>>) target(%dma_start3A_18 : memref<632x128xf32, #tpu.memory_space<hbm>>) target_semaphore(%run_scoped3A : memref<!tpu.dma_semaphore, #tpu.memory_space<semaphore_mem>>)
      %dma_wait3A = arith.constant 0 : i32
      %dma_wait3A_21 = tpu.memref_slice %arg5[%arg0, %mul3A_16, %dma_wait3A] : memref<2x10112x128xf32, #tpu.memory_space<hbm>> -> memref<1x632x128xf32, #tpu.memory_space<hbm>>
      %dma_wait3A_22 = tpu.memref_squeeze %dma_wait3A_21 : memref<1x632x128xf32, #tpu.memory_space<hbm>> -> memref<632x128xf32, #tpu.memory_space<hbm>>
      %dma_wait3A_23 = arith.constant 0 : i32
      %dma_wait3A_24 = tpu.memref_slice %arg8[%mul3A_14, %dma_wait3A_23] : memref<10112x128xf32, #tpu.memory_space<vmem_shared>> -> memref<632x128xf32, #tpu.memory_space<vmem_shared>>
      tpu.wait_dma2 semaphore(%run_scoped3A : memref<!tpu.dma_semaphore, #tpu.memory_space<semaphore_mem>>) src(%dma_wait3A_24 : memref<632x128xf32, #tpu.memory_space<vmem_shared>>) dst(%dma_wait3A_22 : memref<632x128xf32, #tpu.memory_space<hbm>>)
      tpu.yield
    }) : () -> ()
    return
  }
}

#map = affine_map<(d0, d1) -> (0, 0)>
#map1 = affine_map<(d0, d1) -> (0, 0, 0)>
module attributes {stable_mosaic.version = 14 : i64} {
  func.func @_sc_aggregate_body(%arg0: i32, %arg1: i32, %arg2: memref<10000x128xf32, #tpu.memory_space<hbm>>, %arg3: memref<2560x128xi32, #tpu.memory_space<hbm>>, %arg4: memref<2560x128xi32, #tpu.memory_space<hbm>>, %arg5: memref<10112x128xf32, #tpu.memory_space<hbm>>, %arg6: memref<2x10112x128xf32, #tpu.memory_space<hbm>>, %arg7: memref<40x128xi32, #tpu.memory_space<vmem>>, %arg8: memref<40x128xi32, #tpu.memory_space<vmem>>, %arg9: memref<128x128xf32, #tpu.memory_space<vmem>>, %arg10: memref<128x128xf32, #tpu.memory_space<vmem>>, %arg11: memref<10112x128xf32, #tpu.memory_space<vmem_shared>>, %arg12: memref<!tpu.dma_semaphore, #tpu.memory_space<semaphore_mem>>, %arg13: memref<!tpu.dma_semaphore, #tpu.memory_space<semaphore_mem>>) attributes {dimension_semantics = [#tpu.dimension_semantics<core_parallel>, #tpu.dimension_semantics<subcore_parallel>], iteration_bounds = array<i64: 2, 16>, scalar_prefetch = 0 : i64, scratch_operands = 7 : i64, tpu.core_type = #tpu.core_type<sc_vector_subcore>, window_params = [{transform_indices = #map}, {transform_indices = #map}, {transform_indices = #map}, {transform_indices = #map}, {transform_indices = #map1}]} {
    %mul3A = arith.constant 2 : i32
    %mul3A_0 = arith.muli %arg1, %mul3A : i32
    %add3A = arith.addi %mul3A_0, %arg0 : i32
    %mul3A_1 = arith.constant 632 : i32
    %mul3A_2 = arith.muli %arg1, %mul3A_1 : i32
    %mul3A_3 = arith.constant 632 : i32
    %mul3A_4 = arith.muli %arg1, %mul3A_3 : i32
    "tpu.region"() ({
      %run_scoped3A = tpu.sem_alloc : memref<!tpu.dma_semaphore, #tpu.memory_space<semaphore_mem>>
      %dma_start3A = arith.constant 0 : i32
      %dma_start3A_15 = tpu.memref_slice %arg11[%mul3A_4, %dma_start3A] : memref<10112x128xf32, #tpu.memory_space<vmem_shared>> -> memref<632x128xf32, #tpu.memory_space<vmem_shared>>
      %dma_start3A_16 = arith.constant 0 : i32
      %dma_start3A_17 = tpu.memref_slice %arg5[%mul3A_2, %dma_start3A_16] : memref<10112x128xf32, #tpu.memory_space<hbm>> -> memref<632x128xf32, #tpu.memory_space<hbm>>
      tpu.enqueue_dma source(%dma_start3A_17 : memref<632x128xf32, #tpu.memory_space<hbm>>) target(%dma_start3A_15 : memref<632x128xf32, #tpu.memory_space<vmem_shared>>) target_semaphore(%run_scoped3A : memref<!tpu.dma_semaphore, #tpu.memory_space<semaphore_mem>>)
      %dma_wait3A = arith.constant 0 : i32
      %dma_wait3A_18 = tpu.memref_slice %arg11[%mul3A_4, %dma_wait3A] : memref<10112x128xf32, #tpu.memory_space<vmem_shared>> -> memref<632x128xf32, #tpu.memory_space<vmem_shared>>
      %dma_wait3A_19 = arith.constant 0 : i32
      %dma_wait3A_20 = tpu.memref_slice %arg5[%mul3A_2, %dma_wait3A_19] : memref<10112x128xf32, #tpu.memory_space<hbm>> -> memref<632x128xf32, #tpu.memory_space<hbm>>
      tpu.wait_dma2 semaphore(%run_scoped3A : memref<!tpu.dma_semaphore, #tpu.memory_space<semaphore_mem>>) src(%dma_wait3A_20 : memref<632x128xf32, #tpu.memory_space<hbm>>) dst(%dma_wait3A_18 : memref<632x128xf32, #tpu.memory_space<vmem_shared>>)
      tpu.yield
    }) : () -> ()
    %barrier3A = arith.constant 0 : index
    tpu.barrier barrier_id(%barrier3A)
    %scan3A = arith.constant 0 : i32
    %scan3A_5 = arith.constant 0 : i32
    %scan3A_6 = arith.constant 2 : i32
    %scan3A_7 = arith.addi %scan3A_5, %scan3A_6 : i32
    %scan3A_8 = arith.constant 1 : i32
    scf.for %scan3A_15 = %scan3A_5 to %scan3A_7 step %scan3A_8  : i32 {
      %mul3A_16 = arith.constant 80 : i32
      %mul3A_17 = arith.muli %add3A, %mul3A_16 : i32
      %mul3A_18 = arith.constant 40 : i32
      %mul3A_19 = arith.muli %scan3A_15, %mul3A_18 : i32
      %add3A_20 = arith.addi %mul3A_17, %mul3A_19 : i32
      "tpu.region"() ({
        %run_scoped3A = tpu.sem_alloc : memref<!tpu.dma_semaphore, #tpu.memory_space<semaphore_mem>>
        %dma_start3A_38 = arith.constant 0 : i32
        %dma_start3A_39 = tpu.memref_slice %arg3[%add3A_20, %dma_start3A_38] : memref<2560x128xi32, #tpu.memory_space<hbm>> -> memref<40x128xi32, #tpu.memory_space<hbm>>
        %dma_start3A_40 = arith.constant 0 : i32
        %dma_start3A_41 = tpu.memref_slice %arg3[%add3A_20, %dma_start3A_40] : memref<2560x128xi32, #tpu.memory_space<hbm>> -> memref<40x128xi32, #tpu.memory_space<hbm>>
        tpu.enqueue_dma source(%dma_start3A_41 : memref<40x128xi32, #tpu.memory_space<hbm>>) target(%arg7 : memref<40x128xi32, #tpu.memory_space<vmem>>) target_semaphore(%run_scoped3A : memref<!tpu.dma_semaphore, #tpu.memory_space<semaphore_mem>>)
        %dma_wait3A = arith.constant 0 : i32
        %dma_wait3A_42 = tpu.memref_slice %arg3[%add3A_20, %dma_wait3A] : memref<2560x128xi32, #tpu.memory_space<hbm>> -> memref<40x128xi32, #tpu.memory_space<hbm>>
        %dma_wait3A_43 = arith.constant 0 : i32
        %dma_wait3A_44 = tpu.memref_slice %arg3[%add3A_20, %dma_wait3A_43] : memref<2560x128xi32, #tpu.memory_space<hbm>> -> memref<40x128xi32, #tpu.memory_space<hbm>>
        tpu.wait_dma2 semaphore(%run_scoped3A : memref<!tpu.dma_semaphore, #tpu.memory_space<semaphore_mem>>) src(%dma_wait3A_44 : memref<40x128xi32, #tpu.memory_space<hbm>>) dst(%arg7 : memref<40x128xi32, #tpu.memory_space<vmem>>)
        tpu.yield
      }) : () -> ()
      %mul3A_21 = arith.constant 80 : i32
      %mul3A_22 = arith.muli %add3A, %mul3A_21 : i32
      %mul3A_23 = arith.constant 40 : i32
      %mul3A_24 = arith.muli %scan3A_15, %mul3A_23 : i32
      %add3A_25 = arith.addi %mul3A_22, %mul3A_24 : i32
      "tpu.region"() ({
        %run_scoped3A = tpu.sem_alloc : memref<!tpu.dma_semaphore, #tpu.memory_space<semaphore_mem>>
        %dma_start3A_38 = arith.constant 0 : i32
        %dma_start3A_39 = tpu.memref_slice %arg4[%add3A_25, %dma_start3A_38] : memref<2560x128xi32, #tpu.memory_space<hbm>> -> memref<40x128xi32, #tpu.memory_space<hbm>>
        %dma_start3A_40 = arith.constant 0 : i32
        %dma_start3A_41 = tpu.memref_slice %arg4[%add3A_25, %dma_start3A_40] : memref<2560x128xi32, #tpu.memory_space<hbm>> -> memref<40x128xi32, #tpu.memory_space<hbm>>
        tpu.enqueue_dma source(%dma_start3A_41 : memref<40x128xi32, #tpu.memory_space<hbm>>) target(%arg8 : memref<40x128xi32, #tpu.memory_space<vmem>>) target_semaphore(%run_scoped3A : memref<!tpu.dma_semaphore, #tpu.memory_space<semaphore_mem>>)
        %dma_wait3A = arith.constant 0 : i32
        %dma_wait3A_42 = tpu.memref_slice %arg4[%add3A_25, %dma_wait3A] : memref<2560x128xi32, #tpu.memory_space<hbm>> -> memref<40x128xi32, #tpu.memory_space<hbm>>
        %dma_wait3A_43 = arith.constant 0 : i32
        %dma_wait3A_44 = tpu.memref_slice %arg4[%add3A_25, %dma_wait3A_43] : memref<2560x128xi32, #tpu.memory_space<hbm>> -> memref<40x128xi32, #tpu.memory_space<hbm>>
        tpu.wait_dma2 semaphore(%run_scoped3A : memref<!tpu.dma_semaphore, #tpu.memory_space<semaphore_mem>>) src(%dma_wait3A_44 : memref<40x128xi32, #tpu.memory_space<hbm>>) dst(%arg8 : memref<40x128xi32, #tpu.memory_space<vmem>>)
        tpu.yield
      }) : () -> ()
      %dma_start3A = arith.constant 0 : i32
      %dma_start3A_26 = arith.constant 0 : i32
      %dma_start3A_27 = tpu.memref_slice %arg7[%dma_start3A, %dma_start3A_26] : memref<40x128xi32, #tpu.memory_space<vmem>> -> memref<1x128xi32, #tpu.memory_space<vmem>>
      %dma_start3A_28 = tpu.memref_squeeze %dma_start3A_27 : memref<1x128xi32, #tpu.memory_space<vmem>> -> memref<128xi32, #tpu.memory_space<vmem>>
      %dma_start3A_29 = arith.constant 0 : i32
      %dma_start3A_30 = arith.constant 0 : i32
      %dma_start3A_31 = tpu.memref_slice %arg2[%dma_start3A_29, %dma_start3A_30] : memref<10000x128xf32, #tpu.memory_space<hbm>> -> memref<10000x128xf32, #tpu.memory_space<hbm>>
      tpu.enqueue_indirect_dma source(%dma_start3A_31 : memref<10000x128xf32, #tpu.memory_space<hbm>>) target(%arg9 : memref<128x128xf32, #tpu.memory_space<vmem>>) offsets(%dma_start3A_28 : memref<128xi32, #tpu.memory_space<vmem>>) semaphore(%arg12 : memref<!tpu.dma_semaphore, #tpu.memory_space<semaphore_mem>>)
      %scan3A_32 = arith.constant 0 : i32
      %scan3A_33 = arith.constant 0 : i32
      %scan3A_34 = arith.constant 20 : i32
      %scan3A_35 = arith.addi %scan3A_33, %scan3A_34 : i32
      %scan3A_36 = arith.constant 1 : i32
      scf.for %scan3A_38 = %scan3A_33 to %scan3A_35 step %scan3A_36  : i32 {
        %mul3A_39 = arith.constant 2 : i32
        %mul3A_40 = arith.muli %mul3A_39, %scan3A_38 : i32
        %add3A_41 = arith.constant 1 : i32
        %add3A_42 = arith.addi %mul3A_40, %add3A_41 : i32
        %dma_start3A_43 = arith.constant 0 : i32
        %dma_start3A_44 = tpu.memref_slice %arg7[%add3A_42, %dma_start3A_43] : memref<40x128xi32, #tpu.memory_space<vmem>> -> memref<1x128xi32, #tpu.memory_space<vmem>>
        %dma_start3A_45 = tpu.memref_squeeze %dma_start3A_44 : memref<1x128xi32, #tpu.memory_space<vmem>> -> memref<128xi32, #tpu.memory_space<vmem>>
        %dma_start3A_46 = arith.constant 0 : i32
        %dma_start3A_47 = arith.constant 0 : i32
        %dma_start3A_48 = tpu.memref_slice %arg2[%dma_start3A_46, %dma_start3A_47] : memref<10000x128xf32, #tpu.memory_space<hbm>> -> memref<10000x128xf32, #tpu.memory_space<hbm>>
        tpu.enqueue_indirect_dma source(%dma_start3A_48 : memref<10000x128xf32, #tpu.memory_space<hbm>>) target(%arg10 : memref<128x128xf32, #tpu.memory_space<vmem>>) offsets(%dma_start3A_45 : memref<128xi32, #tpu.memory_space<vmem>>) semaphore(%arg13 : memref<!tpu.dma_semaphore, #tpu.memory_space<semaphore_mem>>)
        %dma_wait3A = arith.constant 0 : i32
        %dma_wait3A_49 = tpu.memref_slice %arg7[%mul3A_40, %dma_wait3A] : memref<40x128xi32, #tpu.memory_space<vmem>> -> memref<1x128xi32, #tpu.memory_space<vmem>>
        %dma_wait3A_50 = tpu.memref_squeeze %dma_wait3A_49 : memref<1x128xi32, #tpu.memory_space<vmem>> -> memref<128xi32, #tpu.memory_space<vmem>>
        %dma_wait3A_51 = arith.constant 0 : i32
        %dma_wait3A_52 = arith.constant 0 : i32
        %dma_wait3A_53 = tpu.memref_slice %arg2[%dma_wait3A_51, %dma_wait3A_52] : memref<10000x128xf32, #tpu.memory_space<hbm>> -> memref<10000x128xf32, #tpu.memory_space<hbm>>
        tpu.wait_indirect_dma semaphore(%arg12 : memref<!tpu.dma_semaphore, #tpu.memory_space<semaphore_mem>>) src(%dma_wait3A_53 : memref<10000x128xf32, #tpu.memory_space<hbm>>) dst(%arg9 : memref<128x128xf32, #tpu.memory_space<vmem>>)
        "tpu.region"() ({
          %run_scoped3A = tpu.sem_alloc : memref<!tpu.dma_semaphore, #tpu.memory_space<semaphore_mem>>
          %dma_start3A_66 = arith.constant 0 : i32
          %dma_start3A_67 = tpu.memref_slice %arg8[%mul3A_40, %dma_start3A_66] : memref<40x128xi32, #tpu.memory_space<vmem>> -> memref<1x128xi32, #tpu.memory_space<vmem>>
          %dma_start3A_68 = tpu.memref_squeeze %dma_start3A_67 : memref<1x128xi32, #tpu.memory_space<vmem>> -> memref<128xi32, #tpu.memory_space<vmem>>
          %dma_start3A_69 = arith.constant 0 : i32
          %dma_start3A_70 = arith.constant 0 : i32
          %dma_start3A_71 = tpu.memref_slice %arg11[%dma_start3A_69, %dma_start3A_70] : memref<10112x128xf32, #tpu.memory_space<vmem_shared>> -> memref<10112x128xf32, #tpu.memory_space<vmem_shared>>
          tpu.enqueue_indirect_dma source(%arg9 : memref<128x128xf32, #tpu.memory_space<vmem>>) target(%dma_start3A_71 : memref<10112x128xf32, #tpu.memory_space<vmem_shared>>) offsets(%dma_start3A_68 : memref<128xi32, #tpu.memory_space<vmem>>) semaphore(%run_scoped3A : memref<!tpu.dma_semaphore, #tpu.memory_space<semaphore_mem>>) {add = true}
          %dma_wait3A_72 = arith.constant 0 : i32
          %dma_wait3A_73 = tpu.memref_slice %arg8[%mul3A_40, %dma_wait3A_72] : memref<40x128xi32, #tpu.memory_space<vmem>> -> memref<1x128xi32, #tpu.memory_space<vmem>>
          %dma_wait3A_74 = tpu.memref_squeeze %dma_wait3A_73 : memref<1x128xi32, #tpu.memory_space<vmem>> -> memref<128xi32, #tpu.memory_space<vmem>>
          %dma_wait3A_75 = arith.constant 0 : i32
          %dma_wait3A_76 = arith.constant 0 : i32
          %dma_wait3A_77 = tpu.memref_slice %arg11[%dma_wait3A_75, %dma_wait3A_76] : memref<10112x128xf32, #tpu.memory_space<vmem_shared>> -> memref<10112x128xf32, #tpu.memory_space<vmem_shared>>
          tpu.wait_indirect_dma semaphore(%run_scoped3A : memref<!tpu.dma_semaphore, #tpu.memory_space<semaphore_mem>>) src(%arg9 : memref<128x128xf32, #tpu.memory_space<vmem>>) dst(%dma_wait3A_77 : memref<10112x128xf32, #tpu.memory_space<vmem_shared>>)
          tpu.yield
        }) : () -> ()
        %lt3A = arith.constant 19 : i32
        %lt3A_54 = arith.cmpi slt, %scan3A_38, %lt3A : i32
        %convert_element_type3A = arith.extui %lt3A_54 : i1 to i32
        %cond3A = arith.constant 0 : i32
        %cond3A_55 = arith.cmpi ne, %convert_element_type3A, %cond3A : i32
        scf.if %cond3A_55 {
          %add3A_66 = arith.constant 2 : i32
          %add3A_67 = arith.addi %mul3A_40, %add3A_66 : i32
          %dma_start3A_68 = arith.constant 0 : i32
          %dma_start3A_69 = tpu.memref_slice %arg7[%add3A_67, %dma_start3A_68] : memref<40x128xi32, #tpu.memory_space<vmem>> -> memref<1x128xi32, #tpu.memory_space<vmem>>
          %dma_start3A_70 = tpu.memref_squeeze %dma_start3A_69 : memref<1x128xi32, #tpu.memory_space<vmem>> -> memref<128xi32, #tpu.memory_space<vmem>>
          %dma_start3A_71 = arith.constant 0 : i32
          %dma_start3A_72 = arith.constant 0 : i32
          %dma_start3A_73 = tpu.memref_slice %arg2[%dma_start3A_71, %dma_start3A_72] : memref<10000x128xf32, #tpu.memory_space<hbm>> -> memref<10000x128xf32, #tpu.memory_space<hbm>>
          tpu.enqueue_indirect_dma source(%dma_start3A_73 : memref<10000x128xf32, #tpu.memory_space<hbm>>) target(%arg9 : memref<128x128xf32, #tpu.memory_space<vmem>>) offsets(%dma_start3A_70 : memref<128xi32, #tpu.memory_space<vmem>>) semaphore(%arg12 : memref<!tpu.dma_semaphore, #tpu.memory_space<semaphore_mem>>)
        } else {
        }
        %add3A_56 = arith.constant 1 : i32
        %add3A_57 = arith.addi %mul3A_40, %add3A_56 : i32
        %dma_wait3A_58 = arith.constant 0 : i32
        %dma_wait3A_59 = tpu.memref_slice %arg7[%add3A_57, %dma_wait3A_58] : memref<40x128xi32, #tpu.memory_space<vmem>> -> memref<1x128xi32, #tpu.memory_space<vmem>>
        %dma_wait3A_60 = tpu.memref_squeeze %dma_wait3A_59 : memref<1x128xi32, #tpu.memory_space<vmem>> -> memref<128xi32, #tpu.memory_space<vmem>>
        %dma_wait3A_61 = arith.constant 0 : i32
        %dma_wait3A_62 = arith.constant 0 : i32
        %dma_wait3A_63 = tpu.memref_slice %arg2[%dma_wait3A_61, %dma_wait3A_62] : memref<10000x128xf32, #tpu.memory_space<hbm>> -> memref<10000x128xf32, #tpu.memory_space<hbm>>
        tpu.wait_indirect_dma semaphore(%arg13 : memref<!tpu.dma_semaphore, #tpu.memory_space<semaphore_mem>>) src(%dma_wait3A_63 : memref<10000x128xf32, #tpu.memory_space<hbm>>) dst(%arg10 : memref<128x128xf32, #tpu.memory_space<vmem>>)
        %add3A_64 = arith.constant 1 : i32
        %add3A_65 = arith.addi %mul3A_40, %add3A_64 : i32
        "tpu.region"() ({
          %run_scoped3A = tpu.sem_alloc : memref<!tpu.dma_semaphore, #tpu.memory_space<semaphore_mem>>
          %dma_start3A_66 = arith.constant 0 : i32
          %dma_start3A_67 = tpu.memref_slice %arg8[%add3A_65, %dma_start3A_66] : memref<40x128xi32, #tpu.memory_space<vmem>> -> memref<1x128xi32, #tpu.memory_space<vmem>>
          %dma_start3A_68 = tpu.memref_squeeze %dma_start3A_67 : memref<1x128xi32, #tpu.memory_space<vmem>> -> memref<128xi32, #tpu.memory_space<vmem>>
          %dma_start3A_69 = arith.constant 0 : i32
          %dma_start3A_70 = arith.constant 0 : i32
          %dma_start3A_71 = tpu.memref_slice %arg11[%dma_start3A_69, %dma_start3A_70] : memref<10112x128xf32, #tpu.memory_space<vmem_shared>> -> memref<10112x128xf32, #tpu.memory_space<vmem_shared>>
          tpu.enqueue_indirect_dma source(%arg10 : memref<128x128xf32, #tpu.memory_space<vmem>>) target(%dma_start3A_71 : memref<10112x128xf32, #tpu.memory_space<vmem_shared>>) offsets(%dma_start3A_68 : memref<128xi32, #tpu.memory_space<vmem>>) semaphore(%run_scoped3A : memref<!tpu.dma_semaphore, #tpu.memory_space<semaphore_mem>>) {add = true}
          %dma_wait3A_72 = arith.constant 0 : i32
          %dma_wait3A_73 = tpu.memref_slice %arg8[%add3A_65, %dma_wait3A_72] : memref<40x128xi32, #tpu.memory_space<vmem>> -> memref<1x128xi32, #tpu.memory_space<vmem>>
          %dma_wait3A_74 = tpu.memref_squeeze %dma_wait3A_73 : memref<1x128xi32, #tpu.memory_space<vmem>> -> memref<128xi32, #tpu.memory_space<vmem>>
          %dma_wait3A_75 = arith.constant 0 : i32
          %dma_wait3A_76 = arith.constant 0 : i32
          %dma_wait3A_77 = tpu.memref_slice %arg11[%dma_wait3A_75, %dma_wait3A_76] : memref<10112x128xf32, #tpu.memory_space<vmem_shared>> -> memref<10112x128xf32, #tpu.memory_space<vmem_shared>>
          tpu.wait_indirect_dma semaphore(%run_scoped3A : memref<!tpu.dma_semaphore, #tpu.memory_space<semaphore_mem>>) src(%arg10 : memref<128x128xf32, #tpu.memory_space<vmem>>) dst(%dma_wait3A_77 : memref<10112x128xf32, #tpu.memory_space<vmem_shared>>)
          tpu.yield
        }) : () -> ()
      }
      %scan3A_37 = arith.constant 20 : i32
    }
    %scan3A_9 = arith.constant 2 : i32
    %barrier3A_10 = arith.constant 0 : index
    tpu.barrier barrier_id(%barrier3A_10)
    %mul3A_11 = arith.constant 632 : i32
    %mul3A_12 = arith.muli %arg1, %mul3A_11 : i32
    %mul3A_13 = arith.constant 632 : i32
    %mul3A_14 = arith.muli %arg1, %mul3A_13 : i32
    "tpu.region"() ({
      %run_scoped3A = tpu.sem_alloc : memref<!tpu.dma_semaphore, #tpu.memory_space<semaphore_mem>>
      %dma_start3A = arith.constant 0 : i32
      %dma_start3A_15 = tpu.memref_slice %arg6[%arg0, %mul3A_14, %dma_start3A] : memref<2x10112x128xf32, #tpu.memory_space<hbm>> -> memref<1x632x128xf32, #tpu.memory_space<hbm>>
      %dma_start3A_16 = tpu.memref_squeeze %dma_start3A_15 : memref<1x632x128xf32, #tpu.memory_space<hbm>> -> memref<632x128xf32, #tpu.memory_space<hbm>>
      %dma_start3A_17 = arith.constant 0 : i32
      %dma_start3A_18 = tpu.memref_slice %arg11[%mul3A_12, %dma_start3A_17] : memref<10112x128xf32, #tpu.memory_space<vmem_shared>> -> memref<632x128xf32, #tpu.memory_space<vmem_shared>>
      tpu.enqueue_dma source(%dma_start3A_18 : memref<632x128xf32, #tpu.memory_space<vmem_shared>>) target(%dma_start3A_16 : memref<632x128xf32, #tpu.memory_space<hbm>>) target_semaphore(%run_scoped3A : memref<!tpu.dma_semaphore, #tpu.memory_space<semaphore_mem>>)
      %dma_wait3A = arith.constant 0 : i32
      %dma_wait3A_19 = tpu.memref_slice %arg6[%arg0, %mul3A_14, %dma_wait3A] : memref<2x10112x128xf32, #tpu.memory_space<hbm>> -> memref<1x632x128xf32, #tpu.memory_space<hbm>>
      %dma_wait3A_20 = tpu.memref_squeeze %dma_wait3A_19 : memref<1x632x128xf32, #tpu.memory_space<hbm>> -> memref<632x128xf32, #tpu.memory_space<hbm>>
      %dma_wait3A_21 = arith.constant 0 : i32
      %dma_wait3A_22 = tpu.memref_slice %arg11[%mul3A_12, %dma_wait3A_21] : memref<10112x128xf32, #tpu.memory_space<vmem_shared>> -> memref<632x128xf32, #tpu.memory_space<vmem_shared>>
      tpu.wait_dma2 semaphore(%run_scoped3A : memref<!tpu.dma_semaphore, #tpu.memory_space<semaphore_mem>>) src(%dma_wait3A_22 : memref<632x128xf32, #tpu.memory_space<vmem_shared>>) dst(%dma_wait3A_20 : memref<632x128xf32, #tpu.memory_space<hbm>>)
      tpu.yield
    }) : () -> ()
    return
  }
}

#map = affine_map<(d0, d1) -> (0, 0)>
#map1 = affine_map<(d0, d1) -> (0, 0, 0)>
module attributes {stable_mosaic.version = 14 : i64} {
  func.func @_sc_aggregate_body(%arg0: i32, %arg1: i32, %arg2: memref<10000x128xf32, #tpu.memory_space<hbm>>, %arg3: memref<2560x128xi32, #tpu.memory_space<hbm>>, %arg4: memref<2560x128xi32, #tpu.memory_space<hbm>>, %arg5: memref<10112x128xf32, #tpu.memory_space<hbm>>, %arg6: memref<2x10112x128xf32, #tpu.memory_space<hbm>>, %arg7: memref<40x128xi32, #tpu.memory_space<vmem>>, %arg8: memref<40x128xi32, #tpu.memory_space<vmem>>, %arg9: memref<128x128xf32, #tpu.memory_space<vmem>>, %arg10: memref<128x128xf32, #tpu.memory_space<vmem>>, %arg11: memref<10112x128xf32, #tpu.memory_space<vmem_shared>>, %arg12: memref<!tpu.dma_semaphore, #tpu.memory_space<semaphore_mem>>, %arg13: memref<!tpu.dma_semaphore, #tpu.memory_space<semaphore_mem>>) attributes {dimension_semantics = [#tpu.dimension_semantics<core_parallel>, #tpu.dimension_semantics<subcore_parallel>], iteration_bounds = array<i64: 2, 16>, scalar_prefetch = 0 : i64, scratch_operands = 7 : i64, tpu.core_type = #tpu.core_type<sc_vector_subcore>, window_params = [{transform_indices = #map}, {transform_indices = #map}, {transform_indices = #map}, {transform_indices = #map}, {transform_indices = #map1}]} {
    %mul3A = arith.constant 2 : i32
    %mul3A_0 = arith.muli %arg1, %mul3A : i32
    %add3A = arith.addi %mul3A_0, %arg0 : i32
    %mul3A_1 = arith.constant 632 : i32
    %mul3A_2 = arith.muli %arg1, %mul3A_1 : i32
    %mul3A_3 = arith.constant 632 : i32
    %mul3A_4 = arith.muli %arg1, %mul3A_3 : i32
    "tpu.region"() ({
      %run_scoped3A = tpu.sem_alloc : memref<!tpu.dma_semaphore, #tpu.memory_space<semaphore_mem>>
      %dma_start3A = arith.constant 0 : i32
      %dma_start3A_15 = tpu.memref_slice %arg11[%mul3A_4, %dma_start3A] : memref<10112x128xf32, #tpu.memory_space<vmem_shared>> -> memref<632x128xf32, #tpu.memory_space<vmem_shared>>
      %dma_start3A_16 = arith.constant 0 : i32
      %dma_start3A_17 = tpu.memref_slice %arg5[%mul3A_2, %dma_start3A_16] : memref<10112x128xf32, #tpu.memory_space<hbm>> -> memref<632x128xf32, #tpu.memory_space<hbm>>
      tpu.enqueue_dma source(%dma_start3A_17 : memref<632x128xf32, #tpu.memory_space<hbm>>) target(%dma_start3A_15 : memref<632x128xf32, #tpu.memory_space<vmem_shared>>) target_semaphore(%run_scoped3A : memref<!tpu.dma_semaphore, #tpu.memory_space<semaphore_mem>>)
      %dma_wait3A = arith.constant 0 : i32
      %dma_wait3A_18 = tpu.memref_slice %arg11[%mul3A_4, %dma_wait3A] : memref<10112x128xf32, #tpu.memory_space<vmem_shared>> -> memref<632x128xf32, #tpu.memory_space<vmem_shared>>
      %dma_wait3A_19 = arith.constant 0 : i32
      %dma_wait3A_20 = tpu.memref_slice %arg5[%mul3A_2, %dma_wait3A_19] : memref<10112x128xf32, #tpu.memory_space<hbm>> -> memref<632x128xf32, #tpu.memory_space<hbm>>
      tpu.wait_dma2 semaphore(%run_scoped3A : memref<!tpu.dma_semaphore, #tpu.memory_space<semaphore_mem>>) src(%dma_wait3A_20 : memref<632x128xf32, #tpu.memory_space<hbm>>) dst(%dma_wait3A_18 : memref<632x128xf32, #tpu.memory_space<vmem_shared>>)
      tpu.yield
    }) : () -> ()
    %barrier3A = arith.constant 0 : index
    tpu.barrier barrier_id(%barrier3A)
    %scan3A = arith.constant 0 : i32
    %scan3A_5 = arith.constant 0 : i32
    %scan3A_6 = arith.constant 2 : i32
    %scan3A_7 = arith.addi %scan3A_5, %scan3A_6 : i32
    %scan3A_8 = arith.constant 1 : i32
    scf.for %scan3A_15 = %scan3A_5 to %scan3A_7 step %scan3A_8  : i32 {
      %mul3A_16 = arith.constant 80 : i32
      %mul3A_17 = arith.muli %add3A, %mul3A_16 : i32
      %mul3A_18 = arith.constant 40 : i32
      %mul3A_19 = arith.muli %scan3A_15, %mul3A_18 : i32
      %add3A_20 = arith.addi %mul3A_17, %mul3A_19 : i32
      "tpu.region"() ({
        %run_scoped3A = tpu.sem_alloc : memref<!tpu.dma_semaphore, #tpu.memory_space<semaphore_mem>>
        %dma_start3A_38 = arith.constant 0 : i32
        %dma_start3A_39 = tpu.memref_slice %arg3[%add3A_20, %dma_start3A_38] : memref<2560x128xi32, #tpu.memory_space<hbm>> -> memref<40x128xi32, #tpu.memory_space<hbm>>
        %dma_start3A_40 = arith.constant 0 : i32
        %dma_start3A_41 = tpu.memref_slice %arg3[%add3A_20, %dma_start3A_40] : memref<2560x128xi32, #tpu.memory_space<hbm>> -> memref<40x128xi32, #tpu.memory_space<hbm>>
        tpu.enqueue_dma source(%dma_start3A_41 : memref<40x128xi32, #tpu.memory_space<hbm>>) target(%arg7 : memref<40x128xi32, #tpu.memory_space<vmem>>) target_semaphore(%run_scoped3A : memref<!tpu.dma_semaphore, #tpu.memory_space<semaphore_mem>>)
        %dma_wait3A = arith.constant 0 : i32
        %dma_wait3A_42 = tpu.memref_slice %arg3[%add3A_20, %dma_wait3A] : memref<2560x128xi32, #tpu.memory_space<hbm>> -> memref<40x128xi32, #tpu.memory_space<hbm>>
        %dma_wait3A_43 = arith.constant 0 : i32
        %dma_wait3A_44 = tpu.memref_slice %arg3[%add3A_20, %dma_wait3A_43] : memref<2560x128xi32, #tpu.memory_space<hbm>> -> memref<40x128xi32, #tpu.memory_space<hbm>>
        tpu.wait_dma2 semaphore(%run_scoped3A : memref<!tpu.dma_semaphore, #tpu.memory_space<semaphore_mem>>) src(%dma_wait3A_44 : memref<40x128xi32, #tpu.memory_space<hbm>>) dst(%arg7 : memref<40x128xi32, #tpu.memory_space<vmem>>)
        tpu.yield
      }) : () -> ()
      %mul3A_21 = arith.constant 80 : i32
      %mul3A_22 = arith.muli %add3A, %mul3A_21 : i32
      %mul3A_23 = arith.constant 40 : i32
      %mul3A_24 = arith.muli %scan3A_15, %mul3A_23 : i32
      %add3A_25 = arith.addi %mul3A_22, %mul3A_24 : i32
      "tpu.region"() ({
        %run_scoped3A = tpu.sem_alloc : memref<!tpu.dma_semaphore, #tpu.memory_space<semaphore_mem>>
        %dma_start3A_38 = arith.constant 0 : i32
        %dma_start3A_39 = tpu.memref_slice %arg4[%add3A_25, %dma_start3A_38] : memref<2560x128xi32, #tpu.memory_space<hbm>> -> memref<40x128xi32, #tpu.memory_space<hbm>>
        %dma_start3A_40 = arith.constant 0 : i32
        %dma_start3A_41 = tpu.memref_slice %arg4[%add3A_25, %dma_start3A_40] : memref<2560x128xi32, #tpu.memory_space<hbm>> -> memref<40x128xi32, #tpu.memory_space<hbm>>
        tpu.enqueue_dma source(%dma_start3A_41 : memref<40x128xi32, #tpu.memory_space<hbm>>) target(%arg8 : memref<40x128xi32, #tpu.memory_space<vmem>>) target_semaphore(%run_scoped3A : memref<!tpu.dma_semaphore, #tpu.memory_space<semaphore_mem>>)
        %dma_wait3A = arith.constant 0 : i32
        %dma_wait3A_42 = tpu.memref_slice %arg4[%add3A_25, %dma_wait3A] : memref<2560x128xi32, #tpu.memory_space<hbm>> -> memref<40x128xi32, #tpu.memory_space<hbm>>
        %dma_wait3A_43 = arith.constant 0 : i32
        %dma_wait3A_44 = tpu.memref_slice %arg4[%add3A_25, %dma_wait3A_43] : memref<2560x128xi32, #tpu.memory_space<hbm>> -> memref<40x128xi32, #tpu.memory_space<hbm>>
        tpu.wait_dma2 semaphore(%run_scoped3A : memref<!tpu.dma_semaphore, #tpu.memory_space<semaphore_mem>>) src(%dma_wait3A_44 : memref<40x128xi32, #tpu.memory_space<hbm>>) dst(%arg8 : memref<40x128xi32, #tpu.memory_space<vmem>>)
        tpu.yield
      }) : () -> ()
      %dma_start3A = arith.constant 0 : i32
      %dma_start3A_26 = arith.constant 0 : i32
      %dma_start3A_27 = tpu.memref_slice %arg7[%dma_start3A, %dma_start3A_26] : memref<40x128xi32, #tpu.memory_space<vmem>> -> memref<1x128xi32, #tpu.memory_space<vmem>>
      %dma_start3A_28 = tpu.memref_squeeze %dma_start3A_27 : memref<1x128xi32, #tpu.memory_space<vmem>> -> memref<128xi32, #tpu.memory_space<vmem>>
      %dma_start3A_29 = arith.constant 0 : i32
      %dma_start3A_30 = arith.constant 0 : i32
      %dma_start3A_31 = tpu.memref_slice %arg2[%dma_start3A_29, %dma_start3A_30] : memref<10000x128xf32, #tpu.memory_space<hbm>> -> memref<10000x128xf32, #tpu.memory_space<hbm>>
      tpu.enqueue_indirect_dma source(%dma_start3A_31 : memref<10000x128xf32, #tpu.memory_space<hbm>>) target(%arg9 : memref<128x128xf32, #tpu.memory_space<vmem>>) offsets(%dma_start3A_28 : memref<128xi32, #tpu.memory_space<vmem>>) semaphore(%arg12 : memref<!tpu.dma_semaphore, #tpu.memory_space<semaphore_mem>>)
      %scan3A_32 = arith.constant 0 : i32
      %scan3A_33 = arith.constant 0 : i32
      %scan3A_34 = arith.constant 20 : i32
      %scan3A_35 = arith.addi %scan3A_33, %scan3A_34 : i32
      %scan3A_36 = arith.constant 1 : i32
      scf.for %scan3A_38 = %scan3A_33 to %scan3A_35 step %scan3A_36  : i32 {
        %mul3A_39 = arith.constant 2 : i32
        %mul3A_40 = arith.muli %mul3A_39, %scan3A_38 : i32
        %add3A_41 = arith.constant 1 : i32
        %add3A_42 = arith.addi %mul3A_40, %add3A_41 : i32
        %dma_start3A_43 = arith.constant 0 : i32
        %dma_start3A_44 = tpu.memref_slice %arg7[%add3A_42, %dma_start3A_43] : memref<40x128xi32, #tpu.memory_space<vmem>> -> memref<1x128xi32, #tpu.memory_space<vmem>>
        %dma_start3A_45 = tpu.memref_squeeze %dma_start3A_44 : memref<1x128xi32, #tpu.memory_space<vmem>> -> memref<128xi32, #tpu.memory_space<vmem>>
        %dma_start3A_46 = arith.constant 0 : i32
        %dma_start3A_47 = arith.constant 0 : i32
        %dma_start3A_48 = tpu.memref_slice %arg2[%dma_start3A_46, %dma_start3A_47] : memref<10000x128xf32, #tpu.memory_space<hbm>> -> memref<10000x128xf32, #tpu.memory_space<hbm>>
        tpu.enqueue_indirect_dma source(%dma_start3A_48 : memref<10000x128xf32, #tpu.memory_space<hbm>>) target(%arg10 : memref<128x128xf32, #tpu.memory_space<vmem>>) offsets(%dma_start3A_45 : memref<128xi32, #tpu.memory_space<vmem>>) semaphore(%arg13 : memref<!tpu.dma_semaphore, #tpu.memory_space<semaphore_mem>>)
        %dma_wait3A = arith.constant 0 : i32
        %dma_wait3A_49 = tpu.memref_slice %arg7[%mul3A_40, %dma_wait3A] : memref<40x128xi32, #tpu.memory_space<vmem>> -> memref<1x128xi32, #tpu.memory_space<vmem>>
        %dma_wait3A_50 = tpu.memref_squeeze %dma_wait3A_49 : memref<1x128xi32, #tpu.memory_space<vmem>> -> memref<128xi32, #tpu.memory_space<vmem>>
        %dma_wait3A_51 = arith.constant 0 : i32
        %dma_wait3A_52 = arith.constant 0 : i32
        %dma_wait3A_53 = tpu.memref_slice %arg2[%dma_wait3A_51, %dma_wait3A_52] : memref<10000x128xf32, #tpu.memory_space<hbm>> -> memref<10000x128xf32, #tpu.memory_space<hbm>>
        tpu.wait_indirect_dma semaphore(%arg12 : memref<!tpu.dma_semaphore, #tpu.memory_space<semaphore_mem>>) src(%dma_wait3A_53 : memref<10000x128xf32, #tpu.memory_space<hbm>>) dst(%arg9 : memref<128x128xf32, #tpu.memory_space<vmem>>)
        "tpu.region"() ({
          %run_scoped3A = tpu.sem_alloc : memref<!tpu.dma_semaphore, #tpu.memory_space<semaphore_mem>>
          %dma_start3A_66 = arith.constant 0 : i32
          %dma_start3A_67 = tpu.memref_slice %arg8[%mul3A_40, %dma_start3A_66] : memref<40x128xi32, #tpu.memory_space<vmem>> -> memref<1x128xi32, #tpu.memory_space<vmem>>
          %dma_start3A_68 = tpu.memref_squeeze %dma_start3A_67 : memref<1x128xi32, #tpu.memory_space<vmem>> -> memref<128xi32, #tpu.memory_space<vmem>>
          %dma_start3A_69 = arith.constant 0 : i32
          %dma_start3A_70 = arith.constant 0 : i32
          %dma_start3A_71 = tpu.memref_slice %arg11[%dma_start3A_69, %dma_start3A_70] : memref<10112x128xf32, #tpu.memory_space<vmem_shared>> -> memref<10112x128xf32, #tpu.memory_space<vmem_shared>>
          tpu.enqueue_indirect_dma source(%arg9 : memref<128x128xf32, #tpu.memory_space<vmem>>) target(%dma_start3A_71 : memref<10112x128xf32, #tpu.memory_space<vmem_shared>>) offsets(%dma_start3A_68 : memref<128xi32, #tpu.memory_space<vmem>>) semaphore(%run_scoped3A : memref<!tpu.dma_semaphore, #tpu.memory_space<semaphore_mem>>) {add = true}
          %dma_wait3A_72 = arith.constant 0 : i32
          %dma_wait3A_73 = tpu.memref_slice %arg8[%mul3A_40, %dma_wait3A_72] : memref<40x128xi32, #tpu.memory_space<vmem>> -> memref<1x128xi32, #tpu.memory_space<vmem>>
          %dma_wait3A_74 = tpu.memref_squeeze %dma_wait3A_73 : memref<1x128xi32, #tpu.memory_space<vmem>> -> memref<128xi32, #tpu.memory_space<vmem>>
          %dma_wait3A_75 = arith.constant 0 : i32
          %dma_wait3A_76 = arith.constant 0 : i32
          %dma_wait3A_77 = tpu.memref_slice %arg11[%dma_wait3A_75, %dma_wait3A_76] : memref<10112x128xf32, #tpu.memory_space<vmem_shared>> -> memref<10112x128xf32, #tpu.memory_space<vmem_shared>>
          tpu.wait_indirect_dma semaphore(%run_scoped3A : memref<!tpu.dma_semaphore, #tpu.memory_space<semaphore_mem>>) src(%arg9 : memref<128x128xf32, #tpu.memory_space<vmem>>) dst(%dma_wait3A_77 : memref<10112x128xf32, #tpu.memory_space<vmem_shared>>)
          tpu.yield
        }) : () -> ()
        %lt3A = arith.constant 19 : i32
        %lt3A_54 = arith.cmpi slt, %scan3A_38, %lt3A : i32
        %convert_element_type3A = arith.extui %lt3A_54 : i1 to i32
        %cond3A = arith.constant 0 : i32
        %cond3A_55 = arith.cmpi ne, %convert_element_type3A, %cond3A : i32
        scf.if %cond3A_55 {
          %add3A_66 = arith.constant 2 : i32
          %add3A_67 = arith.addi %mul3A_40, %add3A_66 : i32
          %dma_start3A_68 = arith.constant 0 : i32
          %dma_start3A_69 = tpu.memref_slice %arg7[%add3A_67, %dma_start3A_68] : memref<40x128xi32, #tpu.memory_space<vmem>> -> memref<1x128xi32, #tpu.memory_space<vmem>>
          %dma_start3A_70 = tpu.memref_squeeze %dma_start3A_69 : memref<1x128xi32, #tpu.memory_space<vmem>> -> memref<128xi32, #tpu.memory_space<vmem>>
          %dma_start3A_71 = arith.constant 0 : i32
          %dma_start3A_72 = arith.constant 0 : i32
          %dma_start3A_73 = tpu.memref_slice %arg2[%dma_start3A_71, %dma_start3A_72] : memref<10000x128xf32, #tpu.memory_space<hbm>> -> memref<10000x128xf32, #tpu.memory_space<hbm>>
          tpu.enqueue_indirect_dma source(%dma_start3A_73 : memref<10000x128xf32, #tpu.memory_space<hbm>>) target(%arg9 : memref<128x128xf32, #tpu.memory_space<vmem>>) offsets(%dma_start3A_70 : memref<128xi32, #tpu.memory_space<vmem>>) semaphore(%arg12 : memref<!tpu.dma_semaphore, #tpu.memory_space<semaphore_mem>>)
        } else {
        }
        %add3A_56 = arith.constant 1 : i32
        %add3A_57 = arith.addi %mul3A_40, %add3A_56 : i32
        %dma_wait3A_58 = arith.constant 0 : i32
        %dma_wait3A_59 = tpu.memref_slice %arg7[%add3A_57, %dma_wait3A_58] : memref<40x128xi32, #tpu.memory_space<vmem>> -> memref<1x128xi32, #tpu.memory_space<vmem>>
        %dma_wait3A_60 = tpu.memref_squeeze %dma_wait3A_59 : memref<1x128xi32, #tpu.memory_space<vmem>> -> memref<128xi32, #tpu.memory_space<vmem>>
        %dma_wait3A_61 = arith.constant 0 : i32
        %dma_wait3A_62 = arith.constant 0 : i32
        %dma_wait3A_63 = tpu.memref_slice %arg2[%dma_wait3A_61, %dma_wait3A_62] : memref<10000x128xf32, #tpu.memory_space<hbm>> -> memref<10000x128xf32, #tpu.memory_space<hbm>>
        tpu.wait_indirect_dma semaphore(%arg13 : memref<!tpu.dma_semaphore, #tpu.memory_space<semaphore_mem>>) src(%dma_wait3A_63 : memref<10000x128xf32, #tpu.memory_space<hbm>>) dst(%arg10 : memref<128x128xf32, #tpu.memory_space<vmem>>)
        %add3A_64 = arith.constant 1 : i32
        %add3A_65 = arith.addi %mul3A_40, %add3A_64 : i32
        "tpu.region"() ({
          %run_scoped3A = tpu.sem_alloc : memref<!tpu.dma_semaphore, #tpu.memory_space<semaphore_mem>>
          %dma_start3A_66 = arith.constant 0 : i32
          %dma_start3A_67 = tpu.memref_slice %arg8[%add3A_65, %dma_start3A_66] : memref<40x128xi32, #tpu.memory_space<vmem>> -> memref<1x128xi32, #tpu.memory_space<vmem>>
          %dma_start3A_68 = tpu.memref_squeeze %dma_start3A_67 : memref<1x128xi32, #tpu.memory_space<vmem>> -> memref<128xi32, #tpu.memory_space<vmem>>
          %dma_start3A_69 = arith.constant 0 : i32
          %dma_start3A_70 = arith.constant 0 : i32
          %dma_start3A_71 = tpu.memref_slice %arg11[%dma_start3A_69, %dma_start3A_70] : memref<10112x128xf32, #tpu.memory_space<vmem_shared>> -> memref<10112x128xf32, #tpu.memory_space<vmem_shared>>
          tpu.enqueue_indirect_dma source(%arg10 : memref<128x128xf32, #tpu.memory_space<vmem>>) target(%dma_start3A_71 : memref<10112x128xf32, #tpu.memory_space<vmem_shared>>) offsets(%dma_start3A_68 : memref<128xi32, #tpu.memory_space<vmem>>) semaphore(%run_scoped3A : memref<!tpu.dma_semaphore, #tpu.memory_space<semaphore_mem>>) {add = true}
          %dma_wait3A_72 = arith.constant 0 : i32
          %dma_wait3A_73 = tpu.memref_slice %arg8[%add3A_65, %dma_wait3A_72] : memref<40x128xi32, #tpu.memory_space<vmem>> -> memref<1x128xi32, #tpu.memory_space<vmem>>
          %dma_wait3A_74 = tpu.memref_squeeze %dma_wait3A_73 : memref<1x128xi32, #tpu.memory_space<vmem>> -> memref<128xi32, #tpu.memory_space<vmem>>
          %dma_wait3A_75 = arith.constant 0 : i32
          %dma_wait3A_76 = arith.constant 0 : i32
          %dma_wait3A_77 = tpu.memref_slice %arg11[%dma_wait3A_75, %dma_wait3A_76] : memref<10112x128xf32, #tpu.memory_space<vmem_shared>> -> memref<10112x128xf32, #tpu.memory_space<vmem_shared>>
          tpu.wait_indirect_dma semaphore(%run_scoped3A : memref<!tpu.dma_semaphore, #tpu.memory_space<semaphore_mem>>) src(%arg10 : memref<128x128xf32, #tpu.memory_space<vmem>>) dst(%dma_wait3A_77 : memref<10112x128xf32, #tpu.memory_space<vmem_shared>>)
          tpu.yield
        }) : () -> ()
      }
      %scan3A_37 = arith.constant 20 : i32
    }
    %scan3A_9 = arith.constant 2 : i32
    %barrier3A_10 = arith.constant 0 : index
    tpu.barrier barrier_id(%barrier3A_10)
    %mul3A_11 = arith.constant 632 : i32
    %mul3A_12 = arith.muli %arg1, %mul3A_11 : i32
    %mul3A_13 = arith.constant 632 : i32
    %mul3A_14 = arith.muli %arg1, %mul3A_13 : i32
    "tpu.region"() ({
      %run_scoped3A = tpu.sem_alloc : memref<!tpu.dma_semaphore, #tpu.memory_space<semaphore_mem>>
      %dma_start3A = arith.constant 0 : i32
      %dma_start3A_15 = tpu.memref_slice %arg6[%arg0, %mul3A_14, %dma_start3A] : memref<2x10112x128xf32, #tpu.memory_space<hbm>> -> memref<1x632x128xf32, #tpu.memory_space<hbm>>
      %dma_start3A_16 = tpu.memref_squeeze %dma_start3A_15 : memref<1x632x128xf32, #tpu.memory_space<hbm>> -> memref<632x128xf32, #tpu.memory_space<hbm>>
      %dma_start3A_17 = arith.constant 0 : i32
      %dma_start3A_18 = tpu.memref_slice %arg11[%mul3A_12, %dma_start3A_17] : memref<10112x128xf32, #tpu.memory_space<vmem_shared>> -> memref<632x128xf32, #tpu.memory_space<vmem_shared>>
      tpu.enqueue_dma source(%dma_start3A_18 : memref<632x128xf32, #tpu.memory_space<vmem_shared>>) target(%dma_start3A_16 : memref<632x128xf32, #tpu.memory_space<hbm>>) target_semaphore(%run_scoped3A : memref<!tpu.dma_semaphore, #tpu.memory_space<semaphore_mem>>)
      %dma_wait3A = arith.constant 0 : i32
      %dma_wait3A_19 = tpu.memref_slice %arg6[%arg0, %mul3A_14, %dma_wait3A] : memref<2x10112x128xf32, #tpu.memory_space<hbm>> -> memref<1x632x128xf32, #tpu.memory_space<hbm>>
      %dma_wait3A_20 = tpu.memref_squeeze %dma_wait3A_19 : memref<1x632x128xf32, #tpu.memory_space<hbm>> -> memref<632x128xf32, #tpu.memory_space<hbm>>
      %dma_wait3A_21 = arith.constant 0 : i32
      %dma_wait3A_22 = tpu.memref_slice %arg11[%mul3A_12, %dma_wait3A_21] : memref<10112x128xf32, #tpu.memory_space<vmem_shared>> -> memref<632x128xf32, #tpu.memory_space<vmem_shared>>
      tpu.wait_dma2 semaphore(%run_scoped3A : memref<!tpu.dma_semaphore, #tpu.memory_space<semaphore_mem>>) src(%dma_wait3A_22 : memref<632x128xf32, #tpu.memory_space<vmem_shared>>) dst(%dma_wait3A_20 : memref<632x128xf32, #tpu.memory_space<hbm>>)
      tpu.yield
    }) : () -> ()
    return
  }
}

module attributes {stable_mosaic.version = 14 : i64} {
  func.func @_tc_prep_body(%arg0: i32, %arg1: memref<2x1000x128xf32, #tpu.memory_space<vmem>>, %arg2: memref<1000x128xf32, #tpu.memory_space<vmem>>, %arg3: memref<128x128xf32, #tpu.memory_space<vmem>>, %arg4: memref<1000x128xf32, #tpu.memory_space<vmem>>, %arg5: memref<1000x128xf32, #tpu.memory_space<vmem>>) attributes {dimension_semantics = [#tpu.dimension_semantics<arbitrary>], iteration_bounds = array<i64: 10>, scalar_prefetch = 0 : i64, scratch_operands = 0 : i64, tpu.core_type = #tpu.core_type<tc>, window_params = [{transform_indices = @transform_0, window_bounds = array<i64: 2, 1000, 128>}, {transform_indices = @transform_1, window_bounds = array<i64: 1000, 128>}, {pipeline_mode = #tpu.pipeline_mode<synchronous>, transform_indices = @transform_2, window_bounds = array<i64: 128, 128>}, {transform_indices = @transform_3, window_bounds = array<i64: 1000, 128>}, {transform_indices = @transform_4, window_bounds = array<i64: 1000, 128>}]} {
    %get3A = arith.constant 0 : index
    %get3A_0 = arith.constant 0 : index
    %get3A_1 = arith.constant 0 : index
    %get3A_2 = vector.load %arg1[%get3A, %get3A_0, %get3A_1] : memref<2x1000x128xf32, #tpu.memory_space<vmem>>, vector<1x1000x128xf32>
    %get3A_3 = vector.shape_cast %get3A_2 : vector<1x1000x128xf32> to vector<1000x128xf32>
    %get3A_4 = arith.constant 1 : index
    %get3A_5 = arith.constant 0 : index
    %get3A_6 = arith.constant 0 : index
    %get3A_7 = vector.load %arg1[%get3A_4, %get3A_5, %get3A_6] : memref<2x1000x128xf32, #tpu.memory_space<vmem>>, vector<1x1000x128xf32>
    %get3A_8 = vector.shape_cast %get3A_7 : vector<1x1000x128xf32> to vector<1000x128xf32>
    %add3A = arith.addf %get3A_3, %get3A_8 : vector<1000x128xf32>
    %slice3A = vector.extract_strided_slice %add3A {offsets = [0, 0], sizes = [1000, 1], strides = [1, 1]} : vector<1000x128xf32> to vector<1000x1xf32>
    %add3A_9 = arith.constant 1.000000e+00 : f32
    %add3A_10 = vector.broadcast %add3A_9 : f32 to vector<1000x1xf32>
    %add3A_11 = arith.addf %add3A_10, %slice3A : vector<1000x1xf32>
    %rsqrt3A = math.rsqrt %add3A_11 : vector<1000x1xf32>
    %get3A_12 = arith.constant 0 : index
    %get3A_13 = arith.constant 0 : index
    %get3A_14 = vector.load %arg2[%get3A_12, %get3A_13] : memref<1000x128xf32, #tpu.memory_space<vmem>>, vector<1000x128xf32>
    %get3A_15 = arith.constant 0 : index
    %get3A_16 = arith.constant 0 : index
    %get3A_17 = vector.load %arg3[%get3A_15, %get3A_16] : memref<128x128xf32, #tpu.memory_space<vmem>>, vector<128x128xf32>
    %dot_general3A = arith.constant dense<0.000000e+00> : vector<1000x128xf32>
    %dot_general3A_18 = tpu.matmul %get3A_14, %get3A_17, %dot_general3A {dimension_numbers = #tpu.dot_dimension_numbers<[1], [0], [0], [1], [0, 0, 1, 1], [], []>, transpose_lhs_hint = false} : vector<1000x128xf32>, vector<128x128xf32>, vector<1000x128xf32> -> vector<1000x128xf32>
    %broadcast_in_dim3A = vector.shape_cast %rsqrt3A : vector<1000x1xf32> to vector<1000x1xf32>
    %broadcast_in_dim3A_19 = vector.broadcast %broadcast_in_dim3A : vector<1000x1xf32> to vector<1000x128xf32>
    %swap3A = arith.constant 0 : index
    %swap3A_20 = arith.constant 0 : index
    %swap3A_21 = vector.load %arg4[%swap3A, %swap3A_20] : memref<1000x128xf32, #tpu.memory_space<vmem>>, vector<1000x128xf32>
    tpu.vector_store %arg4[%swap3A, %swap3A_20], %broadcast_in_dim3A_19 {strides = array<i32>} : memref<1000x128xf32, #tpu.memory_space<vmem>>, vector<1000x128xf32>,
    %mul3A = arith.mulf %dot_general3A_18, %broadcast_in_dim3A_19 : vector<1000x128xf32>
    %swap3A_22 = arith.constant 0 : index
    %swap3A_23 = arith.constant 0 : index
    %swap3A_24 = vector.load %arg5[%swap3A_22, %swap3A_23] : memref<1000x128xf32, #tpu.memory_space<vmem>>, vector<1000x128xf32>
    tpu.vector_store %arg5[%swap3A_22, %swap3A_23], %mul3A {strides = array<i32>} : memref<1000x128xf32, #tpu.memory_space<vmem>>, vector<1000x128xf32>,
    return
  }
  func.func @transform_0(%arg0: i32) -> (i32, i32, i32) {
    %c0_i32 = arith.constant 0 : i32
    %c0_i32_0 = arith.constant 0 : i32
    %c0_i32_1 = arith.constant 0 : i32
    return %c0_i32, %arg0, %c0_i32_0 : i32, i32, i32
  }
  func.func @transform_1(%arg0: i32) -> (i32, i32) {
    %c0_i32 = arith.constant 0 : i32
    %c0_i32_0 = arith.constant 0 : i32
    return %arg0, %c0_i32 : i32, i32
  }
  func.func @transform_2(%arg0: i32) -> (i32, i32) {
    %c0_i32 = arith.constant 0 : i32
    %c0_i32_0 = arith.constant 0 : i32
    %c0_i32_1 = arith.constant 0 : i32
    return %c0_i32, %c0_i32_0 : i32, i32
  }
  func.func @transform_3(%arg0: i32) -> (i32, i32) {
    %c0_i32 = arith.constant 0 : i32
    %c0_i32_0 = arith.constant 0 : i32
    return %arg0, %c0_i32 : i32, i32
  }
  func.func @transform_4(%arg0: i32) -> (i32, i32) {
    %c0_i32 = arith.constant 0 : i32
    %c0_i32_0 = arith.constant 0 : i32
    return %arg0, %c0_i32 : i32, i32
  }
}

module attributes {stable_mosaic.version = 14 : i64} {
  func.func @_tc_mid_body(%arg0: i32, %arg1: memref<2x1000x128xf32, #tpu.memory_space<vmem>>, %arg2: memref<1000x128xf32, #tpu.memory_space<vmem>>, %arg3: memref<1000x128xf32, #tpu.memory_space<vmem>>, %arg4: memref<1x128xf32, #tpu.memory_space<vmem>>, %arg5: memref<128x128xf32, #tpu.memory_space<vmem>>, %arg6: memref<1000x1xi32, #tpu.memory_space<vmem>>, %arg7: memref<1000x128xf32, #tpu.memory_space<vmem>>, %arg8: memref<8x128xf32, #tpu.memory_space<vmem>>) attributes {dimension_semantics = [#tpu.dimension_semantics<arbitrary>], iteration_bounds = array<i64: 10>, scalar_prefetch = 0 : i64, scratch_operands = 0 : i64, tpu.core_type = #tpu.core_type<tc>, window_params = [{transform_indices = @transform_0, window_bounds = array<i64: 2, 1000, 128>}, {transform_indices = @transform_1, window_bounds = array<i64: 1000, 128>}, {transform_indices = @transform_2, window_bounds = array<i64: 1000, 128>}, {pipeline_mode = #tpu.pipeline_mode<synchronous>, transform_indices = @transform_3, window_bounds = array<i64: 1, 128>}, {pipeline_mode = #tpu.pipeline_mode<synchronous>, transform_indices = @transform_4, window_bounds = array<i64: 128, 128>}, {transform_indices = @transform_5, window_bounds = array<i64: 1000, 1>}, {transform_indices = @transform_6, window_bounds = array<i64: 1000, 128>}, {pipeline_mode = #tpu.pipeline_mode<synchronous>, transform_indices = @transform_7, window_bounds = array<i64: 8, 128>}]} {
    %get3A = arith.constant 0 : index
    %get3A_0 = arith.constant 0 : index
    %get3A_1 = vector.load %arg3[%get3A, %get3A_0] : memref<1000x128xf32, #tpu.memory_space<vmem>>, vector<1000x128xf32>
    %get3A_2 = arith.constant 0 : index
    %get3A_3 = arith.constant 0 : index
    %get3A_4 = arith.constant 0 : index
    %get3A_5 = vector.load %arg1[%get3A_2, %get3A_3, %get3A_4] : memref<2x1000x128xf32, #tpu.memory_space<vmem>>, vector<1x1000x128xf32>
    %get3A_6 = vector.shape_cast %get3A_5 : vector<1x1000x128xf32> to vector<1000x128xf32>
    %get3A_7 = arith.constant 1 : index
    %get3A_8 = arith.constant 0 : index
    %get3A_9 = arith.constant 0 : index
    %get3A_10 = vector.load %arg1[%get3A_7, %get3A_8, %get3A_9] : memref<2x1000x128xf32, #tpu.memory_space<vmem>>, vector<1x1000x128xf32>
    %get3A_11 = vector.shape_cast %get3A_10 : vector<1x1000x128xf32> to vector<1000x128xf32>
    %add3A = arith.addf %get3A_6, %get3A_11 : vector<1000x128xf32>
    %get3A_12 = arith.constant 0 : index
    %get3A_13 = arith.constant 0 : index
    %get3A_14 = vector.load %arg2[%get3A_12, %get3A_13] : memref<1000x128xf32, #tpu.memory_space<vmem>>, vector<1000x128xf32>
    %add3A_15 = arith.addf %add3A, %get3A_14 : vector<1000x128xf32>
    %mul3A = arith.mulf %get3A_1, %add3A_15 : vector<1000x128xf32>
    %get3A_16 = arith.constant 0 : index
    %get3A_17 = arith.constant 0 : index
    %get3A_18 = vector.load %arg4[%get3A_16, %get3A_17] : memref<1x128xf32, #tpu.memory_space<vmem>>, vector<1x128xf32>
    %add3A_19 = vector.broadcast %get3A_18 : vector<1x128xf32> to vector<1000x128xf32>
    %add3A_20 = arith.addf %mul3A, %add3A_19 : vector<1000x128xf32>
    %max3A = arith.constant 0.000000e+00 : f32
    %max3A_21 = vector.broadcast %max3A : f32 to vector<1000x128xf32>
    %max3A_22 = arith.maximumf %add3A_20, %max3A_21 : vector<1000x128xf32>
    %get3A_23 = arith.constant 0 : index
    %get3A_24 = arith.constant 0 : index
    %get3A_25 = vector.load %arg5[%get3A_23, %get3A_24] : memref<128x128xf32, #tpu.memory_space<vmem>>, vector<128x128xf32>
    %dot_general3A = arith.constant dense<0.000000e+00> : vector<1000x128xf32>
    %dot_general3A_26 = tpu.matmul %max3A_22, %get3A_25, %dot_general3A {dimension_numbers = #tpu.dot_dimension_numbers<[1], [0], [0], [1], [0, 0, 1, 1], [], []>, transpose_lhs_hint = false} : vector<1000x128xf32>, vector<128x128xf32>, vector<1000x128xf32> -> vector<1000x128xf32>
    %mul3A_27 = arith.mulf %dot_general3A_26, %get3A_1 : vector<1000x128xf32>
    %swap3A = arith.constant 0 : index
    %swap3A_28 = arith.constant 0 : index
    %swap3A_29 = vector.load %arg7[%swap3A, %swap3A_28] : memref<1000x128xf32, #tpu.memory_space<vmem>>, vector<1000x128xf32>
    tpu.vector_store %arg7[%swap3A, %swap3A_28], %mul3A_27 {strides = array<i32>} : memref<1000x128xf32, #tpu.memory_space<vmem>>, vector<1000x128xf32>,
    %get3A_30 = arith.constant 0 : index
    %get3A_31 = arith.constant 0 : index
    %get3A_32 = vector.load %arg6[%get3A_30, %get3A_31] : memref<1000x1xi32, #tpu.memory_space<vmem>>, vector<1000x1xi32>
    %eq3A = arith.constant 0 : i32
    %eq3A_33 = vector.broadcast %eq3A : i32 to vector<1000x1xi32>
    %eq3A_34 = arith.cmpi eq, %get3A_32, %eq3A_33 : vector<1000x1xi32>
    %jit3A = arith.constant 0.000000e+00 : f32
    %broadcast_in_dim3A = vector.shape_cast %eq3A_34 : vector<1000x1xi1> to vector<1000x1xi1>
    %broadcast_in_dim3A_35 = vector.broadcast %broadcast_in_dim3A : vector<1000x1xi1> to vector<1000x128xi1>
    %broadcast_in_dim3A_36 = vector.broadcast %jit3A : f32 to vector<1000x128xf32>
    %select_n3A = arith.select %broadcast_in_dim3A_35, %max3A_22, %broadcast_in_dim3A_36 : vector<1000x128xi1>, vector<1000x128xf32>
    %reduce_sum3A = arith.constant dense<0.000000e+00> : vector<128xf32>
    %reduce_sum3A_37 = vector.multi_reduction <add>, %select_n3A, %reduce_sum3A [0] : vector<1000x128xf32> to vector<128xf32>
    %eq3A_38 = arith.constant 1 : i32
    %eq3A_39 = vector.broadcast %eq3A_38 : i32 to vector<1000x1xi32>
    %eq3A_40 = arith.cmpi eq, %get3A_32, %eq3A_39 : vector<1000x1xi32>
    %jit3A_41 = arith.constant 0.000000e+00 : f32
    %broadcast_in_dim3A_42 = vector.shape_cast %eq3A_40 : vector<1000x1xi1> to vector<1000x1xi1>
    %broadcast_in_dim3A_43 = vector.broadcast %broadcast_in_dim3A_42 : vector<1000x1xi1> to vector<1000x128xi1>
    %broadcast_in_dim3A_44 = vector.broadcast %jit3A_41 : f32 to vector<1000x128xf32>
    %select_n3A_45 = arith.select %broadcast_in_dim3A_43, %max3A_22, %broadcast_in_dim3A_44 : vector<1000x128xi1>, vector<1000x128xf32>
    %reduce_sum3A_46 = arith.constant dense<0.000000e+00> : vector<128xf32>
    %reduce_sum3A_47 = vector.multi_reduction <add>, %select_n3A_45, %reduce_sum3A_46 [0] : vector<1000x128xf32> to vector<128xf32>
    %eq3A_48 = arith.constant 2 : i32
    %eq3A_49 = vector.broadcast %eq3A_48 : i32 to vector<1000x1xi32>
    %eq3A_50 = arith.cmpi eq, %get3A_32, %eq3A_49 : vector<1000x1xi32>
    %jit3A_51 = arith.constant 0.000000e+00 : f32
    %broadcast_in_dim3A_52 = vector.shape_cast %eq3A_50 : vector<1000x1xi1> to vector<1000x1xi1>
    %broadcast_in_dim3A_53 = vector.broadcast %broadcast_in_dim3A_52 : vector<1000x1xi1> to vector<1000x128xi1>
    %broadcast_in_dim3A_54 = vector.broadcast %jit3A_51 : f32 to vector<1000x128xf32>
    %select_n3A_55 = arith.select %broadcast_in_dim3A_53, %max3A_22, %broadcast_in_dim3A_54 : vector<1000x128xi1>, vector<1000x128xf32>
    %reduce_sum3A_56 = arith.constant dense<0.000000e+00> : vector<128xf32>
    %reduce_sum3A_57 = vector.multi_reduction <add>, %select_n3A_55, %reduce_sum3A_56 [0] : vector<1000x128xf32> to vector<128xf32>
    %eq3A_58 = arith.constant 3 : i32
    %eq3A_59 = vector.broadcast %eq3A_58 : i32 to vector<1000x1xi32>
    %eq3A_60 = arith.cmpi eq, %get3A_32, %eq3A_59 : vector<1000x1xi32>
    %jit3A_61 = arith.constant 0.000000e+00 : f32
    %broadcast_in_dim3A_62 = vector.shape_cast %eq3A_60 : vector<1000x1xi1> to vector<1000x1xi1>
    %broadcast_in_dim3A_63 = vector.broadcast %broadcast_in_dim3A_62 : vector<1000x1xi1> to vector<1000x128xi1>
    %broadcast_in_dim3A_64 = vector.broadcast %jit3A_61 : f32 to vector<1000x128xf32>
    %select_n3A_65 = arith.select %broadcast_in_dim3A_63, %max3A_22, %broadcast_in_dim3A_64 : vector<1000x128xi1>, vector<1000x128xf32>
    %reduce_sum3A_66 = arith.constant dense<0.000000e+00> : vector<128xf32>
    %reduce_sum3A_67 = vector.multi_reduction <add>, %select_n3A_65, %reduce_sum3A_66 [0] : vector<1000x128xf32> to vector<128xf32>
    %eq3A_68 = arith.constant 4 : i32
    %eq3A_69 = vector.broadcast %eq3A_68 : i32 to vector<1000x1xi32>
    %eq3A_70 = arith.cmpi eq, %get3A_32, %eq3A_69 : vector<1000x1xi32>
    %jit3A_71 = arith.constant 0.000000e+00 : f32
    %broadcast_in_dim3A_72 = vector.shape_cast %eq3A_70 : vector<1000x1xi1> to vector<1000x1xi1>
    %broadcast_in_dim3A_73 = vector.broadcast %broadcast_in_dim3A_72 : vector<1000x1xi1> to vector<1000x128xi1>
    %broadcast_in_dim3A_74 = vector.broadcast %jit3A_71 : f32 to vector<1000x128xf32>
    %select_n3A_75 = arith.select %broadcast_in_dim3A_73, %max3A_22, %broadcast_in_dim3A_74 : vector<1000x128xi1>, vector<1000x128xf32>
    %reduce_sum3A_76 = arith.constant dense<0.000000e+00> : vector<128xf32>
    %reduce_sum3A_77 = vector.multi_reduction <add>, %select_n3A_75, %reduce_sum3A_76 [0] : vector<1000x128xf32> to vector<128xf32>
    %eq3A_78 = arith.constant 5 : i32
    %eq3A_79 = vector.broadcast %eq3A_78 : i32 to vector<1000x1xi32>
    %eq3A_80 = arith.cmpi eq, %get3A_32, %eq3A_79 : vector<1000x1xi32>
    %jit3A_81 = arith.constant 0.000000e+00 : f32
    %broadcast_in_dim3A_82 = vector.shape_cast %eq3A_80 : vector<1000x1xi1> to vector<1000x1xi1>
    %broadcast_in_dim3A_83 = vector.broadcast %broadcast_in_dim3A_82 : vector<1000x1xi1> to vector<1000x128xi1>
    %broadcast_in_dim3A_84 = vector.broadcast %jit3A_81 : f32 to vector<1000x128xf32>
    %select_n3A_85 = arith.select %broadcast_in_dim3A_83, %max3A_22, %broadcast_in_dim3A_84 : vector<1000x128xi1>, vector<1000x128xf32>
    %reduce_sum3A_86 = arith.constant dense<0.000000e+00> : vector<128xf32>
    %reduce_sum3A_87 = vector.multi_reduction <add>, %select_n3A_85, %reduce_sum3A_86 [0] : vector<1000x128xf32> to vector<128xf32>
    %eq3A_88 = arith.constant 6 : i32
    %eq3A_89 = vector.broadcast %eq3A_88 : i32 to vector<1000x1xi32>
    %eq3A_90 = arith.cmpi eq, %get3A_32, %eq3A_89 : vector<1000x1xi32>
    %jit3A_91 = arith.constant 0.000000e+00 : f32
    %broadcast_in_dim3A_92 = vector.shape_cast %eq3A_90 : vector<1000x1xi1> to vector<1000x1xi1>
    %broadcast_in_dim3A_93 = vector.broadcast %broadcast_in_dim3A_92 : vector<1000x1xi1> to vector<1000x128xi1>
    %broadcast_in_dim3A_94 = vector.broadcast %jit3A_91 : f32 to vector<1000x128xf32>
    %select_n3A_95 = arith.select %broadcast_in_dim3A_93, %max3A_22, %broadcast_in_dim3A_94 : vector<1000x128xi1>, vector<1000x128xf32>
    %reduce_sum3A_96 = arith.constant dense<0.000000e+00> : vector<128xf32>
    %reduce_sum3A_97 = vector.multi_reduction <add>, %select_n3A_95, %reduce_sum3A_96 [0] : vector<1000x128xf32> to vector<128xf32>
    %eq3A_98 = arith.constant 7 : i32
    %eq3A_99 = vector.broadcast %eq3A_98 : i32 to vector<1000x1xi32>
    %eq3A_100 = arith.cmpi eq, %get3A_32, %eq3A_99 : vector<1000x1xi32>
    %jit3A_101 = arith.constant 0.000000e+00 : f32
    %broadcast_in_dim3A_102 = vector.shape_cast %eq3A_100 : vector<1000x1xi1> to vector<1000x1xi1>
    %broadcast_in_dim3A_103 = vector.broadcast %broadcast_in_dim3A_102 : vector<1000x1xi1> to vector<1000x128xi1>
    %broadcast_in_dim3A_104 = vector.broadcast %jit3A_101 : f32 to vector<1000x128xf32>
    %select_n3A_105 = arith.select %broadcast_in_dim3A_103, %max3A_22, %broadcast_in_dim3A_104 : vector<1000x128xi1>, vector<1000x128xf32>
    %reduce_sum3A_106 = arith.constant dense<0.000000e+00> : vector<128xf32>
    %reduce_sum3A_107 = vector.multi_reduction <add>, %select_n3A_105, %reduce_sum3A_106 [0] : vector<1000x128xf32> to vector<128xf32>
    %stack3A = vector.shape_cast %reduce_sum3A_37 : vector<128xf32> to vector<1x128xf32>
    %stack3A_108 = vector.shape_cast %reduce_sum3A_47 : vector<128xf32> to vector<1x128xf32>
    %stack3A_109 = vector.shape_cast %reduce_sum3A_57 : vector<128xf32> to vector<1x128xf32>
    %stack3A_110 = vector.shape_cast %reduce_sum3A_67 : vector<128xf32> to vector<1x128xf32>
    %stack3A_111 = vector.shape_cast %reduce_sum3A_77 : vector<128xf32> to vector<1x128xf32>
    %stack3A_112 = vector.shape_cast %reduce_sum3A_87 : vector<128xf32> to vector<1x128xf32>
    %stack3A_113 = vector.shape_cast %reduce_sum3A_97 : vector<128xf32> to vector<1x128xf32>
    %stack3A_114 = vector.shape_cast %reduce_sum3A_107 : vector<128xf32> to vector<1x128xf32>
    %stack3A_115 = tpu.concatenate %stack3A, %stack3A_108, %stack3A_109, %stack3A_110, %stack3A_111, %stack3A_112, %stack3A_113, %stack3A_114 in 0 : vector<1x128xf32>, vector<1x128xf32>, vector<1x128xf32>, vector<1x128xf32>, vector<1x128xf32>, vector<1x128xf32>, vector<1x128xf32>, vector<1x128xf32> -> vector<8x128xf32>
    %eq3A_116 = arith.constant 0 : i32
    %eq3A_117 = arith.cmpi eq, %arg0, %eq3A_116 : i32
    %convert_element_type3A = arith.extui %eq3A_117 : i1 to i32
    %cond3A = arith.constant 0 : i32
    %cond3A_118 = arith.cmpi ne, %convert_element_type3A, %cond3A : i32
    scf.if %cond3A_118 {
      %broadcast_in_dim3A_126 = arith.constant 0.000000e+00 : f32
      %broadcast_in_dim3A_127 = vector.broadcast %broadcast_in_dim3A_126 : f32 to vector<8x128xf32>
      %swap3A_128 = arith.constant 0 : index
      %swap3A_129 = arith.constant 0 : index
      %swap3A_130 = vector.load %arg8[%swap3A_128, %swap3A_129] : memref<8x128xf32, #tpu.memory_space<vmem>>, vector<8x128xf32>
      tpu.vector_store %arg8[%swap3A_128, %swap3A_129], %broadcast_in_dim3A_127 {strides = array<i32>} : memref<8x128xf32, #tpu.memory_space<vmem>>, vector<8x128xf32>,
    } else {
    }
    %get3A_119 = arith.constant 0 : index
    %get3A_120 = arith.constant 0 : index
    %get3A_121 = vector.load %arg8[%get3A_119, %get3A_120] : memref<8x128xf32, #tpu.memory_space<vmem>>, vector<8x128xf32>
    %add3A_122 = arith.addf %get3A_121, %stack3A_115 : vector<8x128xf32>
    %swap3A_123 = arith.constant 0 : index
    %swap3A_124 = arith.constant 0 : index
    %swap3A_125 = vector.load %arg8[%swap3A_123, %swap3A_124] : memref<8x128xf32, #tpu.memory_space<vmem>>, vector<8x128xf32>
    tpu.vector_store %arg8[%swap3A_123, %swap3A_124], %add3A_122 {strides = array<i32>} : memref<8x128xf32, #tpu.memory_space<vmem>>, vector<8x128xf32>,
    return
  }
  func.func @transform_0(%arg0: i32) -> (i32, i32, i32) {
    %c0_i32 = arith.constant 0 : i32
    %c0_i32_0 = arith.constant 0 : i32
    %c0_i32_1 = arith.constant 0 : i32
    return %c0_i32, %arg0, %c0_i32_0 : i32, i32, i32
  }
  func.func @transform_1(%arg0: i32) -> (i32, i32) {
    %c0_i32 = arith.constant 0 : i32
    %c0_i32_0 = arith.constant 0 : i32
    return %arg0, %c0_i32 : i32, i32
  }
  func.func @transform_2(%arg0: i32) -> (i32, i32) {
    %c0_i32 = arith.constant 0 : i32
    %c0_i32_0 = arith.constant 0 : i32
    return %arg0, %c0_i32 : i32, i32
  }
  func.func @transform_3(%arg0: i32) -> (i32, i32) {
    %c0_i32 = arith.constant 0 : i32
    %c0_i32_0 = arith.constant 0 : i32
    %c0_i32_1 = arith.constant 0 : i32
    return %c0_i32, %c0_i32_0 : i32, i32
  }
  func.func @transform_4(%arg0: i32) -> (i32, i32) {
    %c0_i32 = arith.constant 0 : i32
    %c0_i32_0 = arith.constant 0 : i32
    %c0_i32_1 = arith.constant 0 : i32
    return %c0_i32, %c0_i32_0 : i32, i32
  }
  func.func @transform_5(%arg0: i32) -> (i32, i32) {
    %c0_i32 = arith.constant 0 : i32
    %c0_i32_0 = arith.constant 0 : i32
    return %arg0, %c0_i32 : i32, i32
  }
  func.func @transform_6(%arg0: i32) -> (i32, i32) {
    %c0_i32 = arith.constant 0 : i32
    %c0_i32_0 = arith.constant 0 : i32
    return %arg0, %c0_i32 : i32, i32
  }
  func.func @transform_7(%arg0: i32) -> (i32, i32) {
    %c0_i32 = arith.constant 0 : i32
    %c0_i32_0 = arith.constant 0 : i32
    %c0_i32_1 = arith.constant 0 : i32
    return %c0_i32, %c0_i32_0 : i32, i32
  }
}

module attributes {stable_mosaic.version = 14 : i64} {
  func.func @_tc_last_body(%arg0: i32, %arg1: memref<2x1000x128xf32, #tpu.memory_space<vmem>>, %arg2: memref<1000x128xf32, #tpu.memory_space<vmem>>, %arg3: memref<1000x128xf32, #tpu.memory_space<vmem>>, %arg4: memref<1x128xf32, #tpu.memory_space<vmem>>, %arg5: memref<1000x1xi32, #tpu.memory_space<vmem>>, %arg6: memref<8x128xf32, #tpu.memory_space<vmem>>) attributes {dimension_semantics = [#tpu.dimension_semantics<arbitrary>], iteration_bounds = array<i64: 10>, scalar_prefetch = 0 : i64, scratch_operands = 0 : i64, tpu.core_type = #tpu.core_type<tc>, window_params = [{transform_indices = @transform_0, window_bounds = array<i64: 2, 1000, 128>}, {transform_indices = @transform_1, window_bounds = array<i64: 1000, 128>}, {transform_indices = @transform_2, window_bounds = array<i64: 1000, 128>}, {pipeline_mode = #tpu.pipeline_mode<synchronous>, transform_indices = @transform_3, window_bounds = array<i64: 1, 128>}, {transform_indices = @transform_4, window_bounds = array<i64: 1000, 1>}, {pipeline_mode = #tpu.pipeline_mode<synchronous>, transform_indices = @transform_5, window_bounds = array<i64: 8, 128>}]} {
    %get3A = arith.constant 0 : index
    %get3A_0 = arith.constant 0 : index
    %get3A_1 = vector.load %arg3[%get3A, %get3A_0] : memref<1000x128xf32, #tpu.memory_space<vmem>>, vector<1000x128xf32>
    %get3A_2 = arith.constant 0 : index
    %get3A_3 = arith.constant 0 : index
    %get3A_4 = arith.constant 0 : index
    %get3A_5 = vector.load %arg1[%get3A_2, %get3A_3, %get3A_4] : memref<2x1000x128xf32, #tpu.memory_space<vmem>>, vector<1x1000x128xf32>
    %get3A_6 = vector.shape_cast %get3A_5 : vector<1x1000x128xf32> to vector<1000x128xf32>
    %get3A_7 = arith.constant 1 : index
    %get3A_8 = arith.constant 0 : index
    %get3A_9 = arith.constant 0 : index
    %get3A_10 = vector.load %arg1[%get3A_7, %get3A_8, %get3A_9] : memref<2x1000x128xf32, #tpu.memory_space<vmem>>, vector<1x1000x128xf32>
    %get3A_11 = vector.shape_cast %get3A_10 : vector<1x1000x128xf32> to vector<1000x128xf32>
    %add3A = arith.addf %get3A_6, %get3A_11 : vector<1000x128xf32>
    %get3A_12 = arith.constant 0 : index
    %get3A_13 = arith.constant 0 : index
    %get3A_14 = vector.load %arg2[%get3A_12, %get3A_13] : memref<1000x128xf32, #tpu.memory_space<vmem>>, vector<1000x128xf32>
    %add3A_15 = arith.addf %add3A, %get3A_14 : vector<1000x128xf32>
    %mul3A = arith.mulf %get3A_1, %add3A_15 : vector<1000x128xf32>
    %get3A_16 = arith.constant 0 : index
    %get3A_17 = arith.constant 0 : index
    %get3A_18 = vector.load %arg4[%get3A_16, %get3A_17] : memref<1x128xf32, #tpu.memory_space<vmem>>, vector<1x128xf32>
    %add3A_19 = vector.broadcast %get3A_18 : vector<1x128xf32> to vector<1000x128xf32>
    %add3A_20 = arith.addf %mul3A, %add3A_19 : vector<1000x128xf32>
    %max3A = arith.constant 0.000000e+00 : f32
    %max3A_21 = vector.broadcast %max3A : f32 to vector<1000x128xf32>
    %max3A_22 = arith.maximumf %add3A_20, %max3A_21 : vector<1000x128xf32>
    %get3A_23 = arith.constant 0 : index
    %get3A_24 = arith.constant 0 : index
    %get3A_25 = vector.load %arg5[%get3A_23, %get3A_24] : memref<1000x1xi32, #tpu.memory_space<vmem>>, vector<1000x1xi32>
    %eq3A = arith.constant 0 : i32
    %eq3A_26 = vector.broadcast %eq3A : i32 to vector<1000x1xi32>
    %eq3A_27 = arith.cmpi eq, %get3A_25, %eq3A_26 : vector<1000x1xi32>
    %jit3A = arith.constant 0.000000e+00 : f32
    %broadcast_in_dim3A = vector.shape_cast %eq3A_27 : vector<1000x1xi1> to vector<1000x1xi1>
    %broadcast_in_dim3A_28 = vector.broadcast %broadcast_in_dim3A : vector<1000x1xi1> to vector<1000x128xi1>
    %broadcast_in_dim3A_29 = vector.broadcast %jit3A : f32 to vector<1000x128xf32>
    %select_n3A = arith.select %broadcast_in_dim3A_28, %max3A_22, %broadcast_in_dim3A_29 : vector<1000x128xi1>, vector<1000x128xf32>
    %reduce_sum3A = arith.constant dense<0.000000e+00> : vector<128xf32>
    %reduce_sum3A_30 = vector.multi_reduction <add>, %select_n3A, %reduce_sum3A [0] : vector<1000x128xf32> to vector<128xf32>
    %eq3A_31 = arith.constant 1 : i32
    %eq3A_32 = vector.broadcast %eq3A_31 : i32 to vector<1000x1xi32>
    %eq3A_33 = arith.cmpi eq, %get3A_25, %eq3A_32 : vector<1000x1xi32>
    %jit3A_34 = arith.constant 0.000000e+00 : f32
    %broadcast_in_dim3A_35 = vector.shape_cast %eq3A_33 : vector<1000x1xi1> to vector<1000x1xi1>
    %broadcast_in_dim3A_36 = vector.broadcast %broadcast_in_dim3A_35 : vector<1000x1xi1> to vector<1000x128xi1>
    %broadcast_in_dim3A_37 = vector.broadcast %jit3A_34 : f32 to vector<1000x128xf32>
    %select_n3A_38 = arith.select %broadcast_in_dim3A_36, %max3A_22, %broadcast_in_dim3A_37 : vector<1000x128xi1>, vector<1000x128xf32>
    %reduce_sum3A_39 = arith.constant dense<0.000000e+00> : vector<128xf32>
    %reduce_sum3A_40 = vector.multi_reduction <add>, %select_n3A_38, %reduce_sum3A_39 [0] : vector<1000x128xf32> to vector<128xf32>
    %eq3A_41 = arith.constant 2 : i32
    %eq3A_42 = vector.broadcast %eq3A_41 : i32 to vector<1000x1xi32>
    %eq3A_43 = arith.cmpi eq, %get3A_25, %eq3A_42 : vector<1000x1xi32>
    %jit3A_44 = arith.constant 0.000000e+00 : f32
    %broadcast_in_dim3A_45 = vector.shape_cast %eq3A_43 : vector<1000x1xi1> to vector<1000x1xi1>
    %broadcast_in_dim3A_46 = vector.broadcast %broadcast_in_dim3A_45 : vector<1000x1xi1> to vector<1000x128xi1>
    %broadcast_in_dim3A_47 = vector.broadcast %jit3A_44 : f32 to vector<1000x128xf32>
    %select_n3A_48 = arith.select %broadcast_in_dim3A_46, %max3A_22, %broadcast_in_dim3A_47 : vector<1000x128xi1>, vector<1000x128xf32>
    %reduce_sum3A_49 = arith.constant dense<0.000000e+00> : vector<128xf32>
    %reduce_sum3A_50 = vector.multi_reduction <add>, %select_n3A_48, %reduce_sum3A_49 [0] : vector<1000x128xf32> to vector<128xf32>
    %eq3A_51 = arith.constant 3 : i32
    %eq3A_52 = vector.broadcast %eq3A_51 : i32 to vector<1000x1xi32>
    %eq3A_53 = arith.cmpi eq, %get3A_25, %eq3A_52 : vector<1000x1xi32>
    %jit3A_54 = arith.constant 0.000000e+00 : f32
    %broadcast_in_dim3A_55 = vector.shape_cast %eq3A_53 : vector<1000x1xi1> to vector<1000x1xi1>
    %broadcast_in_dim3A_56 = vector.broadcast %broadcast_in_dim3A_55 : vector<1000x1xi1> to vector<1000x128xi1>
    %broadcast_in_dim3A_57 = vector.broadcast %jit3A_54 : f32 to vector<1000x128xf32>
    %select_n3A_58 = arith.select %broadcast_in_dim3A_56, %max3A_22, %broadcast_in_dim3A_57 : vector<1000x128xi1>, vector<1000x128xf32>
    %reduce_sum3A_59 = arith.constant dense<0.000000e+00> : vector<128xf32>
    %reduce_sum3A_60 = vector.multi_reduction <add>, %select_n3A_58, %reduce_sum3A_59 [0] : vector<1000x128xf32> to vector<128xf32>
    %eq3A_61 = arith.constant 4 : i32
    %eq3A_62 = vector.broadcast %eq3A_61 : i32 to vector<1000x1xi32>
    %eq3A_63 = arith.cmpi eq, %get3A_25, %eq3A_62 : vector<1000x1xi32>
    %jit3A_64 = arith.constant 0.000000e+00 : f32
    %broadcast_in_dim3A_65 = vector.shape_cast %eq3A_63 : vector<1000x1xi1> to vector<1000x1xi1>
    %broadcast_in_dim3A_66 = vector.broadcast %broadcast_in_dim3A_65 : vector<1000x1xi1> to vector<1000x128xi1>
    %broadcast_in_dim3A_67 = vector.broadcast %jit3A_64 : f32 to vector<1000x128xf32>
    %select_n3A_68 = arith.select %broadcast_in_dim3A_66, %max3A_22, %broadcast_in_dim3A_67 : vector<1000x128xi1>, vector<1000x128xf32>
    %reduce_sum3A_69 = arith.constant dense<0.000000e+00> : vector<128xf32>
    %reduce_sum3A_70 = vector.multi_reduction <add>, %select_n3A_68, %reduce_sum3A_69 [0] : vector<1000x128xf32> to vector<128xf32>
    %eq3A_71 = arith.constant 5 : i32
    %eq3A_72 = vector.broadcast %eq3A_71 : i32 to vector<1000x1xi32>
    %eq3A_73 = arith.cmpi eq, %get3A_25, %eq3A_72 : vector<1000x1xi32>
    %jit3A_74 = arith.constant 0.000000e+00 : f32
    %broadcast_in_dim3A_75 = vector.shape_cast %eq3A_73 : vector<1000x1xi1> to vector<1000x1xi1>
    %broadcast_in_dim3A_76 = vector.broadcast %broadcast_in_dim3A_75 : vector<1000x1xi1> to vector<1000x128xi1>
    %broadcast_in_dim3A_77 = vector.broadcast %jit3A_74 : f32 to vector<1000x128xf32>
    %select_n3A_78 = arith.select %broadcast_in_dim3A_76, %max3A_22, %broadcast_in_dim3A_77 : vector<1000x128xi1>, vector<1000x128xf32>
    %reduce_sum3A_79 = arith.constant dense<0.000000e+00> : vector<128xf32>
    %reduce_sum3A_80 = vector.multi_reduction <add>, %select_n3A_78, %reduce_sum3A_79 [0] : vector<1000x128xf32> to vector<128xf32>
    %eq3A_81 = arith.constant 6 : i32
    %eq3A_82 = vector.broadcast %eq3A_81 : i32 to vector<1000x1xi32>
    %eq3A_83 = arith.cmpi eq, %get3A_25, %eq3A_82 : vector<1000x1xi32>
    %jit3A_84 = arith.constant 0.000000e+00 : f32
    %broadcast_in_dim3A_85 = vector.shape_cast %eq3A_83 : vector<1000x1xi1> to vector<1000x1xi1>
    %broadcast_in_dim3A_86 = vector.broadcast %broadcast_in_dim3A_85 : vector<1000x1xi1> to vector<1000x128xi1>
    %broadcast_in_dim3A_87 = vector.broadcast %jit3A_84 : f32 to vector<1000x128xf32>
    %select_n3A_88 = arith.select %broadcast_in_dim3A_86, %max3A_22, %broadcast_in_dim3A_87 : vector<1000x128xi1>, vector<1000x128xf32>
    %reduce_sum3A_89 = arith.constant dense<0.000000e+00> : vector<128xf32>
    %reduce_sum3A_90 = vector.multi_reduction <add>, %select_n3A_88, %reduce_sum3A_89 [0] : vector<1000x128xf32> to vector<128xf32>
    %eq3A_91 = arith.constant 7 : i32
    %eq3A_92 = vector.broadcast %eq3A_91 : i32 to vector<1000x1xi32>
    %eq3A_93 = arith.cmpi eq, %get3A_25, %eq3A_92 : vector<1000x1xi32>
    %jit3A_94 = arith.constant 0.000000e+00 : f32
    %broadcast_in_dim3A_95 = vector.shape_cast %eq3A_93 : vector<1000x1xi1> to vector<1000x1xi1>
    %broadcast_in_dim3A_96 = vector.broadcast %broadcast_in_dim3A_95 : vector<1000x1xi1> to vector<1000x128xi1>
    %broadcast_in_dim3A_97 = vector.broadcast %jit3A_94 : f32 to vector<1000x128xf32>
    %select_n3A_98 = arith.select %broadcast_in_dim3A_96, %max3A_22, %broadcast_in_dim3A_97 : vector<1000x128xi1>, vector<1000x128xf32>
    %reduce_sum3A_99 = arith.constant dense<0.000000e+00> : vector<128xf32>
    %reduce_sum3A_100 = vector.multi_reduction <add>, %select_n3A_98, %reduce_sum3A_99 [0] : vector<1000x128xf32> to vector<128xf32>
    %stack3A = vector.shape_cast %reduce_sum3A_30 : vector<128xf32> to vector<1x128xf32>
    %stack3A_101 = vector.shape_cast %reduce_sum3A_40 : vector<128xf32> to vector<1x128xf32>
    %stack3A_102 = vector.shape_cast %reduce_sum3A_50 : vector<128xf32> to vector<1x128xf32>
    %stack3A_103 = vector.shape_cast %reduce_sum3A_60 : vector<128xf32> to vector<1x128xf32>
    %stack3A_104 = vector.shape_cast %reduce_sum3A_70 : vector<128xf32> to vector<1x128xf32>
    %stack3A_105 = vector.shape_cast %reduce_sum3A_80 : vector<128xf32> to vector<1x128xf32>
    %stack3A_106 = vector.shape_cast %reduce_sum3A_90 : vector<128xf32> to vector<1x128xf32>
    %stack3A_107 = vector.shape_cast %reduce_sum3A_100 : vector<128xf32> to vector<1x128xf32>
    %stack3A_108 = tpu.concatenate %stack3A, %stack3A_101, %stack3A_102, %stack3A_103, %stack3A_104, %stack3A_105, %stack3A_106, %stack3A_107 in 0 : vector<1x128xf32>, vector<1x128xf32>, vector<1x128xf32>, vector<1x128xf32>, vector<1x128xf32>, vector<1x128xf32>, vector<1x128xf32>, vector<1x128xf32> -> vector<8x128xf32>
    %eq3A_109 = arith.constant 0 : i32
    %eq3A_110 = arith.cmpi eq, %arg0, %eq3A_109 : i32
    %convert_element_type3A = arith.extui %eq3A_110 : i1 to i32
    %cond3A = arith.constant 0 : i32
    %cond3A_111 = arith.cmpi ne, %convert_element_type3A, %cond3A : i32
    scf.if %cond3A_111 {
      %broadcast_in_dim3A_118 = arith.constant 0.000000e+00 : f32
      %broadcast_in_dim3A_119 = vector.broadcast %broadcast_in_dim3A_118 : f32 to vector<8x128xf32>
      %swap3A_120 = arith.constant 0 : index
      %swap3A_121 = arith.constant 0 : index
      %swap3A_122 = vector.load %arg6[%swap3A_120, %swap3A_121] : memref<8x128xf32, #tpu.memory_space<vmem>>, vector<8x128xf32>
      tpu.vector_store %arg6[%swap3A_120, %swap3A_121], %broadcast_in_dim3A_119 {strides = array<i32>} : memref<8x128xf32, #tpu.memory_space<vmem>>, vector<8x128xf32>,
    } else {
    }
    %get3A_112 = arith.constant 0 : index
    %get3A_113 = arith.constant 0 : index
    %get3A_114 = vector.load %arg6[%get3A_112, %get3A_113] : memref<8x128xf32, #tpu.memory_space<vmem>>, vector<8x128xf32>
    %add3A_115 = arith.addf %get3A_114, %stack3A_108 : vector<8x128xf32>
    %swap3A = arith.constant 0 : index
    %swap3A_116 = arith.constant 0 : index
    %swap3A_117 = vector.load %arg6[%swap3A, %swap3A_116] : memref<8x128xf32, #tpu.memory_space<vmem>>, vector<8x128xf32>
    tpu.vector_store %arg6[%swap3A, %swap3A_116], %add3A_115 {strides = array<i32>} : memref<8x128xf32, #tpu.memory_space<vmem>>, vector<8x128xf32>,
    return
  }
  func.func @transform_0(%arg0: i32) -> (i32, i32, i32) {
    %c0_i32 = arith.constant 0 : i32
    %c0_i32_0 = arith.constant 0 : i32
    %c0_i32_1 = arith.constant 0 : i32
    return %c0_i32, %arg0, %c0_i32_0 : i32, i32, i32
  }
  func.func @transform_1(%arg0: i32) -> (i32, i32) {
    %c0_i32 = arith.constant 0 : i32
    %c0_i32_0 = arith.constant 0 : i32
    return %arg0, %c0_i32 : i32, i32
  }
  func.func @transform_2(%arg0: i32) -> (i32, i32) {
    %c0_i32 = arith.constant 0 : i32
    %c0_i32_0 = arith.constant 0 : i32
    return %arg0, %c0_i32 : i32, i32
  }
  func.func @transform_3(%arg0: i32) -> (i32, i32) {
    %c0_i32 = arith.constant 0 : i32
    %c0_i32_0 = arith.constant 0 : i32
    %c0_i32_1 = arith.constant 0 : i32
    return %c0_i32, %c0_i32_0 : i32, i32
  }
  func.func @transform_4(%arg0: i32) -> (i32, i32) {
    %c0_i32 = arith.constant 0 : i32
    %c0_i32_0 = arith.constant 0 : i32
    return %arg0, %c0_i32 : i32, i32
  }
  func.func @transform_5(%arg0: i32) -> (i32, i32) {
    %c0_i32 = arith.constant 0 : i32
    %c0_i32_0 = arith.constant 0 : i32
    %c0_i32_1 = arith.constant 0 : i32
    return %c0_i32, %c0_i32_0 : i32, i32
  }
}

</mosaic_0001>

<sc_bundles>
// kernel: kernel.10.cloned.1.call-start
scs
__scs_entry_jumppad:
0x0: {  	(pc) =	sbr.rel $0x88, $3  }
0x1: {  	(tag) =	ssettag $0x0;
	lr =	simm.s32 $0x1  }
0x2: {  	[smem:$0x3F98] =	sst lr;
	_ =	strace $0xD0000000  }
0x3: {  	_ = 	snop  }
0x4: {  	_ = 	snop  }
0x5: {  	_ = 	snop  }
0x6: {  	_ = 	snop  }
0x7: {  	_ = 	snop  }
__scs_overlays_trampoline_lowered:
0x8: {  	[smem:$0x3FA7] =	sst s0  }
0x9: {  	[smem:$0x3FA8] =	sst s1  }
0xa: {  	[smem:$0x3FA9] =	sst s2  }
0xb: {  	[smem:$0x3FAA] =	sst s3  }
0xc: {  	[smem:$0x3FAB] =	sst s4  }
0xd: {  	[smem:$0x3FAC] =	sst s5  }
0xe: {  	[smem:$0x3FAD] =	sst s6  }
0xf: {  	[smem:$0x3FAE] =	sst s7  }
0x10: {  	[smem:$0x3FAF] =	sst s8  }
0x11: {  	[smem:$0x3FB0] =	sst s9;
	s0 =	simm.s32 @!p0 $0x0  }
0x12: {  	s1 =	sld [smem:$0x3F96];
	s0 =	simm.s32 @p0 $0x1  }
0x13: {  	[smem:$0x3FB1] =	sst s0;
	s0 =	simm.s32 @!p1 $0x0  }
0x14: {  	s2 =	sld [smem:$0x3F95];
	s0 =	simm.s32 @p1 $0x1  }
0x15: {  	[smem:$0x3FB2] =	sst s0;
	s0 =	simm.s32 @!p2 $0x0  }
0x16: {  	s3 =	sld [smem:$0x3FDB];
	s0 =	simm.s32 @p2 $0x1  }
0x17: {  	s4 =	simm.s32 $0x1BF5;
	[smem:$0x3FB4] =	sst s0  }
0x18: {  	s0 =	sld [smem:$0x3F97];
	_ =	swait.ge [sflag:s4], $0x0  }
0x19: {  	s7 =	sld [smem:$0x3F98]  }
0x1a: {  	s8 =	sadd.s32 $0xFFFFE003, lr  }
0x1b: {  	s9 =	sadd.s32 $0xFFFFFEF7, lr;
	s5 =	simm.s32 $0xFFFFFFFF;
	p2 =	slt.u32 s8, $0xFFFFF086  }
0x1c: {  	p1 =	slt.u32 s9, $0xF7A;
	s5 =	simm.s32 @!p2 $0x0  }
0x1d: {  	s5 =	simm.s32 @p1 $0x1;
	p0 =	seq.s32 s7, s2  }
0x1e: {  	s7 =	smul.u32 @!p0 $0xF7A, s2;
	p2 =	seq.s32 @!p0 s5, $0x0  }
0x1f: {  	s9 =	smul.u32 $0xF7A, s1;
	s8 =	simm.s32 @!p0 $0x1BF5;
	p2 =	por !p2, p0  }
0x20: {  	[sflag:s8] =	ssyncset.s32 @!p0 $0xFFFFF086;
	s6 =	sadd.s32 @!p0 s3, s7;
	s7 =	simm.s32 @!p0 $0x108  }
0x21: {  	s3 =	sadd.s32 s3, s9;
	s6 =	sadd.s32 @!p0 $0x88, s6;
	s7 =	simm.s32 @p2 $0x1082  }
0x22: {  	[simem:s7], [sflag:s8] =	dma.local @!p0 [hbm:s6], $0xF7A  }
0x23: {  	s9 =	sor.u32 $0xD0000000, s2;
	s6 =	simm.s32 $0x108;
	_ =	swait.ge @!p0 [sflag:s8], $0x0  }
0x24: {  	s3 =	sadd.s32 $0x88, s3;
	s6 =	simm.s32 @!p1 $0x1082;
	[sflag:s4] =	ssyncset.s32 $0xFFFFF086  }
0x25: {  	[simem:s6], [sflag:s4] =	dma.local [hbm:s3], $0xF7A  }
0x26: {  	[smem:$0x3F98] =	sst s1;
	(tag) =	ssettag s2;
	_ =	strace s9  }
0x27: {  	s1 =	sld [smem:$0x3FA8]  }
0x28: {  	s2 =	sld [smem:$0x3FA9]  }
0x29: {  	s4 =	sld [smem:$0x3FAB]  }
0x2a: {  	p0 =	seq.s32 s5, $0x0;
	s5 =	sld [smem:$0x3FAC]  }
0x2b: {  	s6 =	sld [smem:$0x3FAD]  }
0x2c: {  	s7 =	sld [smem:$0x3FAE]  }
0x2d: {  	s3 =	simm.s32 $0x108;
	s8 =	sld [smem:$0x3FAF]  }
0x2e: {  	s3 =	simm.s32 @!p0 $0x1082;
	s9 =	sld [smem:$0x3FB0]  }
0x2f: {  	lr =	sadd.s32 s0, s3;
	s0 =	sld [smem:$0x3FA7]  }
0x30: {  	s3 =	sld [smem:$0x3FAA]  }
0x31: {  	[smem:$0x3FB3] =	sst s10  }
0x32: {  	s10 =	sld [smem:$0x3FB1];
	_ =	sdelay $0x3  }
0x33: {  	p0 =	seq.s32 s10, $0x1;
	s10 =	sld [smem:$0x3FB3];
	_ =	sdelay $0x3  }
0x34: {  	[smem:$0x3FB3] =	sst s10  }
0x35: {  	s10 =	sld [smem:$0x3FB2];
	_ =	sdelay $0x3  }
0x36: {  	p1 =	seq.s32 s10, $0x1;
	s10 =	sld [smem:$0x3FB3];
	_ =	sdelay $0x3  }
0x37: {  	[smem:$0x3FB3] =	sst s10  }
0x38: {  	s10 =	sld [smem:$0x3FB4]  }
0x39: {  	_ = 	snop;
	(pc) =	sbr.ind lr, $3  }
0x3a: {  	_ = 	snop  }
0x3b: {  	_ = 	snop  }
0x3c: {  	p2 =	seq.s32 s10, $0x1;
	s10 =	sld [smem:$0x3FB3]  }
0x3d: {  	_ =	shalt  }
0x3e: {  	_ =	shalt  }
0x3f: {  	_ =	shalt  }
0x40: {  	_ =	shalt  }
0x41: {  	_ =	shalt  }
0x42: {  	_ =	shalt  }
0x43: {  	_ =	shalt  }
0x44: {  	_ =	shalt  }
0x45: {  	_ =	shalt  }
0x46: {  	_ =	shalt  }
0x47: {  	_ =	shalt  }
0x48: {  	_ =	shalt  }
0x49: {  	_ =	shalt  }
0x4a: {  	_ =	shalt  }
0x4b: {  	_ =	shalt  }
0x4c: {  	_ =	shalt  }
0x4d: {  	_ =	shalt  }
0x4e: {  	_ =	shalt  }
0x4f: {  	_ =	shalt  }
0x50: {  	_ =	shalt  }
0x51: {  	_ =	shalt  }
0x52: {  	_ =	shalt  }
0x53: {  	_ =	shalt  }
0x54: {  	_ =	shalt  }
0x55: {  	_ =	shalt  }
0x56: {  	_ =	shalt  }
0x57: {  	_ =	shalt  }
0x58: {  	_ =	shalt  }
0x59: {  	_ =	shalt  }
0x5a: {  	_ =	shalt  }
0x5b: {  	_ =	shalt  }
0x5c: {  	_ =	shalt  }
0x5d: {  	_ =	shalt  }
0x5e: {  	_ =	shalt  }
0x5f: {  	_ =	shalt  }
0x60: {  	_ =	shalt  }
0x61: {  	_ =	shalt  }
0x62: {  	_ =	shalt  }
0x63: {  	_ =	shalt  }
0x64: {  	_ =	shalt  }
0x65: {  	_ =	shalt  }
0x66: {  	_ =	shalt  }
0x67: {  	_ =	shalt  }
0x68: {  	_ =	shalt  }
0x69: {  	_ =	shalt  }
0x6a: {  	_ =	shalt  }
0x6b: {  	_ =	shalt  }
0x6c: {  	_ =	shalt  }
0x6d: {  	_ =	shalt  }
0x6e: {  	_ =	shalt  }
0x6f: {  	_ =	shalt  }
0x70: {  	_ =	shalt  }
0x71: {  	_ =	shalt  }
0x72: {  	_ =	shalt  }
0x73: {  	_ =	shalt  }
0x74: {  	_ =	shalt  }
0x75: {  	_ =	shalt  }
0x76: {  	_ =	shalt  }
0x77: {  	_ =	shalt  }
0x78: {  	_ =	shalt  }
0x79: {  	_ =	shalt  }
0x7a: {  	_ =	shalt  }
0x7b: {  	_ =	shalt  }
0x7c: {  	_ =	shalt  }
0x7d: {  	_ =	shalt  }
0x7e: {  	_ =	shalt  }
0x7f: {  	_ =	shalt  }
0x80: {  	_ =	shalt  }
0x81: {  	_ =	shalt  }
0x82: {  	_ =	shalt  }
0x83: {  	_ =	shalt  }
0x84: {  	_ =	shalt  }
0x85: {  	_ =	shalt  }
0x86: {  	_ =	shalt  }
0x87: {  	_ =	shalt  }
.Lfunc_end0:
.L_simem_size_0:
called_computation_lowered:
.L_overlay_start_0:
0x88: {  	s2 =	sld [smem:$0x3FD9]  }
0x89: {  	s3 =	sld [smem:$0x3FFE];
	_ =	sdelay $0x1  }
0x8a: {  	s1 =	srdreg.scid  }
0x8b: {  	s0 =	sand.u32 $0x1, s1  }
0x8c: {  	s16 =	sshll.u32 s0, $0xA;
	s2 =	sadd.s32 s3, s2  }
0x8d: {  	s2 =	sadd.s32 s2, s16  }
0x8e: {  	[smem:$0x3FBF] =	sst s2  }
0x8f: {  	_ = 	snop  }
0x90: {  	(tm) =	ssettm $0x1  }
0x91: {  	s17 =	sld [smem:$0x3FFB];
	_ =	sdelay $0x3  }
0x92: {  	_ =	strace s17  }
0x93: {  	s2 =	sld [smem:$0x3FFC];
	_ =	sdelay $0x3  }
0x94: {  	_ =	strace s2  }
0x95: {  	s2 =	sld [smem:$0x3FFD];
	_ =	sdelay $0x3  }
0x96: {  	_ =	strace s2  }
0x97: {  	_ =	strace $0x8FFFFFFF  }
0x98: {  	s18 =	sld [smem:$0x3FDB];
	_ =	sdelay $0x1  }
0x99: {  	s19 =	simm.s32 $_scs_section_size  }
0x9a: {  	s4 =	simm.s32 $_size__tile_overlayer_lowered;
	s5 =	simm.s32 $_tile_overlayer_lowered  }
0x9b: {  	s22 =	simm.s32 $0x1BFF;
	s21 =	sshll.u32 s5, $0x1;
	s2 =	sadd.s32 s19, s18  }
0x9c: {  	s6 =	simm.s32 $0x0;
	s20 =	sshll.u32 s4, $0x1;
	s4 =	sadd.s32 s21, s2  }
0x9d: {  	[timem:s6], [sflag:s22] =	dma.local [hbm:s4], s20  }
0x9e: {  	_ =	swait.ge [sflag:s22], s20  }
0x9f: {  	s3 =	ssub.s32 $0x0, s20;
	[sflag:s22] =	ssyncset.done $0x0  }
0xa0: {  	[sflag:s22] =	ssyncadd.s32 s3;
	_ =	sdelay $0x1  }
0xa1: {  	s23 =	simm.s32 $0x1B8B  }
0xa2: {  	_ =	swait.ge [sflag:s23], $0x1  }
0xa3: {  	[sflag:s23] =	ssyncset.done $0x0  }
0xa4: {  	s25 =	simm.s32 $0x1B8E;
	s24 =	sld [smem:$0x3FFE];
	[sflag:s23] =	ssyncadd.s32 $0xFFFFFFFF  }
0xa5: {  	s26 =	simm.s32 $execute0_lowered;
	[smem:$0x3FD2] =	sst s25  }
0xa6: {  	s4 =	sshll.u32 s26, $0x1;
	_ =	strace $0x80000046;
	[dreg:$0x1] =	wrdreg $0xFFFFFFFF  }
0xa7: {  	s28 =	simm.s32 $_size_execute0_lowered;
	s2 =	sadd.s32 s2, s4;
	[dreg:$0x0] =	wrdreg $0x0  }
0xa8: {  	s4 =	sshll.u32 s28, $0x1;
	[dreg:$0x2] =	wrdreg s2  }
0xa9: {  	[dreg:$0x3] =	wrdreg s4  }
0xaa: {  	[dreg:$0x4] =	wrdreg $0xC0  }
0xab: {  	_ =	task [dreg:s6], $0x5FFFF  }
0xac: {  	[dreg:$0x1] =	wrdreg $0xFFFFFFFF  }
0xad: {  	[dreg:$0x0] =	wrdreg $0x60  }
0xae: {  	[dreg:$0x2] =	wrdreg s24  }
0xaf: {  	[dreg:$0x3] =	wrdreg $0x68000  }
0xb0: {  	[dreg:$0x4] =	wrdreg $0x9  }
0xb1: {  	_ =	task.clear_ibuf [dreg:s6], $0x5FFFF;
	_ =	strace $0x90000046  }
0xb2: {  	s29 =	simm.s32 $0x9;
	_ =	strace $0x80000048  }
0xb3: {  	_ =	swait.ge [sflag:s29], $0x1  }
0xb4: {  	[sflag:s29] =	ssyncadd.s32 $0xFFFFFFFF  }
0xb5: {  	_ =	strace $0x90000048  }
0xb6: {  	_ =	sfence  }
0xb7: {  	s30 =	sld [smem:$0x0];
	_ =	sdelay $0x2  }
0xb8: {  	s31 =	sshll.u32 s1, $0xD;
	s1 =	sshrl.u32 s1, $0x2  }
0xb9: {  	s3 =	sand.u32 $0x4000, s31;
	s1 =	sadd.s32 s1, s30  }
0xba: {  	s0 =	sor.u32 s3, s0;
	s1 =	sshll.u32 s1, $0x11  }
0xbb: {  	s0 =	sor.u32 s1, s0  }
0xbc: {  	s0 =	sadd.s32 $0x8F2B, s0  }
0xbd: {  	[sflag:s0] =	ssyncadd.remote.s32 $0x1  }
0xbe: {  	_ =	sfence.sel $0xFFFF  }
0xbf: {  	[dreg:$0x0] =	wrdreg $0xFFFFFFFF;
	(pc) =	sbr.abs _section_cstart, $3  }
0xc0: {  	[dreg:$0x1] =	wrdreg $0xFFFFFFFF  }
0xc1: {  	_ =	task.clear_ibuf [dreg:s6], $0x2FFFF;
	_ =	strace $0x9FFFFFFF  }
0xc2: {  	(tm) =	ssettm $0x7FFFFFFF  }
0xc3: {  	_ =	shalt  }
tec
execute0_lowered:
.L_overlay_start_1:
0x0: {  	(tag) =	ssettag $0x1  }
0x1: {  	s1 =	srdreg.scid;
	s5 =	rddreg [dreg:$0x0]  }
0x2: {  	s0 =	stileid.u32;
	s2 =	rddreg [dreg:$0x1];
	s3 =	simm.s32 $0x0  }
0x3: {  	s14 =	simm.s32 $0x0;
	s6 =	sand.u32 $0x1, s1;
	s1 =	rddreg [dreg:$0x2]  }
0x4: {  	s28 =	sshll.u32 s0, $0x1;
	[smem:$0x7FF] =	sst s3;
	s7 =	smul.u32 $0x13C00, s0  }
0x5: {  	s29 =	smul.u32 $0x4F000, s0;
	s31 =	sshll.u32 s0, $0x6;
	s4 =	sor.u32 s6, s28  }
0x6: {  	_ =	strace $0x80000047;
	s8 =	smul.u32 $0x13C000, s6;
	s6 =	ssub.s32 $0x2, s6  }
0x7: {  	s4 =	smul.u32 $0x500, s4;
	s10 =	sshrl.u32 s7, $0x3;
	s11 =	sshrl.u32 s6, $0x1  }
0x8: {  	s30 =	sshrl.u32 s29, $0x2;
	s7 =	sadd.s32 s7, s8;
	s10 =	sadd.s32 s10, s5  }
0x9: {  	s11 =	ssub.s32 s6, s11;
	s13 =	sadd.s32 s30, s2;
	s6 =	sor.u32 $0x1C01, s31  }
0xa: {  	s9 =	sadd.s32 s4, s5;
	s4 =	sadd.s32 $0x18400, s5;
	s7 =	sshrl.u32 s7, $0x3  }
0xb: {  	s12 =	sadd.s32 s7, s5;
	s5 =	sadd.s32 $0x18C00, s10;
	s7 =	sadd.s32 $0x4400, s9  }
0xc: {  	s9 =	smax.u32 s11, $0x1;
	s10 =	sshrl.u32 s13, $0x3;
	s11 =	simm.s32 $0x1  }
0xd: {  	s13 =	simm.s32 $0x80;
	s8 =	sadd.s32 $0x40400, s12;
	s12 =	simm.s32 $0x2800  }
.LBB2_1:
0xe: {  	[spmem:s10], [sflag:s6] =	dma.local [hbm:s5], $0x2780  }
0xf: {  	_ =	swait.ge [sflag:s11], $0x2780  }
0x10: {  	[sflag:s11] =	ssyncset.done $0x0  }
0x11: {  	[sflag:s11] =	ssyncadd.s32 $0xFFFFD880  }
0x12: {  	[tilespmem:s12], [sflag:$0x1] =	stream.linear.gather [hbm4b:s4+s3], $0x4000, $0x38;
	[tilespmem:$0x1A400] =	vst v63  }
0x13: {  	_ =	swait.ge [sflag:s11], $0x4000  }
0x14: {  	[sflag:s11] =	ssyncset.done $0x0  }
0x15: {  	[sflag:s11] =	ssyncadd.s32 $0xFFFFC000  }
0x16: {  	[tilespmem:s3], [sflag:$0x1] =	stream.linear.gather [hbm4b:s7+s3], $0x2800, $0x38;
	[tilespmem:$0x1A400] =	vst v63  }
0x17: {  	_ =	swait.ge [sflag:s11], $0x2800  }
0x18: {  	[sflag:s11] =	ssyncset.done $0x0  }
0x19: {  	[sflag:s11] =	ssyncadd.s32 $0xFFFFD800  }
0x1a: {  	s15 =	simm.s32 $0x0;
	[bflag:$0x0] =	sbarrier.arrive $0xFFFF  }
0x1b: {  	[spmem:s2] =	stream.indirect.scatter.add.f32 [tilespmem:s12], [sflag:$0x1], $0x80, s15, s13, $0xb8;
	[tilespmem:$0x1A400] =	vst v63  }
0x1c: {  	_ =	swait.ge [sflag:s11], $0x4000  }
0x1d: {  	s15 =	simm.s32 $0x200;
	[sflag:s11] =	ssyncset.done $0x0  }
.LBB2_2:
0x1e: {  	s16 =	sshra.s32 s15, $0x2;
	[sflag:s11] =	ssyncadd.s32 $0xFFFFC000;
	p0 =	sne.s32 s15, $0x9E00  }
0x1f: {  	[spmem:s2] =	stream.indirect.scatter.add.f32 [tilespmem:s12], [sflag:$0x1], $0x80, s16, s13, $0xb8;
	[tilespmem:$0x1A400] =	vst v63  }
.Ltmp0:
0x20: {  	_ = 	snop;
	(pc) =	sbr.rel @p0 .LBB2_2-.Ltmp0, $4  }
0x21: {  	_ = 	snop  }
0x22: {  	s15 =	sadd.s32 $0x200, s15  }
0x23: {  	_ =	swait.ge [sflag:s11], $0x4000  }
0x24: {  	[sflag:s11] =	ssyncset.done $0x0  }
0x25: {  	s14 =	sadd.s32 $0x1, s14  }
0x26: {  	[sflag:s11] =	ssyncadd.s32 $0xFFFFC000;
	p0 =	sne.s32 s14, s9  }
.Ltmp1:
0x27: {  	[bflag:$0x0] =	sbarrier.arrive $0xFFFF;
	(pc) =	sbr.rel @p0 .LBB2_1-.Ltmp1, $4  }
0x28: {  	[hbm:s8], [sflag:s6] =	dma.local [spmem:s10], $0x2780  }
0x29: {  	_ =	swait.ge [sflag:s11], $0x2780  }
0x2a: {  	[sflag:s11] =	ssyncset.done $0x0  }
0x2b: {  	[sflag:s11] =	ssyncadd.s32 $0xFFFFD880  }
0x2c: {  	_ =	sfence.sel $0x180000  }
0x2d: {  	[bflag:$0x0] =	sbarrier.arrive $0xFFFF  }
0x2e: {  	p0 =	sne.s32 s0, $0x0;
	_ =	strace $0x90000047  }
0x2f: {  	s0 =	sadd.s32 @!p0 $0x100000, s1;
	[bflag:$0x2] =	sbarrier.arrive $0xFFFF  }
0x30: {  	[sflag:s0] =	ssyncadd.tile.s32 @!p0 $0x1;
	_ =	shalt  }
.Lfunc_end2:
_tile_overlayer_lowered:
.L_overlay_start_2:
0x31: {  	(tag) =	ssettag $0x2  }
0x32: {  	s0 =	rddreg [dreg:$0x0];
	s2 =	stileid.u32  }
0x33: {  	s1 =	rddreg [dreg:$0x1];
	p0 =	sne.s32 s2, $0x0  }
0x34: {  	s3 =	rddreg [dreg:$0x2];
	[bflag:$0x3] =	sbarrier.arrive $0xFFFF;
	s2 =	simm.s32 @!p0 $0x1C01  }
0x35: {  	[timem:s3], [sflag:s2] =	dma.local @!p0 [hbm:s0], s1  }
0x36: {  	s0 =	simm.s32 @!p0 $0x1  }
0x37: {  	_ =	swait.ge @!p0 [sflag:s0], s1  }
0x38: {  	s1 =	ssub.s32 @!p0 $0x0, s1;
	[sflag:s0] =	ssyncset.done @!p0 $0x0  }
0x39: {  	[sflag:s0] =	ssyncadd.s32 @!p0 s1  }
0x3a: {  	[bflag:$0x3] =	sbarrier.arrive $0xFFFF  }
0x3b: {  	_ =	shalt  }

// kernel: kernel.13.cloned.1.call-start
scs
__scs_entry_jumppad:
0x0: {  	(pc) =	sbr.rel $0x88, $3  }
0x1: {  	(tag) =	ssettag $0x0;
	lr =	simm.s32 $0x1  }
0x2: {  	[smem:$0x3F98] =	sst lr;
	_ =	strace $0xD0000000  }
0x3: {  	_ = 	snop  }
0x4: {  	_ = 	snop  }
0x5: {  	_ = 	snop  }
0x6: {  	_ = 	snop  }
0x7: {  	_ = 	snop  }
__scs_overlays_trampoline_lowered:
0x8: {  	[smem:$0x3FA7] =	sst s0  }
0x9: {  	[smem:$0x3FA8] =	sst s1  }
0xa: {  	[smem:$0x3FA9] =	sst s2  }
0xb: {  	[smem:$0x3FAA] =	sst s3  }
0xc: {  	[smem:$0x3FAB] =	sst s4  }
0xd: {  	[smem:$0x3FAC] =	sst s5  }
0xe: {  	[smem:$0x3FAD] =	sst s6  }
0xf: {  	[smem:$0x3FAE] =	sst s7  }
0x10: {  	[smem:$0x3FAF] =	sst s8  }
0x11: {  	[smem:$0x3FB0] =	sst s9;
	s0 =	simm.s32 @!p0 $0x0  }
0x12: {  	s1 =	sld [smem:$0x3F96];
	s0 =	simm.s32 @p0 $0x1  }
0x13: {  	[smem:$0x3FB1] =	sst s0;
	s0 =	simm.s32 @!p1 $0x0  }
0x14: {  	s2 =	sld [smem:$0x3F95];
	s0 =	simm.s32 @p1 $0x1  }
0x15: {  	[smem:$0x3FB2] =	sst s0;
	s0 =	simm.s32 @!p2 $0x0  }
0x16: {  	s3 =	sld [smem:$0x3FDB];
	s0 =	simm.s32 @p2 $0x1  }
0x17: {  	s4 =	simm.s32 $0x1BF5;
	[smem:$0x3FB4] =	sst s0  }
0x18: {  	s0 =	sld [smem:$0x3F97];
	_ =	swait.ge [sflag:s4], $0x0  }
0x19: {  	s7 =	sld [smem:$0x3F98]  }
0x1a: {  	s8 =	sadd.s32 $0xFFFFE003, lr  }
0x1b: {  	s9 =	sadd.s32 $0xFFFFFEF7, lr;
	s5 =	simm.s32 $0xFFFFFFFF;
	p2 =	slt.u32 s8, $0xFFFFF086  }
0x1c: {  	p1 =	slt.u32 s9, $0xF7A;
	s5 =	simm.s32 @!p2 $0x0  }
0x1d: {  	s5 =	simm.s32 @p1 $0x1;
	p0 =	seq.s32 s7, s2  }
0x1e: {  	s7 =	smul.u32 @!p0 $0xF7A, s2;
	p2 =	seq.s32 @!p0 s5, $0x0  }
0x1f: {  	s9 =	smul.u32 $0xF7A, s1;
	s8 =	simm.s32 @!p0 $0x1BF5;
	p2 =	por !p2, p0  }
0x20: {  	[sflag:s8] =	ssyncset.s32 @!p0 $0xFFFFF086;
	s6 =	sadd.s32 @!p0 s3, s7;
	s7 =	simm.s32 @!p0 $0x108  }
0x21: {  	s3 =	sadd.s32 s3, s9;
	s6 =	sadd.s32 @!p0 $0x88, s6;
	s7 =	simm.s32 @p2 $0x1082  }
0x22: {  	[simem:s7], [sflag:s8] =	dma.local @!p0 [hbm:s6], $0xF7A  }
0x23: {  	s9 =	sor.u32 $0xD0000000, s2;
	s6 =	simm.s32 $0x108;
	_ =	swait.ge @!p0 [sflag:s8], $0x0  }
0x24: {  	s3 =	sadd.s32 $0x88, s3;
	s6 =	simm.s32 @!p1 $0x1082;
	[sflag:s4] =	ssyncset.s32 $0xFFFFF086  }
0x25: {  	[simem:s6], [sflag:s4] =	dma.local [hbm:s3], $0xF7A  }
0x26: {  	[smem:$0x3F98] =	sst s1;
	(tag) =	ssettag s2;
	_ =	strace s9  }
0x27: {  	s1 =	sld [smem:$0x3FA8]  }
0x28: {  	s2 =	sld [smem:$0x3FA9]  }
0x29: {  	s4 =	sld [smem:$0x3FAB]  }
0x2a: {  	p0 =	seq.s32 s5, $0x0;
	s5 =	sld [smem:$0x3FAC]  }
0x2b: {  	s6 =	sld [smem:$0x3FAD]  }
0x2c: {  	s7 =	sld [smem:$0x3FAE]  }
0x2d: {  	s3 =	simm.s32 $0x108;
	s8 =	sld [smem:$0x3FAF]  }
0x2e: {  	s3 =	simm.s32 @!p0 $0x1082;
	s9 =	sld [smem:$0x3FB0]  }
0x2f: {  	lr =	sadd.s32 s0, s3;
	s0 =	sld [smem:$0x3FA7]  }
0x30: {  	s3 =	sld [smem:$0x3FAA]  }
0x31: {  	[smem:$0x3FB3] =	sst s10  }
0x32: {  	s10 =	sld [smem:$0x3FB1];
	_ =	sdelay $0x3  }
0x33: {  	p0 =	seq.s32 s10, $0x1;
	s10 =	sld [smem:$0x3FB3];
	_ =	sdelay $0x3  }
0x34: {  	[smem:$0x3FB3] =	sst s10  }
0x35: {  	s10 =	sld [smem:$0x3FB2];
	_ =	sdelay $0x3  }
0x36: {  	p1 =	seq.s32 s10, $0x1;
	s10 =	sld [smem:$0x3FB3];
	_ =	sdelay $0x3  }
0x37: {  	[smem:$0x3FB3] =	sst s10  }
0x38: {  	s10 =	sld [smem:$0x3FB4]  }
0x39: {  	_ = 	snop;
	(pc) =	sbr.ind lr, $3  }
0x3a: {  	_ = 	snop  }
0x3b: {  	_ = 	snop  }
0x3c: {  	p2 =	seq.s32 s10, $0x1;
	s10 =	sld [smem:$0x3FB3]  }
0x3d: {  	_ =	shalt  }
0x3e: {  	_ =	shalt  }
0x3f: {  	_ =	shalt  }
0x40: {  	_ =	shalt  }
0x41: {  	_ =	shalt  }
0x42: {  	_ =	shalt  }
0x43: {  	_ =	shalt  }
0x44: {  	_ =	shalt  }
0x45: {  	_ =	shalt  }
0x46: {  	_ =	shalt  }
0x47: {  	_ =	shalt  }
0x48: {  	_ =	shalt  }
0x49: {  	_ =	shalt  }
0x4a: {  	_ =	shalt  }
0x4b: {  	_ =	shalt  }
0x4c: {  	_ =	shalt  }
0x4d: {  	_ =	shalt  }
0x4e: {  	_ =	shalt  }
0x4f: {  	_ =	shalt  }
0x50: {  	_ =	shalt  }
0x51: {  	_ =	shalt  }
0x52: {  	_ =	shalt  }
0x53: {  	_ =	shalt  }
0x54: {  	_ =	shalt  }
0x55: {  	_ =	shalt  }
0x56: {  	_ =	shalt  }
0x57: {  	_ =	shalt  }
0x58: {  	_ =	shalt  }
0x59: {  	_ =	shalt  }
0x5a: {  	_ =	shalt  }
0x5b: {  	_ =	shalt  }
0x5c: {  	_ =	shalt  }
0x5d: {  	_ =	shalt  }
0x5e: {  	_ =	shalt  }
0x5f: {  	_ =	shalt  }
0x60: {  	_ =	shalt  }
0x61: {  	_ =	shalt  }
0x62: {  	_ =	shalt  }
0x63: {  	_ =	shalt  }
0x64: {  	_ =	shalt  }
0x65: {  	_ =	shalt  }
0x66: {  	_ =	shalt  }
0x67: {  	_ =	shalt  }
0x68: {  	_ =	shalt  }
0x69: {  	_ =	shalt  }
0x6a: {  	_ =	shalt  }
0x6b: {  	_ =	shalt  }
0x6c: {  	_ =	shalt  }
0x6d: {  	_ =	shalt  }
0x6e: {  	_ =	shalt  }
0x6f: {  	_ =	shalt  }
0x70: {  	_ =	shalt  }
0x71: {  	_ =	shalt  }
0x72: {  	_ =	shalt  }
0x73: {  	_ =	shalt  }
0x74: {  	_ =	shalt  }
0x75: {  	_ =	shalt  }
0x76: {  	_ =	shalt  }
0x77: {  	_ =	shalt  }
0x78: {  	_ =	shalt  }
0x79: {  	_ =	shalt  }
0x7a: {  	_ =	shalt  }
0x7b: {  	_ =	shalt  }
0x7c: {  	_ =	shalt  }
0x7d: {  	_ =	shalt  }
0x7e: {  	_ =	shalt  }
0x7f: {  	_ =	shalt  }
0x80: {  	_ =	shalt  }
0x81: {  	_ =	shalt  }
0x82: {  	_ =	shalt  }
0x83: {  	_ =	shalt  }
0x84: {  	_ =	shalt  }
0x85: {  	_ =	shalt  }
0x86: {  	_ =	shalt  }
0x87: {  	_ =	shalt  }
.Lfunc_end0:
.L_simem_size_0:
called_computation.1_lowered:
.L_overlay_start_0:
0x88: {  	s2 =	sld [smem:$0x3FD9]  }
0x89: {  	s3 =	sld [smem:$0x3FFE];
	_ =	sdelay $0x1  }
0x8a: {  	s1 =	srdreg.scid  }
0x8b: {  	s0 =	sand.u32 $0x1, s1  }
0x8c: {  	s16 =	sshll.u32 s0, $0xA;
	s2 =	sadd.s32 s3, s2  }
0x8d: {  	s2 =	sadd.s32 s2, s16  }
0x8e: {  	[smem:$0x3FBF] =	sst s2  }
0x8f: {  	_ = 	snop  }
0x90: {  	(tm) =	ssettm $0x1  }
0x91: {  	s17 =	sld [smem:$0x3FFB];
	_ =	sdelay $0x3  }
0x92: {  	_ =	strace s17  }
0x93: {  	s2 =	sld [smem:$0x3FFC];
	_ =	sdelay $0x3  }
0x94: {  	_ =	strace s2  }
0x95: {  	s2 =	sld [smem:$0x3FFD];
	_ =	sdelay $0x3  }
0x96: {  	_ =	strace s2  }
0x97: {  	_ =	strace $0x8FFFFFFF  }
0x98: {  	s18 =	sld [smem:$0x3FDB];
	_ =	sdelay $0x1  }
0x99: {  	s19 =	simm.s32 $_scs_section_size  }
0x9a: {  	s4 =	simm.s32 $_size__tile_overlayer_lowered;
	s5 =	simm.s32 $_tile_overlayer_lowered  }
0x9b: {  	s22 =	simm.s32 $0x1BFF;
	s21 =	sshll.u32 s5, $0x1;
	s2 =	sadd.s32 s19, s18  }
0x9c: {  	s6 =	simm.s32 $0x0;
	s20 =	sshll.u32 s4, $0x1;
	s4 =	sadd.s32 s21, s2  }
0x9d: {  	[timem:s6], [sflag:s22] =	dma.local [hbm:s4], s20  }
0x9e: {  	_ =	swait.ge [sflag:s22], s20  }
0x9f: {  	s3 =	ssub.s32 $0x0, s20;
	[sflag:s22] =	ssyncset.done $0x0  }
0xa0: {  	[sflag:s22] =	ssyncadd.s32 s3;
	_ =	sdelay $0x1  }
0xa1: {  	s23 =	simm.s32 $0x1B8B  }
0xa2: {  	_ =	swait.ge [sflag:s23], $0x1  }
0xa3: {  	[sflag:s23] =	ssyncset.done $0x0  }
0xa4: {  	s25 =	simm.s32 $0x1B8E;
	s24 =	sld [smem:$0x3FFE];
	[sflag:s23] =	ssyncadd.s32 $0xFFFFFFFF  }
0xa5: {  	s26 =	simm.s32 $execute0_lowered;
	[smem:$0x3FD2] =	sst s25  }
0xa6: {  	s4 =	sshll.u32 s26, $0x1;
	_ =	strace $0x80000049;
	[dreg:$0x1] =	wrdreg $0xFFFFFFFF  }
0xa7: {  	s28 =	simm.s32 $_size_execute0_lowered;
	s2 =	sadd.s32 s2, s4;
	[dreg:$0x0] =	wrdreg $0x0  }
0xa8: {  	s4 =	sshll.u32 s28, $0x1;
	[dreg:$0x2] =	wrdreg s2  }
0xa9: {  	[dreg:$0x3] =	wrdreg s4  }
0xaa: {  	[dreg:$0x4] =	wrdreg $0xC0  }
0xab: {  	_ =	task [dreg:s6], $0x5FFFF  }
0xac: {  	[dreg:$0x1] =	wrdreg $0xFFFFFFFF  }
0xad: {  	[dreg:$0x0] =	wrdreg $0x60  }
0xae: {  	[dreg:$0x2] =	wrdreg s24  }
0xaf: {  	[dreg:$0x3] =	wrdreg $0xA8000  }
0xb0: {  	[dreg:$0x4] =	wrdreg $0x9  }
0xb1: {  	_ =	task.clear_ibuf [dreg:s6], $0x5FFFF;
	_ =	strace $0x90000049  }
0xb2: {  	s29 =	simm.s32 $0x9;
	_ =	strace $0x8000004B  }
0xb3: {  	_ =	swait.ge [sflag:s29], $0x1  }
0xb4: {  	[sflag:s29] =	ssyncadd.s32 $0xFFFFFFFF  }
0xb5: {  	_ =	strace $0x9000004B  }
0xb6: {  	_ =	sfence  }
0xb7: {  	s30 =	sld [smem:$0x0];
	_ =	sdelay $0x2  }
0xb8: {  	s31 =	sshll.u32 s1, $0xD;
	s1 =	sshrl.u32 s1, $0x2  }
0xb9: {  	s3 =	sand.u32 $0x4000, s31;
	s1 =	sadd.s32 s1, s30  }
0xba: {  	s0 =	sor.u32 s3, s0;
	s1 =	sshll.u32 s1, $0x11  }
0xbb: {  	s0 =	sor.u32 s1, s0  }
0xbc: {  	s0 =	sadd.s32 $0x8F2B, s0  }
0xbd: {  	[sflag:s0] =	ssyncadd.remote.s32 $0x1  }
0xbe: {  	_ =	sfence.sel $0xFFFF  }
0xbf: {  	[dreg:$0x0] =	wrdreg $0xFFFFFFFF;
	(pc) =	sbr.abs _section_cstart, $3  }
0xc0: {  	[dreg:$0x1] =	wrdreg $0xFFFFFFFF  }
0xc1: {  	_ =	task.clear_ibuf [dreg:s6], $0x2FFFF;
	_ =	strace $0x9FFFFFFF  }
0xc2: {  	(tm) =	ssettm $0x7FFFFFFF  }
0xc3: {  	_ =	shalt  }
tec
execute0_lowered:
.L_overlay_start_1:
0x0: {  	(tag) =	ssettag $0x1  }
0x1: {  	s5 =	rddreg [dreg:$0x0]  }
0x2: {  	s2 =	rddreg [dreg:$0x1]  }
0x3: {  	s0 =	rddreg [dreg:$0x2];
	s3 =	simm.s32 $0x0;
	s1 =	stileid.u32  }
0x4: {  	s4 =	srdreg.scid;
	s15 =	simm.s32 $0x1400;
	s16 =	simm.s32 $0x80  }
0x5: {  	s17 =	simm.s32 $0x2800;
	s18 =	simm.s32 $0x6800;
	s19 =	simm.s32 $0x1  }
0x6: {  	s20 =	simm.s32 $0x2;
	s21 =	simm.s32 $0x1380;
	s22 =	simm.s32 $0x2700  }
0x7: {  	[smem:$0x7FF] =	sst s3;
	s6 =	smul.u32 $0x13C00, s1;
	s7 =	sand.u32 $0x1, s4  }
0x8: {  	s4 =	sadd.s32 $0x40400, s5;
	s11 =	sadd.s32 $0xE400, s5;
	s12 =	sadd.s32 $0x4400, s5  }
0x9: {  	s10 =	smul.u32 $0x4F000, s1;
	s25 =	sshll.u32 s1, $0x1;
	s29 =	sshll.u32 s1, $0x6  }
0xa: {  	_ =	strace $0x8000004A;
	s8 =	smul.u32 $0x13C000, s7;
	s23 =	ssub.s32 $0x2, s7  }
0xb: {  	s26 =	sor.u32 s7, s25;
	s9 =	sshrl.u32 s6, $0x3;
	s24 =	sshrl.u32 s23, $0x1  }
0xc: {  	s28 =	sshrl.u32 s10, $0x2;
	s30 =	smul.u32 $0x500, s26;
	s9 =	sadd.s32 s9, s5  }
0xd: {  	s6 =	sadd.s32 s6, s8;
	s8 =	ssub.s32 s23, s24;
	s14 =	sadd.s32 s28, s2  }
0xe: {  	s23 =	simm.s32 $0x2780;
	s24 =	simm.s32 $0x0;
	s6 =	sshrl.u32 s6, $0x3  }
0xf: {  	s8 =	smax.u32 s8, $0x1;
	s31 =	sadd.s32 $0x280, s30;
	s10 =	sadd.s32 s12, s30  }
0x10: {  	s13 =	sadd.s32 s6, s5;
	s5 =	sadd.s32 $0x18C00, s9;
	s6 =	sor.u32 $0x1C03, s29  }
0x11: {  	s9 =	sadd.s32 s11, s30;
	s11 =	sadd.s32 s11, s31;
	s12 =	sadd.s32 s12, s31  }
0x12: {  	s7 =	sadd.s32 $0x67600, s13;
	s13 =	sshrl.u32 s14, $0x3;
	s14 =	simm.s32 $0x3  }
.LBB2_1:
0x13: {  	[spmem:s13], [sflag:s6] =	dma.local [hbm:s5], $0x2780  }
0x14: {  	_ =	swait.ge [sflag:s14], $0x2780  }
0x15: {  	[sflag:s14] =	ssyncset.done $0x0  }
0x16: {  	[sflag:s14] =	ssyncadd.s32 $0xFFFFD880  }
0x17: {  	[bflag:$0x0] =	sbarrier.arrive $0xFFFF  }
0x18: {  	[tilespmem:s3], [sflag:$0x3] =	stream.linear.gather [hbm4b:s9+s3], $0x1400, $0x38;
	[tilespmem:$0x1E400] =	vst v63  }
0x19: {  	_ =	swait.ge [sflag:s14], $0x1400  }
0x1a: {  	[sflag:s14] =	ssyncset.done $0x0  }
0x1b: {  	[sflag:s14] =	ssyncadd.s32 $0xFFFFEC00  }
0x1c: {  	[tilespmem:s15], [sflag:$0x3] =	stream.linear.gather [hbm4b:s10+s3], $0x1400, $0x38;
	[tilespmem:$0x1E400] =	vst v63  }
0x1d: {  	_ =	swait.ge [sflag:s14], $0x1400  }
0x1e: {  	[sflag:s14] =	ssyncset.done $0x0  }
0x1f: {  	[sflag:s14] =	ssyncadd.s32 $0xFFFFEC00  }
0x20: {  	[tilespmem:s17], [sflag:$0x1] =	stream.indirect.gather [hbm4b:s4+s16], $0x80, s3, s16, $0xb8;
	[tilespmem:$0x1E400] =	vst v63  }
0x21: {  	s25 =	simm.s32 $0x80  }
0x22: {  	[tilespmem:s18], [sflag:$0x2] =	stream.indirect.gather [hbm4b:s4+s16], $0x80, s25, s16, $0xb8;
	[tilespmem:$0x1E400] =	vst v63  }
0x23: {  	_ =	swait.ge [sflag:s19], $0x4000  }
0x24: {  	[sflag:s19] =	ssyncset.done $0x0  }
0x25: {  	s29 =	simm.s32 $0x1400;
	[sflag:s19] =	ssyncadd.s32 $0xFFFFC000  }
0x26: {  	[spmem:s2] =	stream.indirect.scatter.add.f32 [tilespmem:s17], [sflag:$0x3], $0x80, s29, s16, $0xb8;
	[tilespmem:$0x1E400] =	vst v63  }
0x27: {  	_ =	swait.ge [sflag:s14], $0x4000  }
0x28: {  	[sflag:s14] =	ssyncset.done $0x0  }
0x29: {  	s30 =	simm.s32 $0x100;
	[sflag:s14] =	ssyncadd.s32 $0xFFFFC000  }
0x2a: {  	[tilespmem:s17], [sflag:$0x1] =	stream.indirect.gather [hbm4b:s4+s16], $0x80, s30, s16, $0xb8;
	[tilespmem:$0x1E400] =	vst v63  }
0x2b: {  	_ =	swait.ge [sflag:s20], $0x4000  }
0x2c: {  	[sflag:s20] =	ssyncset.done $0x0  }
0x2d: {  	s31 =	simm.s32 $0x1480;
	[sflag:s20] =	ssyncadd.s32 $0xFFFFC000  }
0x2e: {  	[spmem:s2] =	stream.indirect.scatter.add.f32 [tilespmem:s18], [sflag:$0x3], $0x80, s31, s16, $0xb8;
	[tilespmem:$0x1E400] =	vst v63  }
0x2f: {  	_ =	swait.ge [sflag:s14], $0x4000  }
0x30: {  	s26 =	simm.s32 $0x800;
	s25 =	simm.s32 $0x100;
	[sflag:s14] =	ssyncset.done $0x0  }
.LBB2_2:
0x31: {  	s28 =	sadd.s32 $0x80, s25  }
0x32: {  	[sflag:s14] =	ssyncadd.s32 $0xFFFFC000;
	s29 =	smov.u32 s26;
	s30 =	sadd.s32 $0x400, s26  }
0x33: {  	[tilespmem:s18], [sflag:$0x2] =	stream.indirect.gather [hbm4b:s4+s16], $0x80, s28, s16, $0xb8;
	[tilespmem:$0x1E400] =	vst v63  }
0x34: {  	p0 =	sne.s32 s26, $0x4800;
	_ =	swait.ge [sflag:s19], $0x4000  }
0x35: {  	[sflag:s19] =	ssyncset.done $0x0  }
0x36: {  	s26 =	sadd.s32 $0x1400, s25;
	[sflag:s19] =	ssyncadd.s32 $0xFFFFC000  }
0x37: {  	[spmem:s2] =	stream.indirect.scatter.add.f32 [tilespmem:s17], [sflag:$0x3], $0x80, s26, s16, $0xb8;
	[tilespmem:$0x1E400] =	vst v63  }
0x38: {  	_ =	swait.ge [sflag:s14], $0x4000  }
0x39: {  	[sflag:s14] =	ssyncset.done $0x0  }
0x3a: {  	s26 =	sadd.s32 $0x100, s25;
	[sflag:s14] =	ssyncadd.s32 $0xFFFFC000  }
0x3b: {  	[tilespmem:s17], [sflag:$0x1] =	stream.indirect.gather [hbm4b:s4+s16], $0x80, s26, s16, $0xb8;
	[tilespmem:$0x1E400] =	vst v63  }
0x3c: {  	_ =	swait.ge [sflag:s20], $0x4000  }
.Ltmp0:
0x3d: {  	[sflag:s20] =	ssyncset.done $0x0;
	(pc) =	sbr.rel @p0 .LBB2_2-.Ltmp0, $4  }
0x3e: {  	s25 =	sadd.s32 $0x1480, s25;
	[sflag:s20] =	ssyncadd.s32 $0xFFFFC000  }
0x3f: {  	[spmem:s2] =	stream.indirect.scatter.add.f32 [tilespmem:s18], [sflag:$0x3], $0x80, s25, s16, $0xb8;
	[tilespmem:$0x1E400] =	vst v63  }
0x40: {  	_ =	swait.ge [sflag:s14], $0x4000  }
0x41: {  	s26 =	smov.u32 s30;
	s25 =	sshra.s32 s29, $0x2;
	[sflag:s14] =	ssyncset.done $0x0  }
0x42: {  	s26 =	sadd.s32 $0x80, s25;
	[sflag:s14] =	ssyncadd.s32 $0xFFFFC000  }
0x43: {  	[tilespmem:s18], [sflag:$0x2] =	stream.indirect.gather [hbm4b:s4+s16], $0x80, s26, s16, $0xb8;
	[tilespmem:$0x1E400] =	vst v63  }
0x44: {  	_ =	swait.ge [sflag:s19], $0x4000  }
0x45: {  	[sflag:s19] =	ssyncset.done $0x0  }
0x46: {  	s29 =	sadd.s32 $0x1400, s25;
	[sflag:s19] =	ssyncadd.s32 $0xFFFFC000  }
0x47: {  	[spmem:s2] =	stream.indirect.scatter.add.f32 [tilespmem:s17], [sflag:$0x3], $0x80, s29, s16, $0xb8;
	[tilespmem:$0x1E400] =	vst v63  }
0x48: {  	_ =	swait.ge [sflag:s14], $0x4000  }
0x49: {  	[sflag:s14] =	ssyncset.done $0x0  }
0x4a: {  	s30 =	sadd.s32 $0x100, s25;
	[sflag:s14] =	ssyncadd.s32 $0xFFFFC000  }
0x4b: {  	[tilespmem:s17], [sflag:$0x1] =	stream.indirect.gather [hbm4b:s4+s16], $0x80, s30, s16, $0xb8;
	[tilespmem:$0x1E400] =	vst v63  }
0x4c: {  	_ =	swait.ge [sflag:s20], $0x4000  }
0x4d: {  	[sflag:s20] =	ssyncset.done $0x0  }
0x4e: {  	s31 =	sadd.s32 $0x1480, s25;
	[sflag:s20] =	ssyncadd.s32 $0xFFFFC000  }
0x4f: {  	[spmem:s2] =	stream.indirect.scatter.add.f32 [tilespmem:s18], [sflag:$0x3], $0x80, s31, s16, $0xb8;
	[tilespmem:$0x1E400] =	vst v63  }
0x50: {  	_ =	swait.ge [sflag:s14], $0x4000  }
0x51: {  	[sflag:s14] =	ssyncset.done $0x0  }
0x52: {  	[sflag:s14] =	ssyncadd.s32 $0xFFFFC000  }
0x53: {  	[tilespmem:s18], [sflag:$0x2] =	stream.indirect.gather [hbm4b:s4+s16], $0x80, s21, s16, $0xb8;
	[tilespmem:$0x1E400] =	vst v63  }
0x54: {  	_ =	swait.ge [sflag:s19], $0x4000  }
0x55: {  	[sflag:s19] =	ssyncset.done $0x0  }
0x56: {  	[sflag:s19] =	ssyncadd.s32 $0xFFFFC000  }
0x57: {  	[spmem:s2] =	stream.indirect.scatter.add.f32 [tilespmem:s17], [sflag:$0x3], $0x80, s22, s16, $0xb8;
	[tilespmem:$0x1E400] =	vst v63  }
0x58: {  	_ =	swait.ge [sflag:s14], $0x4000  }
0x59: {  	[sflag:s14] =	ssyncset.done $0x0  }
0x5a: {  	[sflag:s14] =	ssyncadd.s32 $0xFFFFC000  }
0x5b: {  	_ =	swait.ge [sflag:s20], $0x4000  }
0x5c: {  	[sflag:s20] =	ssyncset.done $0x0  }
0x5d: {  	[sflag:s20] =	ssyncadd.s32 $0xFFFFC000  }
0x5e: {  	[spmem:s2] =	stream.indirect.scatter.add.f32 [tilespmem:s18], [sflag:$0x3], $0x80, s23, s16, $0xb8;
	[tilespmem:$0x1E400] =	vst v63  }
0x5f: {  	_ =	swait.ge [sflag:s14], $0x4000  }
0x60: {  	[sflag:s14] =	ssyncset.done $0x0  }
0x61: {  	s26 =	simm.s32 $0x0;
	[sflag:s14] =	ssyncadd.s32 $0xFFFFC000  }
0x62: {  	[tilespmem:s26], [sflag:$0x3] =	stream.linear.gather [hbm4b:s11+s26], $0x1400, $0x38;
	[tilespmem:$0x1E400] =	vst v63  }
0x63: {  	_ =	swait.ge [sflag:s14], $0x1400  }
0x64: {  	[sflag:s14] =	ssyncset.done $0x0  }
0x65: {  	[sflag:s14] =	ssyncadd.s32 $0xFFFFEC00  }
0x66: {  	[tilespmem:s15], [sflag:$0x3] =	stream.linear.gather [hbm4b:s12+s26], $0x1400, $0x38;
	[tilespmem:$0x1E400] =	vst v63  }
0x67: {  	_ =	swait.ge [sflag:s14], $0x1400  }
0x68: {  	[sflag:s14] =	ssyncset.done $0x0  }
0x69: {  	[sflag:s14] =	ssyncadd.s32 $0xFFFFEC00  }
0x6a: {  	[tilespmem:s17], [sflag:$0x1] =	stream.indirect.gather [hbm4b:s4+s16], $0x80, s26, s16, $0xb8;
	[tilespmem:$0x1E400] =	vst v63  }
0x6b: {  	s28 =	simm.s32 $0x80  }
0x6c: {  	[tilespmem:s18], [sflag:$0x2] =	stream.indirect.gather [hbm4b:s4+s16], $0x80, s28, s16, $0xb8;
	[tilespmem:$0x1E400] =	vst v63  }
0x6d: {  	_ =	swait.ge [sflag:s19], $0x4000  }
0x6e: {  	[sflag:s19] =	ssyncset.done $0x0  }
0x6f: {  	s29 =	simm.s32 $0x1400;
	[sflag:s19] =	ssyncadd.s32 $0xFFFFC000  }
0x70: {  	[spmem:s2] =	stream.indirect.scatter.add.f32 [tilespmem:s17], [sflag:$0x3], $0x80, s29, s16, $0xb8;
	[tilespmem:$0x1E400] =	vst v63  }
0x71: {  	_ =	swait.ge [sflag:s14], $0x4000  }
0x72: {  	[sflag:s14] =	ssyncset.done $0x0  }
0x73: {  	s30 =	simm.s32 $0x100;
	[sflag:s14] =	ssyncadd.s32 $0xFFFFC000  }
0x74: {  	[tilespmem:s17], [sflag:$0x1] =	stream.indirect.gather [hbm4b:s4+s16], $0x80, s30, s16, $0xb8;
	[tilespmem:$0x1E400] =	vst v63  }
0x75: {  	_ =	swait.ge [sflag:s20], $0x4000  }
0x76: {  	[sflag:s20] =	ssyncset.done $0x0  }
0x77: {  	s31 =	simm.s32 $0x1480;
	[sflag:s20] =	ssyncadd.s32 $0xFFFFC000  }
0x78: {  	[spmem:s2] =	stream.indirect.scatter.add.f32 [tilespmem:s18], [sflag:$0x3], $0x80, s31, s16, $0xb8;
	[tilespmem:$0x1E400] =	vst v63  }
0x79: {  	_ =	swait.ge [sflag:s14], $0x4000  }
0x7a: {  	s25 =	simm.s32 $0x100;
	s26 =	simm.s32 $0x800;
	[sflag:s14] =	ssyncset.done $0x0  }
.LBB2_4:
0x7b: {  	s28 =	sadd.s32 $0x80, s25  }
0x7c: {  	[sflag:s14] =	ssyncadd.s32 $0xFFFFC000;
	s29 =	smov.u32 s26;
	s30 =	sadd.s32 $0x400, s26  }
0x7d: {  	[tilespmem:s18], [sflag:$0x2] =	stream.indirect.gather [hbm4b:s4+s16], $0x80, s28, s16, $0xb8;
	[tilespmem:$0x1E400] =	vst v63  }
0x7e: {  	p0 =	sne.s32 s26, $0x4800;
	_ =	swait.ge [sflag:s19], $0x4000  }
0x7f: {  	[sflag:s19] =	ssyncset.done $0x0  }
0x80: {  	s26 =	sadd.s32 $0x1400, s25;
	[sflag:s19] =	ssyncadd.s32 $0xFFFFC000  }
0x81: {  	[spmem:s2] =	stream.indirect.scatter.add.f32 [tilespmem:s17], [sflag:$0x3], $0x80, s26, s16, $0xb8;
	[tilespmem:$0x1E400] =	vst v63  }
0x82: {  	_ =	swait.ge [sflag:s14], $0x4000  }
0x83: {  	[sflag:s14] =	ssyncset.done $0x0  }
0x84: {  	s26 =	sadd.s32 $0x100, s25;
	[sflag:s14] =	ssyncadd.s32 $0xFFFFC000  }
0x85: {  	[tilespmem:s17], [sflag:$0x1] =	stream.indirect.gather [hbm4b:s4+s16], $0x80, s26, s16, $0xb8;
	[tilespmem:$0x1E400] =	vst v63  }
0x86: {  	_ =	swait.ge [sflag:s20], $0x4000  }
.Ltmp1:
0x87: {  	[sflag:s20] =	ssyncset.done $0x0;
	(pc) =	sbr.rel @p0 .LBB2_4-.Ltmp1, $4  }
0x88: {  	s25 =	sadd.s32 $0x1480, s25;
	[sflag:s20] =	ssyncadd.s32 $0xFFFFC000  }
0x89: {  	[spmem:s2] =	stream.indirect.scatter.add.f32 [tilespmem:s18], [sflag:$0x3], $0x80, s25, s16, $0xb8;
	[tilespmem:$0x1E400] =	vst v63  }
0x8a: {  	_ =	swait.ge [sflag:s14], $0x4000  }
0x8b: {  	s26 =	smov.u32 s30;
	s25 =	sshra.s32 s29, $0x2;
	[sflag:s14] =	ssyncset.done $0x0  }
0x8c: {  	s26 =	sadd.s32 $0x80, s25;
	[sflag:s14] =	ssyncadd.s32 $0xFFFFC000  }
0x8d: {  	[tilespmem:s18], [sflag:$0x2] =	stream.indirect.gather [hbm4b:s4+s16], $0x80, s26, s16, $0xb8;
	[tilespmem:$0x1E400] =	vst v63  }
0x8e: {  	_ =	swait.ge [sflag:s19], $0x4000  }
0x8f: {  	[sflag:s19] =	ssyncset.done $0x0  }
0x90: {  	s29 =	sadd.s32 $0x1400, s25;
	[sflag:s19] =	ssyncadd.s32 $0xFFFFC000  }
0x91: {  	[spmem:s2] =	stream.indirect.scatter.add.f32 [tilespmem:s17], [sflag:$0x3], $0x80, s29, s16, $0xb8;
	[tilespmem:$0x1E400] =	vst v63  }
0x92: {  	_ =	swait.ge [sflag:s14], $0x4000  }
0x93: {  	[sflag:s14] =	ssyncset.done $0x0  }
0x94: {  	s30 =	sadd.s32 $0x100, s25;
	[sflag:s14] =	ssyncadd.s32 $0xFFFFC000  }
0x95: {  	[tilespmem:s17], [sflag:$0x1] =	stream.indirect.gather [hbm4b:s4+s16], $0x80, s30, s16, $0xb8;
	[tilespmem:$0x1E400] =	vst v63  }
0x96: {  	_ =	swait.ge [sflag:s20], $0x4000  }
0x97: {  	[sflag:s20] =	ssyncset.done $0x0  }
0x98: {  	s31 =	sadd.s32 $0x1480, s25;
	[sflag:s20] =	ssyncadd.s32 $0xFFFFC000  }
0x99: {  	[spmem:s2] =	stream.indirect.scatter.add.f32 [tilespmem:s18], [sflag:$0x3], $0x80, s31, s16, $0xb8;
	[tilespmem:$0x1E400] =	vst v63  }
0x9a: {  	_ =	swait.ge [sflag:s14], $0x4000  }
0x9b: {  	[sflag:s14] =	ssyncset.done $0x0  }
0x9c: {  	[sflag:s14] =	ssyncadd.s32 $0xFFFFC000  }
0x9d: {  	[tilespmem:s18], [sflag:$0x2] =	stream.indirect.gather [hbm4b:s4+s16], $0x80, s21, s16, $0xb8;
	[tilespmem:$0x1E400] =	vst v63  }
0x9e: {  	_ =	swait.ge [sflag:s19], $0x4000  }
0x9f: {  	[sflag:s19] =	ssyncset.done $0x0  }
0xa0: {  	[sflag:s19] =	ssyncadd.s32 $0xFFFFC000  }
0xa1: {  	[spmem:s2] =	stream.indirect.scatter.add.f32 [tilespmem:s17], [sflag:$0x3], $0x80, s22, s16, $0xb8;
	[tilespmem:$0x1E400] =	vst v63  }
0xa2: {  	_ =	swait.ge [sflag:s14], $0x4000  }
0xa3: {  	[sflag:s14] =	ssyncset.done $0x0  }
0xa4: {  	[sflag:s14] =	ssyncadd.s32 $0xFFFFC000  }
0xa5: {  	_ =	swait.ge [sflag:s20], $0x4000  }
0xa6: {  	[sflag:s20] =	ssyncset.done $0x0  }
0xa7: {  	[sflag:s20] =	ssyncadd.s32 $0xFFFFC000  }
0xa8: {  	[spmem:s2] =	stream.indirect.scatter.add.f32 [tilespmem:s18], [sflag:$0x3], $0x80, s23, s16, $0xb8;
	[tilespmem:$0x1E400] =	vst v63  }
0xa9: {  	_ =	swait.ge [sflag:s14], $0x4000  }
0xaa: {  	s24 =	sadd.s32 $0x1, s24;
	[sflag:s14] =	ssyncset.done $0x0  }
0xab: {  	p0 =	sne.s32 s24, s8;
	[sflag:s14] =	ssyncadd.s32 $0xFFFFC000  }
.Ltmp2:
0xac: {  	[bflag:$0x0] =	sbarrier.arrive $0xFFFF;
	(pc) =	sbr.rel @p0 .LBB2_1-.Ltmp2, $4  }
0xad: {  	[hbm:s7], [sflag:s6] =	dma.local [spmem:s13], $0x2780  }
0xae: {  	_ =	swait.ge [sflag:s14], $0x2780  }
0xaf: {  	[sflag:s14] =	ssyncset.done $0x0  }
0xb0: {  	[sflag:s14] =	ssyncadd.s32 $0xFFFFD880  }
0xb1: {  	_ =	sfence.sel $0x180000  }
0xb2: {  	[bflag:$0x0] =	sbarrier.arrive $0xFFFF  }
0xb3: {  	p0 =	sne.s32 s1, $0x0;
	_ =	strace $0x9000004A  }
0xb4: {  	s0 =	sadd.s32 @!p0 $0x100000, s0;
	[bflag:$0x2] =	sbarrier.arrive $0xFFFF  }
0xb5: {  	[sflag:s0] =	ssyncadd.tile.s32 @!p0 $0x1;
	_ =	shalt  }
.Lfunc_end2:
_tile_overlayer_lowered:
.L_overlay_start_2:
0xb6: {  	(tag) =	ssettag $0x2  }
0xb7: {  	s0 =	rddreg [dreg:$0x0];
	s2 =	stileid.u32  }
0xb8: {  	s1 =	rddreg [dreg:$0x1];
	p0 =	sne.s32 s2, $0x0  }
0xb9: {  	s3 =	rddreg [dreg:$0x2];
	[bflag:$0x3] =	sbarrier.arrive $0xFFFF;
	s2 =	simm.s32 @!p0 $0x1C03  }
0xba: {  	[timem:s3], [sflag:s2] =	dma.local @!p0 [hbm:s0], s1  }
0xbb: {  	s0 =	simm.s32 @!p0 $0x3  }
0xbc: {  	_ =	swait.ge @!p0 [sflag:s0], s1  }
0xbd: {  	s1 =	ssub.s32 @!p0 $0x0, s1;
	[sflag:s0] =	ssyncset.done @!p0 $0x0  }
0xbe: {  	[sflag:s0] =	ssyncadd.s32 @!p0 s1  }
0xbf: {  	[bflag:$0x3] =	sbarrier.arrive $0xFFFF  }
0xc0: {  	_ =	shalt  }

// kernel: kernel.16.cloned.1.call-start
scs
__scs_entry_jumppad:
0x0: {  	(pc) =	sbr.rel $0x88, $3  }
0x1: {  	(tag) =	ssettag $0x0;
	lr =	simm.s32 $0x1  }
0x2: {  	[smem:$0x3F98] =	sst lr;
	_ =	strace $0xD0000000  }
0x3: {  	_ = 	snop  }
0x4: {  	_ = 	snop  }
0x5: {  	_ = 	snop  }
0x6: {  	_ = 	snop  }
0x7: {  	_ = 	snop  }
__scs_overlays_trampoline_lowered:
0x8: {  	[smem:$0x3FA7] =	sst s0  }
0x9: {  	[smem:$0x3FA8] =	sst s1  }
0xa: {  	[smem:$0x3FA9] =	sst s2  }
0xb: {  	[smem:$0x3FAA] =	sst s3  }
0xc: {  	[smem:$0x3FAB] =	sst s4  }
0xd: {  	[smem:$0x3FAC] =	sst s5  }
0xe: {  	[smem:$0x3FAD] =	sst s6  }
0xf: {  	[smem:$0x3FAE] =	sst s7  }
0x10: {  	[smem:$0x3FAF] =	sst s8  }
0x11: {  	[smem:$0x3FB0] =	sst s9;
	s0 =	simm.s32 @!p0 $0x0  }
0x12: {  	s1 =	sld [smem:$0x3F96];
	s0 =	simm.s32 @p0 $0x1  }
0x13: {  	[smem:$0x3FB1] =	sst s0;
	s0 =	simm.s32 @!p1 $0x0  }
0x14: {  	s2 =	sld [smem:$0x3F95];
	s0 =	simm.s32 @p1 $0x1  }
0x15: {  	[smem:$0x3FB2] =	sst s0;
	s0 =	simm.s32 @!p2 $0x0  }
0x16: {  	s3 =	sld [smem:$0x3FDB];
	s0 =	simm.s32 @p2 $0x1  }
0x17: {  	s4 =	simm.s32 $0x1BF5;
	[smem:$0x3FB4] =	sst s0  }
0x18: {  	s0 =	sld [smem:$0x3F97];
	_ =	swait.ge [sflag:s4], $0x0  }
0x19: {  	s7 =	sld [smem:$0x3F98]  }
0x1a: {  	s8 =	sadd.s32 $0xFFFFE003, lr  }
0x1b: {  	s9 =	sadd.s32 $0xFFFFFEF7, lr;
	s5 =	simm.s32 $0xFFFFFFFF;
	p2 =	slt.u32 s8, $0xFFFFF086  }
0x1c: {  	p1 =	slt.u32 s9, $0xF7A;
	s5 =	simm.s32 @!p2 $0x0  }
0x1d: {  	s5 =	simm.s32 @p1 $0x1;
	p0 =	seq.s32 s7, s2  }
0x1e: {  	s7 =	smul.u32 @!p0 $0xF7A, s2;
	p2 =	seq.s32 @!p0 s5, $0x0  }
0x1f: {  	s9 =	smul.u32 $0xF7A, s1;
	s8 =	simm.s32 @!p0 $0x1BF5;
	p2 =	por !p2, p0  }
0x20: {  	[sflag:s8] =	ssyncset.s32 @!p0 $0xFFFFF086;
	s6 =	sadd.s32 @!p0 s3, s7;
	s7 =	simm.s32 @!p0 $0x108  }
0x21: {  	s3 =	sadd.s32 s3, s9;
	s6 =	sadd.s32 @!p0 $0x88, s6;
	s7 =	simm.s32 @p2 $0x1082  }
0x22: {  	[simem:s7], [sflag:s8] =	dma.local @!p0 [hbm:s6], $0xF7A  }
0x23: {  	s9 =	sor.u32 $0xD0000000, s2;
	s6 =	simm.s32 $0x108;
	_ =	swait.ge @!p0 [sflag:s8], $0x0  }
0x24: {  	s3 =	sadd.s32 $0x88, s3;
	s6 =	simm.s32 @!p1 $0x1082;
	[sflag:s4] =	ssyncset.s32 $0xFFFFF086  }
0x25: {  	[simem:s6], [sflag:s4] =	dma.local [hbm:s3], $0xF7A  }
0x26: {  	[smem:$0x3F98] =	sst s1;
	(tag) =	ssettag s2;
	_ =	strace s9  }
0x27: {  	s1 =	sld [smem:$0x3FA8]  }
0x28: {  	s2 =	sld [smem:$0x3FA9]  }
0x29: {  	s4 =	sld [smem:$0x3FAB]  }
0x2a: {  	p0 =	seq.s32 s5, $0x0;
	s5 =	sld [smem:$0x3FAC]  }
0x2b: {  	s6 =	sld [smem:$0x3FAD]  }
0x2c: {  	s7 =	sld [smem:$0x3FAE]  }
0x2d: {  	s3 =	simm.s32 $0x108;
	s8 =	sld [smem:$0x3FAF]  }
0x2e: {  	s3 =	simm.s32 @!p0 $0x1082;
	s9 =	sld [smem:$0x3FB0]  }
0x2f: {  	lr =	sadd.s32 s0, s3;
	s0 =	sld [smem:$0x3FA7]  }
0x30: {  	s3 =	sld [smem:$0x3FAA]  }
0x31: {  	[smem:$0x3FB3] =	sst s10  }
0x32: {  	s10 =	sld [smem:$0x3FB1];
	_ =	sdelay $0x3  }
0x33: {  	p0 =	seq.s32 s10, $0x1;
	s10 =	sld [smem:$0x3FB3];
	_ =	sdelay $0x3  }
0x34: {  	[smem:$0x3FB3] =	sst s10  }
0x35: {  	s10 =	sld [smem:$0x3FB2];
	_ =	sdelay $0x3  }
0x36: {  	p1 =	seq.s32 s10, $0x1;
	s10 =	sld [smem:$0x3FB3];
	_ =	sdelay $0x3  }
0x37: {  	[smem:$0x3FB3] =	sst s10  }
0x38: {  	s10 =	sld [smem:$0x3FB4]  }
0x39: {  	_ = 	snop;
	(pc) =	sbr.ind lr, $3  }
0x3a: {  	_ = 	snop  }
0x3b: {  	_ = 	snop  }
0x3c: {  	p2 =	seq.s32 s10, $0x1;
	s10 =	sld [smem:$0x3FB3]  }
0x3d: {  	_ =	shalt  }
0x3e: {  	_ =	shalt  }
0x3f: {  	_ =	shalt  }
0x40: {  	_ =	shalt  }
0x41: {  	_ =	shalt  }
0x42: {  	_ =	shalt  }
0x43: {  	_ =	shalt  }
0x44: {  	_ =	shalt  }
0x45: {  	_ =	shalt  }
0x46: {  	_ =	shalt  }
0x47: {  	_ =	shalt  }
0x48: {  	_ =	shalt  }
0x49: {  	_ =	shalt  }
0x4a: {  	_ =	shalt  }
0x4b: {  	_ =	shalt  }
0x4c: {  	_ =	shalt  }
0x4d: {  	_ =	shalt  }
0x4e: {  	_ =	shalt  }
0x4f: {  	_ =	shalt  }
0x50: {  	_ =	shalt  }
0x51: {  	_ =	shalt  }
0x52: {  	_ =	shalt  }
0x53: {  	_ =	shalt  }
0x54: {  	_ =	shalt  }
0x55: {  	_ =	shalt  }
0x56: {  	_ =	shalt  }
0x57: {  	_ =	shalt  }
0x58: {  	_ =	shalt  }
0x59: {  	_ =	shalt  }
0x5a: {  	_ =	shalt  }
0x5b: {  	_ =	shalt  }
0x5c: {  	_ =	shalt  }
0x5d: {  	_ =	shalt  }
0x5e: {  	_ =	shalt  }
0x5f: {  	_ =	shalt  }
0x60: {  	_ =	shalt  }
0x61: {  	_ =	shalt  }
0x62: {  	_ =	shalt  }
0x63: {  	_ =	shalt  }
0x64: {  	_ =	shalt  }
0x65: {  	_ =	shalt  }
0x66: {  	_ =	shalt  }
0x67: {  	_ =	shalt  }
0x68: {  	_ =	shalt  }
0x69: {  	_ =	shalt  }
0x6a: {  	_ =	shalt  }
0x6b: {  	_ =	shalt  }
0x6c: {  	_ =	shalt  }
0x6d: {  	_ =	shalt  }
0x6e: {  	_ =	shalt  }
0x6f: {  	_ =	shalt  }
0x70: {  	_ =	shalt  }
0x71: {  	_ =	shalt  }
0x72: {  	_ =	shalt  }
0x73: {  	_ =	shalt  }
0x74: {  	_ =	shalt  }
0x75: {  	_ =	shalt  }
0x76: {  	_ =	shalt  }
0x77: {  	_ =	shalt  }
0x78: {  	_ =	shalt  }
0x79: {  	_ =	shalt  }
0x7a: {  	_ =	shalt  }
0x7b: {  	_ =	shalt  }
0x7c: {  	_ =	shalt  }
0x7d: {  	_ =	shalt  }
0x7e: {  	_ =	shalt  }
0x7f: {  	_ =	shalt  }
0x80: {  	_ =	shalt  }
0x81: {  	_ =	shalt  }
0x82: {  	_ =	shalt  }
0x83: {  	_ =	shalt  }
0x84: {  	_ =	shalt  }
0x85: {  	_ =	shalt  }
0x86: {  	_ =	shalt  }
0x87: {  	_ =	shalt  }
.Lfunc_end0:
.L_simem_size_0:
called_computation.2_lowered:
.L_overlay_start_0:
0x88: {  	s2 =	sld [smem:$0x3FD9]  }
0x89: {  	s3 =	sld [smem:$0x3FFE];
	_ =	sdelay $0x1  }
0x8a: {  	s1 =	srdreg.scid  }
0x8b: {  	s0 =	sand.u32 $0x1, s1  }
0x8c: {  	s16 =	sshll.u32 s0, $0xA;
	s2 =	sadd.s32 s3, s2  }
0x8d: {  	s2 =	sadd.s32 s2, s16  }
0x8e: {  	[smem:$0x3FBF] =	sst s2  }
0x8f: {  	_ = 	snop  }
0x90: {  	(tm) =	ssettm $0x1  }
0x91: {  	s17 =	sld [smem:$0x3FFB];
	_ =	sdelay $0x3  }
0x92: {  	_ =	strace s17  }
0x93: {  	s2 =	sld [smem:$0x3FFC];
	_ =	sdelay $0x3  }
0x94: {  	_ =	strace s2  }
0x95: {  	s2 =	sld [smem:$0x3FFD];
	_ =	sdelay $0x3  }
0x96: {  	_ =	strace s2  }
0x97: {  	_ =	strace $0x8FFFFFFF  }
0x98: {  	s18 =	sld [smem:$0x3FDB];
	_ =	sdelay $0x1  }
0x99: {  	s19 =	simm.s32 $_scs_section_size  }
0x9a: {  	s4 =	simm.s32 $_size__tile_overlayer_lowered;
	s5 =	simm.s32 $_tile_overlayer_lowered  }
0x9b: {  	s22 =	simm.s32 $0x1BFF;
	s21 =	sshll.u32 s5, $0x1;
	s2 =	sadd.s32 s19, s18  }
0x9c: {  	s6 =	simm.s32 $0x0;
	s20 =	sshll.u32 s4, $0x1;
	s4 =	sadd.s32 s21, s2  }
0x9d: {  	[timem:s6], [sflag:s22] =	dma.local [hbm:s4], s20  }
0x9e: {  	_ =	swait.ge [sflag:s22], s20  }
0x9f: {  	s3 =	ssub.s32 $0x0, s20;
	[sflag:s22] =	ssyncset.done $0x0  }
0xa0: {  	[sflag:s22] =	ssyncadd.s32 s3;
	_ =	sdelay $0x1  }
0xa1: {  	s23 =	simm.s32 $0x1B8B  }
0xa2: {  	_ =	swait.ge [sflag:s23], $0x1  }
0xa3: {  	[sflag:s23] =	ssyncset.done $0x0  }
0xa4: {  	s25 =	simm.s32 $0x1B8E;
	s24 =	sld [smem:$0x3FFE];
	[sflag:s23] =	ssyncadd.s32 $0xFFFFFFFF  }
0xa5: {  	s26 =	simm.s32 $execute0_lowered;
	[smem:$0x3FD2] =	sst s25  }
0xa6: {  	s4 =	sshll.u32 s26, $0x1;
	_ =	strace $0x8000004C;
	[dreg:$0x1] =	wrdreg $0xFFFFFFFF  }
0xa7: {  	s28 =	simm.s32 $_size_execute0_lowered;
	s2 =	sadd.s32 s2, s4;
	[dreg:$0x0] =	wrdreg $0x0  }
0xa8: {  	s4 =	sshll.u32 s28, $0x1;
	[dreg:$0x2] =	wrdreg s2  }
0xa9: {  	[dreg:$0x3] =	wrdreg s4  }
0xaa: {  	[dreg:$0x4] =	wrdreg $0xC0  }
0xab: {  	_ =	task [dreg:s6], $0x5FFFF  }
0xac: {  	[dreg:$0x1] =	wrdreg $0xFFFFFFFF  }
0xad: {  	[dreg:$0x0] =	wrdreg $0x60  }
0xae: {  	[dreg:$0x2] =	wrdreg s24  }
0xaf: {  	[dreg:$0x3] =	wrdreg $0xA8000  }
0xb0: {  	[dreg:$0x4] =	wrdreg $0x9  }
0xb1: {  	_ =	task.clear_ibuf [dreg:s6], $0x5FFFF;
	_ =	strace $0x9000004C  }
0xb2: {  	s29 =	simm.s32 $0x9;
	_ =	strace $0x8000004E  }
0xb3: {  	_ =	swait.ge [sflag:s29], $0x1  }
0xb4: {  	[sflag:s29] =	ssyncadd.s32 $0xFFFFFFFF  }
0xb5: {  	_ =	strace $0x9000004E  }
0xb6: {  	_ =	sfence  }
0xb7: {  	s30 =	sld [smem:$0x0];
	_ =	sdelay $0x2  }
0xb8: {  	s31 =	sshll.u32 s1, $0xD;
	s1 =	sshrl.u32 s1, $0x2  }
0xb9: {  	s3 =	sand.u32 $0x4000, s31;
	s1 =	sadd.s32 s1, s30  }
0xba: {  	s0 =	sor.u32 s3, s0;
	s1 =	sshll.u32 s1, $0x11  }
0xbb: {  	s0 =	sor.u32 s1, s0  }
0xbc: {  	s0 =	sadd.s32 $0x8F2B, s0  }
0xbd: {  	[sflag:s0] =	ssyncadd.remote.s32 $0x1  }
0xbe: {  	_ =	sfence.sel $0xFFFF  }
0xbf: {  	[dreg:$0x0] =	wrdreg $0xFFFFFFFF;
	(pc) =	sbr.abs _section_cstart, $3  }
0xc0: {  	[dreg:$0x1] =	wrdreg $0xFFFFFFFF  }
0xc1: {  	_ =	task.clear_ibuf [dreg:s6], $0x2FFFF;
	_ =	strace $0x9FFFFFFF  }
0xc2: {  	(tm) =	ssettm $0x7FFFFFFF  }
0xc3: {  	_ =	shalt  }
tec
execute0_lowered:
.L_overlay_start_1:
0x0: {  	(tag) =	ssettag $0x1  }
0x1: {  	s5 =	rddreg [dreg:$0x0]  }
0x2: {  	s2 =	rddreg [dreg:$0x1]  }
0x3: {  	s0 =	rddreg [dreg:$0x2];
	s3 =	simm.s32 $0x0;
	s1 =	stileid.u32  }
0x4: {  	s4 =	srdreg.scid;
	s15 =	simm.s32 $0x1400;
	s16 =	simm.s32 $0x80  }
0x5: {  	s17 =	simm.s32 $0x2800;
	s18 =	simm.s32 $0x6800;
	s19 =	simm.s32 $0x1  }
0x6: {  	s20 =	simm.s32 $0x2;
	s21 =	simm.s32 $0x1380;
	s22 =	simm.s32 $0x2700  }
0x7: {  	[smem:$0x7FF] =	sst s3;
	s6 =	smul.u32 $0x13C00, s1;
	s7 =	sand.u32 $0x1, s4  }
0x8: {  	s4 =	sadd.s32 $0x40400, s5;
	s11 =	sadd.s32 $0xE400, s5;
	s12 =	sadd.s32 $0x4400, s5  }
0x9: {  	s10 =	smul.u32 $0x4F000, s1;
	s25 =	sshll.u32 s1, $0x1;
	s29 =	sshll.u32 s1, $0x6  }
0xa: {  	_ =	strace $0x8000004D;
	s8 =	smul.u32 $0x13C000, s7;
	s23 =	ssub.s32 $0x2, s7  }
0xb: {  	s26 =	sor.u32 s7, s25;
	s9 =	sshrl.u32 s6, $0x3;
	s24 =	sshrl.u32 s23, $0x1  }
0xc: {  	s28 =	sshrl.u32 s10, $0x2;
	s30 =	smul.u32 $0x500, s26;
	s9 =	sadd.s32 s9, s5  }
0xd: {  	s6 =	sadd.s32 s6, s8;
	s8 =	ssub.s32 s23, s24;
	s14 =	sadd.s32 s28, s2  }
0xe: {  	s23 =	simm.s32 $0x2780;
	s24 =	simm.s32 $0x0;
	s6 =	sshrl.u32 s6, $0x3  }
0xf: {  	s8 =	smax.u32 s8, $0x1;
	s31 =	sadd.s32 $0x280, s30;
	s10 =	sadd.s32 s12, s30  }
0x10: {  	s13 =	sadd.s32 s6, s5;
	s5 =	sadd.s32 $0x18C00, s9;
	s6 =	sor.u32 $0x1C03, s29  }
0x11: {  	s9 =	sadd.s32 s11, s30;
	s11 =	sadd.s32 s11, s31;
	s12 =	sadd.s32 s12, s31  }
0x12: {  	s7 =	sadd.s32 $0x67600, s13;
	s13 =	sshrl.u32 s14, $0x3;
	s14 =	simm.s32 $0x3  }
.LBB2_1:
0x13: {  	[spmem:s13], [sflag:s6] =	dma.local [hbm:s5], $0x2780  }
0x14: {  	_ =	swait.ge [sflag:s14], $0x2780  }
0x15: {  	[sflag:s14] =	ssyncset.done $0x0  }
0x16: {  	[sflag:s14] =	ssyncadd.s32 $0xFFFFD880  }
0x17: {  	[bflag:$0x0] =	sbarrier.arrive $0xFFFF  }
0x18: {  	[tilespmem:s3], [sflag:$0x3] =	stream.linear.gather [hbm4b:s9+s3], $0x1400, $0x38;
	[tilespmem:$0x1E400] =	vst v63  }
0x19: {  	_ =	swait.ge [sflag:s14], $0x1400  }
0x1a: {  	[sflag:s14] =	ssyncset.done $0x0  }
0x1b: {  	[sflag:s14] =	ssyncadd.s32 $0xFFFFEC00  }
0x1c: {  	[tilespmem:s15], [sflag:$0x3] =	stream.linear.gather [hbm4b:s10+s3], $0x1400, $0x38;
	[tilespmem:$0x1E400] =	vst v63  }
0x1d: {  	_ =	swait.ge [sflag:s14], $0x1400  }
0x1e: {  	[sflag:s14] =	ssyncset.done $0x0  }
0x1f: {  	[sflag:s14] =	ssyncadd.s32 $0xFFFFEC00  }
0x20: {  	[tilespmem:s17], [sflag:$0x1] =	stream.indirect.gather [hbm4b:s4+s16], $0x80, s3, s16, $0xb8;
	[tilespmem:$0x1E400] =	vst v63  }
0x21: {  	s25 =	simm.s32 $0x80  }
0x22: {  	[tilespmem:s18], [sflag:$0x2] =	stream.indirect.gather [hbm4b:s4+s16], $0x80, s25, s16, $0xb8;
	[tilespmem:$0x1E400] =	vst v63  }
0x23: {  	_ =	swait.ge [sflag:s19], $0x4000  }
0x24: {  	[sflag:s19] =	ssyncset.done $0x0  }
0x25: {  	s29 =	simm.s32 $0x1400;
	[sflag:s19] =	ssyncadd.s32 $0xFFFFC000  }
0x26: {  	[spmem:s2] =	stream.indirect.scatter.add.f32 [tilespmem:s17], [sflag:$0x3], $0x80, s29, s16, $0xb8;
	[tilespmem:$0x1E400] =	vst v63  }
0x27: {  	_ =	swait.ge [sflag:s14], $0x4000  }
0x28: {  	[sflag:s14] =	ssyncset.done $0x0  }
0x29: {  	s30 =	simm.s32 $0x100;
	[sflag:s14] =	ssyncadd.s32 $0xFFFFC000  }
0x2a: {  	[tilespmem:s17], [sflag:$0x1] =	stream.indirect.gather [hbm4b:s4+s16], $0x80, s30, s16, $0xb8;
	[tilespmem:$0x1E400] =	vst v63  }
0x2b: {  	_ =	swait.ge [sflag:s20], $0x4000  }
0x2c: {  	[sflag:s20] =	ssyncset.done $0x0  }
0x2d: {  	s31 =	simm.s32 $0x1480;
	[sflag:s20] =	ssyncadd.s32 $0xFFFFC000  }
0x2e: {  	[spmem:s2] =	stream.indirect.scatter.add.f32 [tilespmem:s18], [sflag:$0x3], $0x80, s31, s16, $0xb8;
	[tilespmem:$0x1E400] =	vst v63  }
0x2f: {  	_ =	swait.ge [sflag:s14], $0x4000  }
0x30: {  	s26 =	simm.s32 $0x800;
	s25 =	simm.s32 $0x100;
	[sflag:s14] =	ssyncset.done $0x0  }
.LBB2_2:
0x31: {  	s28 =	sadd.s32 $0x80, s25  }
0x32: {  	[sflag:s14] =	ssyncadd.s32 $0xFFFFC000;
	s29 =	smov.u32 s26;
	s30 =	sadd.s32 $0x400, s26  }
0x33: {  	[tilespmem:s18], [sflag:$0x2] =	stream.indirect.gather [hbm4b:s4+s16], $0x80, s28, s16, $0xb8;
	[tilespmem:$0x1E400] =	vst v63  }
0x34: {  	p0 =	sne.s32 s26, $0x4800;
	_ =	swait.ge [sflag:s19], $0x4000  }
0x35: {  	[sflag:s19] =	ssyncset.done $0x0  }
0x36: {  	s26 =	sadd.s32 $0x1400, s25;
	[sflag:s19] =	ssyncadd.s32 $0xFFFFC000  }
0x37: {  	[spmem:s2] =	stream.indirect.scatter.add.f32 [tilespmem:s17], [sflag:$0x3], $0x80, s26, s16, $0xb8;
	[tilespmem:$0x1E400] =	vst v63  }
0x38: {  	_ =	swait.ge [sflag:s14], $0x4000  }
0x39: {  	[sflag:s14] =	ssyncset.done $0x0  }
0x3a: {  	s26 =	sadd.s32 $0x100, s25;
	[sflag:s14] =	ssyncadd.s32 $0xFFFFC000  }
0x3b: {  	[tilespmem:s17], [sflag:$0x1] =	stream.indirect.gather [hbm4b:s4+s16], $0x80, s26, s16, $0xb8;
	[tilespmem:$0x1E400] =	vst v63  }
0x3c: {  	_ =	swait.ge [sflag:s20], $0x4000  }
.Ltmp0:
0x3d: {  	[sflag:s20] =	ssyncset.done $0x0;
	(pc) =	sbr.rel @p0 .LBB2_2-.Ltmp0, $4  }
0x3e: {  	s25 =	sadd.s32 $0x1480, s25;
	[sflag:s20] =	ssyncadd.s32 $0xFFFFC000  }
0x3f: {  	[spmem:s2] =	stream.indirect.scatter.add.f32 [tilespmem:s18], [sflag:$0x3], $0x80, s25, s16, $0xb8;
	[tilespmem:$0x1E400] =	vst v63  }
0x40: {  	_ =	swait.ge [sflag:s14], $0x4000  }
0x41: {  	s26 =	smov.u32 s30;
	s25 =	sshra.s32 s29, $0x2;
	[sflag:s14] =	ssyncset.done $0x0  }
0x42: {  	s26 =	sadd.s32 $0x80, s25;
	[sflag:s14] =	ssyncadd.s32 $0xFFFFC000  }
0x43: {  	[tilespmem:s18], [sflag:$0x2] =	stream.indirect.gather [hbm4b:s4+s16], $0x80, s26, s16, $0xb8;
	[tilespmem:$0x1E400] =	vst v63  }
0x44: {  	_ =	swait.ge [sflag:s19], $0x4000  }
0x45: {  	[sflag:s19] =	ssyncset.done $0x0  }
0x46: {  	s29 =	sadd.s32 $0x1400, s25;
	[sflag:s19] =	ssyncadd.s32 $0xFFFFC000  }
0x47: {  	[spmem:s2] =	stream.indirect.scatter.add.f32 [tilespmem:s17], [sflag:$0x3], $0x80, s29, s16, $0xb8;
	[tilespmem:$0x1E400] =	vst v63  }
0x48: {  	_ =	swait.ge [sflag:s14], $0x4000  }
0x49: {  	[sflag:s14] =	ssyncset.done $0x0  }
0x4a: {  	s30 =	sadd.s32 $0x100, s25;
	[sflag:s14] =	ssyncadd.s32 $0xFFFFC000  }
0x4b: {  	[tilespmem:s17], [sflag:$0x1] =	stream.indirect.gather [hbm4b:s4+s16], $0x80, s30, s16, $0xb8;
	[tilespmem:$0x1E400] =	vst v63  }
0x4c: {  	_ =	swait.ge [sflag:s20], $0x4000  }
0x4d: {  	[sflag:s20] =	ssyncset.done $0x0  }
0x4e: {  	s31 =	sadd.s32 $0x1480, s25;
	[sflag:s20] =	ssyncadd.s32 $0xFFFFC000  }
0x4f: {  	[spmem:s2] =	stream.indirect.scatter.add.f32 [tilespmem:s18], [sflag:$0x3], $0x80, s31, s16, $0xb8;
	[tilespmem:$0x1E400] =	vst v63  }
0x50: {  	_ =	swait.ge [sflag:s14], $0x4000  }
0x51: {  	[sflag:s14] =	ssyncset.done $0x0  }
0x52: {  	[sflag:s14] =	ssyncadd.s32 $0xFFFFC000  }
0x53: {  	[tilespmem:s18], [sflag:$0x2] =	stream.indirect.gather [hbm4b:s4+s16], $0x80, s21, s16, $0xb8;
	[tilespmem:$0x1E400] =	vst v63  }
0x54: {  	_ =	swait.ge [sflag:s19], $0x4000  }
0x55: {  	[sflag:s19] =	ssyncset.done $0x0  }
0x56: {  	[sflag:s19] =	ssyncadd.s32 $0xFFFFC000  }
0x57: {  	[spmem:s2] =	stream.indirect.scatter.add.f32 [tilespmem:s17], [sflag:$0x3], $0x80, s22, s16, $0xb8;
	[tilespmem:$0x1E400] =	vst v63  }
0x58: {  	_ =	swait.ge [sflag:s14], $0x4000  }
0x59: {  	[sflag:s14] =	ssyncset.done $0x0  }
0x5a: {  	[sflag:s14] =	ssyncadd.s32 $0xFFFFC000  }
0x5b: {  	_ =	swait.ge [sflag:s20], $0x4000  }
0x5c: {  	[sflag:s20] =	ssyncset.done $0x0  }
0x5d: {  	[sflag:s20] =	ssyncadd.s32 $0xFFFFC000  }
0x5e: {  	[spmem:s2] =	stream.indirect.scatter.add.f32 [tilespmem:s18], [sflag:$0x3], $0x80, s23, s16, $0xb8;
	[tilespmem:$0x1E400] =	vst v63  }
0x5f: {  	_ =	swait.ge [sflag:s14], $0x4000  }
0x60: {  	[sflag:s14] =	ssyncset.done $0x0  }
0x61: {  	s26 =	simm.s32 $0x0;
	[sflag:s14] =	ssyncadd.s32 $0xFFFFC000  }
0x62: {  	[tilespmem:s26], [sflag:$0x3] =	stream.linear.gather [hbm4b:s11+s26], $0x1400, $0x38;
	[tilespmem:$0x1E400] =	vst v63  }
0x63: {  	_ =	swait.ge [sflag:s14], $0x1400  }
0x64: {  	[sflag:s14] =	ssyncset.done $0x0  }
0x65: {  	[sflag:s14] =	ssyncadd.s32 $0xFFFFEC00  }
0x66: {  	[tilespmem:s15], [sflag:$0x3] =	stream.linear.gather [hbm4b:s12+s26], $0x1400, $0x38;
	[tilespmem:$0x1E400] =	vst v63  }
0x67: {  	_ =	swait.ge [sflag:s14], $0x1400  }
0x68: {  	[sflag:s14] =	ssyncset.done $0x0  }
0x69: {  	[sflag:s14] =	ssyncadd.s32 $0xFFFFEC00  }
0x6a: {  	[tilespmem:s17], [sflag:$0x1] =	stream.indirect.gather [hbm4b:s4+s16], $0x80, s26, s16, $0xb8;
	[tilespmem:$0x1E400] =	vst v63  }
0x6b: {  	s28 =	simm.s32 $0x80  }
0x6c: {  	[tilespmem:s18], [sflag:$0x2] =	stream.indirect.gather [hbm4b:s4+s16], $0x80, s28, s16, $0xb8;
	[tilespmem:$0x1E400] =	vst v63  }
0x6d: {  	_ =	swait.ge [sflag:s19], $0x4000  }
0x6e: {  	[sflag:s19] =	ssyncset.done $0x0  }
0x6f: {  	s29 =	simm.s32 $0x1400;
	[sflag:s19] =	ssyncadd.s32 $0xFFFFC000  }
0x70: {  	[spmem:s2] =	stream.indirect.scatter.add.f32 [tilespmem:s17], [sflag:$0x3], $0x80, s29, s16, $0xb8;
	[tilespmem:$0x1E400] =	vst v63  }
0x71: {  	_ =	swait.ge [sflag:s14], $0x4000  }
0x72: {  	[sflag:s14] =	ssyncset.done $0x0  }
0x73: {  	s30 =	simm.s32 $0x100;
	[sflag:s14] =	ssyncadd.s32 $0xFFFFC000  }
0x74: {  	[tilespmem:s17], [sflag:$0x1] =	stream.indirect.gather [hbm4b:s4+s16], $0x80, s30, s16, $0xb8;
	[tilespmem:$0x1E400] =	vst v63  }
0x75: {  	_ =	swait.ge [sflag:s20], $0x4000  }
0x76: {  	[sflag:s20] =	ssyncset.done $0x0  }
0x77: {  	s31 =	simm.s32 $0x1480;
	[sflag:s20] =	ssyncadd.s32 $0xFFFFC000  }
0x78: {  	[spmem:s2] =	stream.indirect.scatter.add.f32 [tilespmem:s18], [sflag:$0x3], $0x80, s31, s16, $0xb8;
	[tilespmem:$0x1E400] =	vst v63  }
0x79: {  	_ =	swait.ge [sflag:s14], $0x4000  }
0x7a: {  	s25 =	simm.s32 $0x100;
	s26 =	simm.s32 $0x800;
	[sflag:s14] =	ssyncset.done $0x0  }
.LBB2_4:
0x7b: {  	s28 =	sadd.s32 $0x80, s25  }
0x7c: {  	[sflag:s14] =	ssyncadd.s32 $0xFFFFC000;
	s29 =	smov.u32 s26;
	s30 =	sadd.s32 $0x400, s26  }
0x7d: {  	[tilespmem:s18], [sflag:$0x2] =	stream.indirect.gather [hbm4b:s4+s16], $0x80, s28, s16, $0xb8;
	[tilespmem:$0x1E400] =	vst v63  }
0x7e: {  	p0 =	sne.s32 s26, $0x4800;
	_ =	swait.ge [sflag:s19], $0x4000  }
0x7f: {  	[sflag:s19] =	ssyncset.done $0x0  }
0x80: {  	s26 =	sadd.s32 $0x1400, s25;
	[sflag:s19] =	ssyncadd.s32 $0xFFFFC000  }
0x81: {  	[spmem:s2] =	stream.indirect.scatter.add.f32 [tilespmem:s17], [sflag:$0x3], $0x80, s26, s16, $0xb8;
	[tilespmem:$0x1E400] =	vst v63  }
0x82: {  	_ =	swait.ge [sflag:s14], $0x4000  }
0x83: {  	[sflag:s14] =	ssyncset.done $0x0  }
0x84: {  	s26 =	sadd.s32 $0x100, s25;
	[sflag:s14] =	ssyncadd.s32 $0xFFFFC000  }
0x85: {  	[tilespmem:s17], [sflag:$0x1] =	stream.indirect.gather [hbm4b:s4+s16], $0x80, s26, s16, $0xb8;
	[tilespmem:$0x1E400] =	vst v63  }
0x86: {  	_ =	swait.ge [sflag:s20], $0x4000  }
.Ltmp1:
0x87: {  	[sflag:s20] =	ssyncset.done $0x0;
	(pc) =	sbr.rel @p0 .LBB2_4-.Ltmp1, $4  }
0x88: {  	s25 =	sadd.s32 $0x1480, s25;
	[sflag:s20] =	ssyncadd.s32 $0xFFFFC000  }
0x89: {  	[spmem:s2] =	stream.indirect.scatter.add.f32 [tilespmem:s18], [sflag:$0x3], $0x80, s25, s16, $0xb8;
	[tilespmem:$0x1E400] =	vst v63  }
0x8a: {  	_ =	swait.ge [sflag:s14], $0x4000  }
0x8b: {  	s26 =	smov.u32 s30;
	s25 =	sshra.s32 s29, $0x2;
	[sflag:s14] =	ssyncset.done $0x0  }
0x8c: {  	s26 =	sadd.s32 $0x80, s25;
	[sflag:s14] =	ssyncadd.s32 $0xFFFFC000  }
0x8d: {  	[tilespmem:s18], [sflag:$0x2] =	stream.indirect.gather [hbm4b:s4+s16], $0x80, s26, s16, $0xb8;
	[tilespmem:$0x1E400] =	vst v63  }
0x8e: {  	_ =	swait.ge [sflag:s19], $0x4000  }
0x8f: {  	[sflag:s19] =	ssyncset.done $0x0  }
0x90: {  	s29 =	sadd.s32 $0x1400, s25;
	[sflag:s19] =	ssyncadd.s32 $0xFFFFC000  }
0x91: {  	[spmem:s2] =	stream.indirect.scatter.add.f32 [tilespmem:s17], [sflag:$0x3], $0x80, s29, s16, $0xb8;
	[tilespmem:$0x1E400] =	vst v63  }
0x92: {  	_ =	swait.ge [sflag:s14], $0x4000  }
0x93: {  	[sflag:s14] =	ssyncset.done $0x0  }
0x94: {  	s30 =	sadd.s32 $0x100, s25;
	[sflag:s14] =	ssyncadd.s32 $0xFFFFC000  }
0x95: {  	[tilespmem:s17], [sflag:$0x1] =	stream.indirect.gather [hbm4b:s4+s16], $0x80, s30, s16, $0xb8;
	[tilespmem:$0x1E400] =	vst v63  }
0x96: {  	_ =	swait.ge [sflag:s20], $0x4000  }
0x97: {  	[sflag:s20] =	ssyncset.done $0x0  }
0x98: {  	s31 =	sadd.s32 $0x1480, s25;
	[sflag:s20] =	ssyncadd.s32 $0xFFFFC000  }
0x99: {  	[spmem:s2] =	stream.indirect.scatter.add.f32 [tilespmem:s18], [sflag:$0x3], $0x80, s31, s16, $0xb8;
	[tilespmem:$0x1E400] =	vst v63  }
0x9a: {  	_ =	swait.ge [sflag:s14], $0x4000  }
0x9b: {  	[sflag:s14] =	ssyncset.done $0x0  }
0x9c: {  	[sflag:s14] =	ssyncadd.s32 $0xFFFFC000  }
0x9d: {  	[tilespmem:s18], [sflag:$0x2] =	stream.indirect.gather [hbm4b:s4+s16], $0x80, s21, s16, $0xb8;
	[tilespmem:$0x1E400] =	vst v63  }
0x9e: {  	_ =	swait.ge [sflag:s19], $0x4000  }
0x9f: {  	[sflag:s19] =	ssyncset.done $0x0  }
0xa0: {  	[sflag:s19] =	ssyncadd.s32 $0xFFFFC000  }
0xa1: {  	[spmem:s2] =	stream.indirect.scatter.add.f32 [tilespmem:s17], [sflag:$0x3], $0x80, s22, s16, $0xb8;
	[tilespmem:$0x1E400] =	vst v63  }
0xa2: {  	_ =	swait.ge [sflag:s14], $0x4000  }
0xa3: {  	[sflag:s14] =	ssyncset.done $0x0  }
0xa4: {  	[sflag:s14] =	ssyncadd.s32 $0xFFFFC000  }
0xa5: {  	_ =	swait.ge [sflag:s20], $0x4000  }
0xa6: {  	[sflag:s20] =	ssyncset.done $0x0  }
0xa7: {  	[sflag:s20] =	ssyncadd.s32 $0xFFFFC000  }
0xa8: {  	[spmem:s2] =	stream.indirect.scatter.add.f32 [tilespmem:s18], [sflag:$0x3], $0x80, s23, s16, $0xb8;
	[tilespmem:$0x1E400] =	vst v63  }
0xa9: {  	_ =	swait.ge [sflag:s14], $0x4000  }
0xaa: {  	s24 =	sadd.s32 $0x1, s24;
	[sflag:s14] =	ssyncset.done $0x0  }
0xab: {  	p0 =	sne.s32 s24, s8;
	[sflag:s14] =	ssyncadd.s32 $0xFFFFC000  }
.Ltmp2:
0xac: {  	[bflag:$0x0] =	sbarrier.arrive $0xFFFF;
	(pc) =	sbr.rel @p0 .LBB2_1-.Ltmp2, $4  }
0xad: {  	[hbm:s7], [sflag:s6] =	dma.local [spmem:s13], $0x2780  }
0xae: {  	_ =	swait.ge [sflag:s14], $0x2780  }
0xaf: {  	[sflag:s14] =	ssyncset.done $0x0  }
0xb0: {  	[sflag:s14] =	ssyncadd.s32 $0xFFFFD880  }
0xb1: {  	_ =	sfence.sel $0x180000  }
0xb2: {  	[bflag:$0x0] =	sbarrier.arrive $0xFFFF  }
0xb3: {  	p0 =	sne.s32 s1, $0x0;
	_ =	strace $0x9000004D  }
0xb4: {  	s0 =	sadd.s32 @!p0 $0x100000, s0;
	[bflag:$0x2] =	sbarrier.arrive $0xFFFF  }
0xb5: {  	[sflag:s0] =	ssyncadd.tile.s32 @!p0 $0x1;
	_ =	shalt  }
.Lfunc_end2:
_tile_overlayer_lowered:
.L_overlay_start_2:
0xb6: {  	(tag) =	ssettag $0x2  }
0xb7: {  	s0 =	rddreg [dreg:$0x0];
	s2 =	stileid.u32  }
0xb8: {  	s1 =	rddreg [dreg:$0x1];
	p0 =	sne.s32 s2, $0x0  }
0xb9: {  	s3 =	rddreg [dreg:$0x2];
	[bflag:$0x3] =	sbarrier.arrive $0xFFFF;
	s2 =	simm.s32 @!p0 $0x1C03  }
0xba: {  	[timem:s3], [sflag:s2] =	dma.local @!p0 [hbm:s0], s1  }
0xbb: {  	s0 =	simm.s32 @!p0 $0x3  }
0xbc: {  	_ =	swait.ge @!p0 [sflag:s0], s1  }
0xbd: {  	s1 =	ssub.s32 @!p0 $0x0, s1;
	[sflag:s0] =	ssyncset.done @!p0 $0x0  }
0xbe: {  	[sflag:s0] =	ssyncadd.s32 @!p0 s1  }
0xbf: {  	[bflag:$0x3] =	sbarrier.arrive $0xFFFF  }
0xc0: {  	_ =	shalt  }

// kernel: kernel.19.cloned.1.call-start
scs
__scs_entry_jumppad:
0x0: {  	(pc) =	sbr.rel $0x88, $3  }
0x1: {  	(tag) =	ssettag $0x0;
	lr =	simm.s32 $0x1  }
0x2: {  	[smem:$0x3F98] =	sst lr;
	_ =	strace $0xD0000000  }
0x3: {  	_ = 	snop  }
0x4: {  	_ = 	snop  }
0x5: {  	_ = 	snop  }
0x6: {  	_ = 	snop  }
0x7: {  	_ = 	snop  }
__scs_overlays_trampoline_lowered:
0x8: {  	[smem:$0x3FA7] =	sst s0  }
0x9: {  	[smem:$0x3FA8] =	sst s1  }
0xa: {  	[smem:$0x3FA9] =	sst s2  }
0xb: {  	[smem:$0x3FAA] =	sst s3  }
0xc: {  	[smem:$0x3FAB] =	sst s4  }
0xd: {  	[smem:$0x3FAC] =	sst s5  }
0xe: {  	[smem:$0x3FAD] =	sst s6  }
0xf: {  	[smem:$0x3FAE] =	sst s7  }
0x10: {  	[smem:$0x3FAF] =	sst s8  }
0x11: {  	[smem:$0x3FB0] =	sst s9;
	s0 =	simm.s32 @!p0 $0x0  }
0x12: {  	s1 =	sld [smem:$0x3F96];
	s0 =	simm.s32 @p0 $0x1  }
0x13: {  	[smem:$0x3FB1] =	sst s0;
	s0 =	simm.s32 @!p1 $0x0  }
0x14: {  	s2 =	sld [smem:$0x3F95];
	s0 =	simm.s32 @p1 $0x1  }
0x15: {  	[smem:$0x3FB2] =	sst s0;
	s0 =	simm.s32 @!p2 $0x0  }
0x16: {  	s3 =	sld [smem:$0x3FDB];
	s0 =	simm.s32 @p2 $0x1  }
0x17: {  	s4 =	simm.s32 $0x1BF5;
	[smem:$0x3FB4] =	sst s0  }
0x18: {  	s0 =	sld [smem:$0x3F97];
	_ =	swait.ge [sflag:s4], $0x0  }
0x19: {  	s7 =	sld [smem:$0x3F98]  }
0x1a: {  	s8 =	sadd.s32 $0xFFFFE003, lr  }
0x1b: {  	s9 =	sadd.s32 $0xFFFFFEF7, lr;
	s5 =	simm.s32 $0xFFFFFFFF;
	p2 =	slt.u32 s8, $0xFFFFF086  }
0x1c: {  	p1 =	slt.u32 s9, $0xF7A;
	s5 =	simm.s32 @!p2 $0x0  }
0x1d: {  	s5 =	simm.s32 @p1 $0x1;
	p0 =	seq.s32 s7, s2  }
0x1e: {  	s7 =	smul.u32 @!p0 $0xF7A, s2;
	p2 =	seq.s32 @!p0 s5, $0x0  }
0x1f: {  	s9 =	smul.u32 $0xF7A, s1;
	s8 =	simm.s32 @!p0 $0x1BF5;
	p2 =	por !p2, p0  }
0x20: {  	[sflag:s8] =	ssyncset.s32 @!p0 $0xFFFFF086;
	s6 =	sadd.s32 @!p0 s3, s7;
	s7 =	simm.s32 @!p0 $0x108  }
0x21: {  	s3 =	sadd.s32 s3, s9;
	s6 =	sadd.s32 @!p0 $0x88, s6;
	s7 =	simm.s32 @p2 $0x1082  }
0x22: {  	[simem:s7], [sflag:s8] =	dma.local @!p0 [hbm:s6], $0xF7A  }
0x23: {  	s9 =	sor.u32 $0xD0000000, s2;
	s6 =	simm.s32 $0x108;
	_ =	swait.ge @!p0 [sflag:s8], $0x0  }
0x24: {  	s3 =	sadd.s32 $0x88, s3;
	s6 =	simm.s32 @!p1 $0x1082;
	[sflag:s4] =	ssyncset.s32 $0xFFFFF086  }
0x25: {  	[simem:s6], [sflag:s4] =	dma.local [hbm:s3], $0xF7A  }
0x26: {  	[smem:$0x3F98] =	sst s1;
	(tag) =	ssettag s2;
	_ =	strace s9  }
0x27: {  	s1 =	sld [smem:$0x3FA8]  }
0x28: {  	s2 =	sld [smem:$0x3FA9]  }
0x29: {  	s4 =	sld [smem:$0x3FAB]  }
0x2a: {  	p0 =	seq.s32 s5, $0x0;
	s5 =	sld [smem:$0x3FAC]  }
0x2b: {  	s6 =	sld [smem:$0x3FAD]  }
0x2c: {  	s7 =	sld [smem:$0x3FAE]  }
0x2d: {  	s3 =	simm.s32 $0x108;
	s8 =	sld [smem:$0x3FAF]  }
0x2e: {  	s3 =	simm.s32 @!p0 $0x1082;
	s9 =	sld [smem:$0x3FB0]  }
0x2f: {  	lr =	sadd.s32 s0, s3;
	s0 =	sld [smem:$0x3FA7]  }
0x30: {  	s3 =	sld [smem:$0x3FAA]  }
0x31: {  	[smem:$0x3FB3] =	sst s10  }
0x32: {  	s10 =	sld [smem:$0x3FB1];
	_ =	sdelay $0x3  }
0x33: {  	p0 =	seq.s32 s10, $0x1;
	s10 =	sld [smem:$0x3FB3];
	_ =	sdelay $0x3  }
0x34: {  	[smem:$0x3FB3] =	sst s10  }
0x35: {  	s10 =	sld [smem:$0x3FB2];
	_ =	sdelay $0x3  }
0x36: {  	p1 =	seq.s32 s10, $0x1;
	s10 =	sld [smem:$0x3FB3];
	_ =	sdelay $0x3  }
0x37: {  	[smem:$0x3FB3] =	sst s10  }
0x38: {  	s10 =	sld [smem:$0x3FB4]  }
0x39: {  	_ = 	snop;
	(pc) =	sbr.ind lr, $3  }
0x3a: {  	_ = 	snop  }
0x3b: {  	_ = 	snop  }
0x3c: {  	p2 =	seq.s32 s10, $0x1;
	s10 =	sld [smem:$0x3FB3]  }
0x3d: {  	_ =	shalt  }
0x3e: {  	_ =	shalt  }
0x3f: {  	_ =	shalt  }
0x40: {  	_ =	shalt  }
0x41: {  	_ =	shalt  }
0x42: {  	_ =	shalt  }
0x43: {  	_ =	shalt  }
0x44: {  	_ =	shalt  }
0x45: {  	_ =	shalt  }
0x46: {  	_ =	shalt  }
0x47: {  	_ =	shalt  }
0x48: {  	_ =	shalt  }
0x49: {  	_ =	shalt  }
0x4a: {  	_ =	shalt  }
0x4b: {  	_ =	shalt  }
0x4c: {  	_ =	shalt  }
0x4d: {  	_ =	shalt  }
0x4e: {  	_ =	shalt  }
0x4f: {  	_ =	shalt  }
0x50: {  	_ =	shalt  }
0x51: {  	_ =	shalt  }
0x52: {  	_ =	shalt  }
0x53: {  	_ =	shalt  }
0x54: {  	_ =	shalt  }
0x55: {  	_ =	shalt  }
0x56: {  	_ =	shalt  }
0x57: {  	_ =	shalt  }
0x58: {  	_ =	shalt  }
0x59: {  	_ =	shalt  }
0x5a: {  	_ =	shalt  }
0x5b: {  	_ =	shalt  }
0x5c: {  	_ =	shalt  }
0x5d: {  	_ =	shalt  }
0x5e: {  	_ =	shalt  }
0x5f: {  	_ =	shalt  }
0x60: {  	_ =	shalt  }
0x61: {  	_ =	shalt  }
0x62: {  	_ =	shalt  }
0x63: {  	_ =	shalt  }
0x64: {  	_ =	shalt  }
0x65: {  	_ =	shalt  }
0x66: {  	_ =	shalt  }
0x67: {  	_ =	shalt  }
0x68: {  	_ =	shalt  }
0x69: {  	_ =	shalt  }
0x6a: {  	_ =	shalt  }
0x6b: {  	_ =	shalt  }
0x6c: {  	_ =	shalt  }
0x6d: {  	_ =	shalt  }
0x6e: {  	_ =	shalt  }
0x6f: {  	_ =	shalt  }
0x70: {  	_ =	shalt  }
0x71: {  	_ =	shalt  }
0x72: {  	_ =	shalt  }
0x73: {  	_ =	shalt  }
0x74: {  	_ =	shalt  }
0x75: {  	_ =	shalt  }
0x76: {  	_ =	shalt  }
0x77: {  	_ =	shalt  }
0x78: {  	_ =	shalt  }
0x79: {  	_ =	shalt  }
0x7a: {  	_ =	shalt  }
0x7b: {  	_ =	shalt  }
0x7c: {  	_ =	shalt  }
0x7d: {  	_ =	shalt  }
0x7e: {  	_ =	shalt  }
0x7f: {  	_ =	shalt  }
0x80: {  	_ =	shalt  }
0x81: {  	_ =	shalt  }
0x82: {  	_ =	shalt  }
0x83: {  	_ =	shalt  }
0x84: {  	_ =	shalt  }
0x85: {  	_ =	shalt  }
0x86: {  	_ =	shalt  }
0x87: {  	_ =	shalt  }
.Lfunc_end0:
.L_simem_size_0:
called_computation.3_lowered:
.L_overlay_start_0:
0x88: {  	s2 =	sld [smem:$0x3FD9]  }
0x89: {  	s3 =	sld [smem:$0x3FFE];
	_ =	sdelay $0x1  }
0x8a: {  	s1 =	srdreg.scid  }
0x8b: {  	s0 =	sand.u32 $0x1, s1  }
0x8c: {  	s16 =	sshll.u32 s0, $0xA;
	s2 =	sadd.s32 s3, s2  }
0x8d: {  	s2 =	sadd.s32 s2, s16  }
0x8e: {  	[smem:$0x3FBF] =	sst s2  }
0x8f: {  	_ = 	snop  }
0x90: {  	(tm) =	ssettm $0x1  }
0x91: {  	s17 =	sld [smem:$0x3FFB];
	_ =	sdelay $0x3  }
0x92: {  	_ =	strace s17  }
0x93: {  	s2 =	sld [smem:$0x3FFC];
	_ =	sdelay $0x3  }
0x94: {  	_ =	strace s2  }
0x95: {  	s2 =	sld [smem:$0x3FFD];
	_ =	sdelay $0x3  }
0x96: {  	_ =	strace s2  }
0x97: {  	_ =	strace $0x8FFFFFFF  }
0x98: {  	s18 =	sld [smem:$0x3FDB];
	_ =	sdelay $0x1  }
0x99: {  	s19 =	simm.s32 $_scs_section_size  }
0x9a: {  	s4 =	simm.s32 $_size__tile_overlayer_lowered;
	s5 =	simm.s32 $_tile_overlayer_lowered  }
0x9b: {  	s22 =	simm.s32 $0x1BFF;
	s21 =	sshll.u32 s5, $0x1;
	s2 =	sadd.s32 s19, s18  }
0x9c: {  	s6 =	simm.s32 $0x0;
	s20 =	sshll.u32 s4, $0x1;
	s4 =	sadd.s32 s21, s2  }
0x9d: {  	[timem:s6], [sflag:s22] =	dma.local [hbm:s4], s20  }
0x9e: {  	_ =	swait.ge [sflag:s22], s20  }
0x9f: {  	s3 =	ssub.s32 $0x0, s20;
	[sflag:s22] =	ssyncset.done $0x0  }
0xa0: {  	[sflag:s22] =	ssyncadd.s32 s3;
	_ =	sdelay $0x1  }
0xa1: {  	s23 =	simm.s32 $0x1B8B  }
0xa2: {  	_ =	swait.ge [sflag:s23], $0x1  }
0xa3: {  	[sflag:s23] =	ssyncset.done $0x0  }
0xa4: {  	s25 =	simm.s32 $0x1B8E;
	s24 =	sld [smem:$0x3FFE];
	[sflag:s23] =	ssyncadd.s32 $0xFFFFFFFF  }
0xa5: {  	s26 =	simm.s32 $execute0_lowered;
	[smem:$0x3FD2] =	sst s25  }
0xa6: {  	s4 =	sshll.u32 s26, $0x1;
	_ =	strace $0x8000004F;
	[dreg:$0x1] =	wrdreg $0xFFFFFFFF  }
0xa7: {  	s28 =	simm.s32 $_size_execute0_lowered;
	s2 =	sadd.s32 s2, s4;
	[dreg:$0x0] =	wrdreg $0x0  }
0xa8: {  	s4 =	sshll.u32 s28, $0x1;
	[dreg:$0x2] =	wrdreg s2  }
0xa9: {  	[dreg:$0x3] =	wrdreg s4  }
0xaa: {  	[dreg:$0x4] =	wrdreg $0xC0  }
0xab: {  	_ =	task [dreg:s6], $0x5FFFF  }
0xac: {  	[dreg:$0x1] =	wrdreg $0xFFFFFFFF  }
0xad: {  	[dreg:$0x0] =	wrdreg $0x60  }
0xae: {  	[dreg:$0x2] =	wrdreg s24  }
0xaf: {  	[dreg:$0x3] =	wrdreg $0xA8000  }
0xb0: {  	[dreg:$0x4] =	wrdreg $0x9  }
0xb1: {  	_ =	task.clear_ibuf [dreg:s6], $0x5FFFF;
	_ =	strace $0x9000004F  }
0xb2: {  	s29 =	simm.s32 $0x9;
	_ =	strace $0x80000051  }
0xb3: {  	_ =	swait.ge [sflag:s29], $0x1  }
0xb4: {  	[sflag:s29] =	ssyncadd.s32 $0xFFFFFFFF  }
0xb5: {  	_ =	strace $0x90000051  }
0xb6: {  	_ =	sfence  }
0xb7: {  	s30 =	sld [smem:$0x0];
	_ =	sdelay $0x2  }
0xb8: {  	s31 =	sshll.u32 s1, $0xD;
	s1 =	sshrl.u32 s1, $0x2  }
0xb9: {  	s3 =	sand.u32 $0x4000, s31;
	s1 =	sadd.s32 s1, s30  }
0xba: {  	s0 =	sor.u32 s3, s0;
	s1 =	sshll.u32 s1, $0x11  }
0xbb: {  	s0 =	sor.u32 s1, s0  }
0xbc: {  	s0 =	sadd.s32 $0x8F2B, s0  }
0xbd: {  	[sflag:s0] =	ssyncadd.remote.s32 $0x1  }
0xbe: {  	_ =	sfence.sel $0xFFFF  }
0xbf: {  	[dreg:$0x0] =	wrdreg $0xFFFFFFFF;
	(pc) =	sbr.abs _section_cstart, $3  }
0xc0: {  	[dreg:$0x1] =	wrdreg $0xFFFFFFFF  }
0xc1: {  	_ =	task.clear_ibuf [dreg:s6], $0x2FFFF;
	_ =	strace $0x9FFFFFFF  }
0xc2: {  	(tm) =	ssettm $0x7FFFFFFF  }
0xc3: {  	_ =	shalt  }
tec
execute0_lowered:
.L_overlay_start_1:
0x0: {  	(tag) =	ssettag $0x1  }
0x1: {  	s5 =	rddreg [dreg:$0x0]  }
0x2: {  	s2 =	rddreg [dreg:$0x1]  }
0x3: {  	s0 =	rddreg [dreg:$0x2];
	s3 =	simm.s32 $0x0;
	s1 =	stileid.u32  }
0x4: {  	s4 =	srdreg.scid;
	s15 =	simm.s32 $0x1400;
	s16 =	simm.s32 $0x80  }
0x5: {  	s17 =	simm.s32 $0x2800;
	s18 =	simm.s32 $0x6800;
	s19 =	simm.s32 $0x1  }
0x6: {  	s20 =	simm.s32 $0x2;
	s21 =	simm.s32 $0x1380;
	s22 =	simm.s32 $0x2700  }
0x7: {  	[smem:$0x7FF] =	sst s3;
	s6 =	smul.u32 $0x13C00, s1;
	s7 =	sand.u32 $0x1, s4  }
0x8: {  	s4 =	sadd.s32 $0x40400, s5;
	s11 =	sadd.s32 $0xE400, s5;
	s12 =	sadd.s32 $0x4400, s5  }
0x9: {  	s10 =	smul.u32 $0x4F000, s1;
	s25 =	sshll.u32 s1, $0x1;
	s29 =	sshll.u32 s1, $0x6  }
0xa: {  	_ =	strace $0x80000050;
	s8 =	smul.u32 $0x13C000, s7;
	s23 =	ssub.s32 $0x2, s7  }
0xb: {  	s26 =	sor.u32 s7, s25;
	s9 =	sshrl.u32 s6, $0x3;
	s24 =	sshrl.u32 s23, $0x1  }
0xc: {  	s28 =	sshrl.u32 s10, $0x2;
	s30 =	smul.u32 $0x500, s26;
	s9 =	sadd.s32 s9, s5  }
0xd: {  	s6 =	sadd.s32 s6, s8;
	s8 =	ssub.s32 s23, s24;
	s14 =	sadd.s32 s28, s2  }
0xe: {  	s23 =	simm.s32 $0x2780;
	s24 =	simm.s32 $0x0;
	s6 =	sshrl.u32 s6, $0x3  }
0xf: {  	s8 =	smax.u32 s8, $0x1;
	s31 =	sadd.s32 $0x280, s30;
	s10 =	sadd.s32 s12, s30  }
0x10: {  	s13 =	sadd.s32 s6, s5;
	s5 =	sadd.s32 $0x18C00, s9;
	s6 =	sor.u32 $0x1C03, s29  }
0x11: {  	s9 =	sadd.s32 s11, s30;
	s11 =	sadd.s32 s11, s31;
	s12 =	sadd.s32 s12, s31  }
0x12: {  	s7 =	sadd.s32 $0x67600, s13;
	s13 =	sshrl.u32 s14, $0x3;
	s14 =	simm.s32 $0x3  }
.LBB2_1:
0x13: {  	[spmem:s13], [sflag:s6] =	dma.local [hbm:s5], $0x2780  }
0x14: {  	_ =	swait.ge [sflag:s14], $0x2780  }
0x15: {  	[sflag:s14] =	ssyncset.done $0x0  }
0x16: {  	[sflag:s14] =	ssyncadd.s32 $0xFFFFD880  }
0x17: {  	[bflag:$0x0] =	sbarrier.arrive $0xFFFF  }
0x18: {  	[tilespmem:s3], [sflag:$0x3] =	stream.linear.gather [hbm4b:s9+s3], $0x1400, $0x38;
	[tilespmem:$0x1E400] =	vst v63  }
0x19: {  	_ =	swait.ge [sflag:s14], $0x1400  }
0x1a: {  	[sflag:s14] =	ssyncset.done $0x0  }
0x1b: {  	[sflag:s14] =	ssyncadd.s32 $0xFFFFEC00  }
0x1c: {  	[tilespmem:s15], [sflag:$0x3] =	stream.linear.gather [hbm4b:s10+s3], $0x1400, $0x38;
	[tilespmem:$0x1E400] =	vst v63  }
0x1d: {  	_ =	swait.ge [sflag:s14], $0x1400  }
0x1e: {  	[sflag:s14] =	ssyncset.done $0x0  }
0x1f: {  	[sflag:s14] =	ssyncadd.s32 $0xFFFFEC00  }
0x20: {  	[tilespmem:s17], [sflag:$0x1] =	stream.indirect.gather [hbm4b:s4+s16], $0x80, s3, s16, $0xb8;
	[tilespmem:$0x1E400] =	vst v63  }
0x21: {  	s25 =	simm.s32 $0x80  }
0x22: {  	[tilespmem:s18], [sflag:$0x2] =	stream.indirect.gather [hbm4b:s4+s16], $0x80, s25, s16, $0xb8;
	[tilespmem:$0x1E400] =	vst v63  }
0x23: {  	_ =	swait.ge [sflag:s19], $0x4000  }
0x24: {  	[sflag:s19] =	ssyncset.done $0x0  }
0x25: {  	s29 =	simm.s32 $0x1400;
	[sflag:s19] =	ssyncadd.s32 $0xFFFFC000  }
0x26: {  	[spmem:s2] =	stream.indirect.scatter.add.f32 [tilespmem:s17], [sflag:$0x3], $0x80, s29, s16, $0xb8;
	[tilespmem:$0x1E400] =	vst v63  }
0x27: {  	_ =	swait.ge [sflag:s14], $0x4000  }
0x28: {  	[sflag:s14] =	ssyncset.done $0x0  }
0x29: {  	s30 =	simm.s32 $0x100;
	[sflag:s14] =	ssyncadd.s32 $0xFFFFC000  }
0x2a: {  	[tilespmem:s17], [sflag:$0x1] =	stream.indirect.gather [hbm4b:s4+s16], $0x80, s30, s16, $0xb8;
	[tilespmem:$0x1E400] =	vst v63  }
0x2b: {  	_ =	swait.ge [sflag:s20], $0x4000  }
0x2c: {  	[sflag:s20] =	ssyncset.done $0x0  }
0x2d: {  	s31 =	simm.s32 $0x1480;
	[sflag:s20] =	ssyncadd.s32 $0xFFFFC000  }
0x2e: {  	[spmem:s2] =	stream.indirect.scatter.add.f32 [tilespmem:s18], [sflag:$0x3], $0x80, s31, s16, $0xb8;
	[tilespmem:$0x1E400] =	vst v63  }
0x2f: {  	_ =	swait.ge [sflag:s14], $0x4000  }
0x30: {  	s26 =	simm.s32 $0x800;
	s25 =	simm.s32 $0x100;
	[sflag:s14] =	ssyncset.done $0x0  }
.LBB2_2:
0x31: {  	s28 =	sadd.s32 $0x80, s25  }
0x32: {  	[sflag:s14] =	ssyncadd.s32 $0xFFFFC000;
	s29 =	smov.u32 s26;
	s30 =	sadd.s32 $0x400, s26  }
0x33: {  	[tilespmem:s18], [sflag:$0x2] =	stream.indirect.gather [hbm4b:s4+s16], $0x80, s28, s16, $0xb8;
	[tilespmem:$0x1E400] =	vst v63  }
0x34: {  	p0 =	sne.s32 s26, $0x4800;
	_ =	swait.ge [sflag:s19], $0x4000  }
0x35: {  	[sflag:s19] =	ssyncset.done $0x0  }
0x36: {  	s26 =	sadd.s32 $0x1400, s25;
	[sflag:s19] =	ssyncadd.s32 $0xFFFFC000  }
0x37: {  	[spmem:s2] =	stream.indirect.scatter.add.f32 [tilespmem:s17], [sflag:$0x3], $0x80, s26, s16, $0xb8;
	[tilespmem:$0x1E400] =	vst v63  }
0x38: {  	_ =	swait.ge [sflag:s14], $0x4000  }
0x39: {  	[sflag:s14] =	ssyncset.done $0x0  }
0x3a: {  	s26 =	sadd.s32 $0x100, s25;
	[sflag:s14] =	ssyncadd.s32 $0xFFFFC000  }
0x3b: {  	[tilespmem:s17], [sflag:$0x1] =	stream.indirect.gather [hbm4b:s4+s16], $0x80, s26, s16, $0xb8;
	[tilespmem:$0x1E400] =	vst v63  }
0x3c: {  	_ =	swait.ge [sflag:s20], $0x4000  }
.Ltmp0:
0x3d: {  	[sflag:s20] =	ssyncset.done $0x0;
	(pc) =	sbr.rel @p0 .LBB2_2-.Ltmp0, $4  }
0x3e: {  	s25 =	sadd.s32 $0x1480, s25;
	[sflag:s20] =	ssyncadd.s32 $0xFFFFC000  }
0x3f: {  	[spmem:s2] =	stream.indirect.scatter.add.f32 [tilespmem:s18], [sflag:$0x3], $0x80, s25, s16, $0xb8;
	[tilespmem:$0x1E400] =	vst v63  }
0x40: {  	_ =	swait.ge [sflag:s14], $0x4000  }
0x41: {  	s26 =	smov.u32 s30;
	s25 =	sshra.s32 s29, $0x2;
	[sflag:s14] =	ssyncset.done $0x0  }
0x42: {  	s26 =	sadd.s32 $0x80, s25;
	[sflag:s14] =	ssyncadd.s32 $0xFFFFC000  }
0x43: {  	[tilespmem:s18], [sflag:$0x2] =	stream.indirect.gather [hbm4b:s4+s16], $0x80, s26, s16, $0xb8;
	[tilespmem:$0x1E400] =	vst v63  }
0x44: {  	_ =	swait.ge [sflag:s19], $0x4000  }
0x45: {  	[sflag:s19] =	ssyncset.done $0x0  }
0x46: {  	s29 =	sadd.s32 $0x1400, s25;
	[sflag:s19] =	ssyncadd.s32 $0xFFFFC000  }
0x47: {  	[spmem:s2] =	stream.indirect.scatter.add.f32 [tilespmem:s17], [sflag:$0x3], $0x80, s29, s16, $0xb8;
	[tilespmem:$0x1E400] =	vst v63  }
0x48: {  	_ =	swait.ge [sflag:s14], $0x4000  }
0x49: {  	[sflag:s14] =	ssyncset.done $0x0  }
0x4a: {  	s30 =	sadd.s32 $0x100, s25;
	[sflag:s14] =	ssyncadd.s32 $0xFFFFC000  }
0x4b: {  	[tilespmem:s17], [sflag:$0x1] =	stream.indirect.gather [hbm4b:s4+s16], $0x80, s30, s16, $0xb8;
	[tilespmem:$0x1E400] =	vst v63  }
0x4c: {  	_ =	swait.ge [sflag:s20], $0x4000  }
0x4d: {  	[sflag:s20] =	ssyncset.done $0x0  }
0x4e: {  	s31 =	sadd.s32 $0x1480, s25;
	[sflag:s20] =	ssyncadd.s32 $0xFFFFC000  }
0x4f: {  	[spmem:s2] =	stream.indirect.scatter.add.f32 [tilespmem:s18], [sflag:$0x3], $0x80, s31, s16, $0xb8;
	[tilespmem:$0x1E400] =	vst v63  }
0x50: {  	_ =	swait.ge [sflag:s14], $0x4000  }
0x51: {  	[sflag:s14] =	ssyncset.done $0x0  }
0x52: {  	[sflag:s14] =	ssyncadd.s32 $0xFFFFC000  }
0x53: {  	[tilespmem:s18], [sflag:$0x2] =	stream.indirect.gather [hbm4b:s4+s16], $0x80, s21, s16, $0xb8;
	[tilespmem:$0x1E400] =	vst v63  }
0x54: {  	_ =	swait.ge [sflag:s19], $0x4000  }
0x55: {  	[sflag:s19] =	ssyncset.done $0x0  }
0x56: {  	[sflag:s19] =	ssyncadd.s32 $0xFFFFC000  }
0x57: {  	[spmem:s2] =	stream.indirect.scatter.add.f32 [tilespmem:s17], [sflag:$0x3], $0x80, s22, s16, $0xb8;
	[tilespmem:$0x1E400] =	vst v63  }
0x58: {  	_ =	swait.ge [sflag:s14], $0x4000  }
0x59: {  	[sflag:s14] =	ssyncset.done $0x0  }
0x5a: {  	[sflag:s14] =	ssyncadd.s32 $0xFFFFC000  }
0x5b: {  	_ =	swait.ge [sflag:s20], $0x4000  }
0x5c: {  	[sflag:s20] =	ssyncset.done $0x0  }
0x5d: {  	[sflag:s20] =	ssyncadd.s32 $0xFFFFC000  }
0x5e: {  	[spmem:s2] =	stream.indirect.scatter.add.f32 [tilespmem:s18], [sflag:$0x3], $0x80, s23, s16, $0xb8;
	[tilespmem:$0x1E400] =	vst v63  }
0x5f: {  	_ =	swait.ge [sflag:s14], $0x4000  }
0x60: {  	[sflag:s14] =	ssyncset.done $0x0  }
0x61: {  	s26 =	simm.s32 $0x0;
	[sflag:s14] =	ssyncadd.s32 $0xFFFFC000  }
0x62: {  	[tilespmem:s26], [sflag:$0x3] =	stream.linear.gather [hbm4b:s11+s26], $0x1400, $0x38;
	[tilespmem:$0x1E400] =	vst v63  }
0x63: {  	_ =	swait.ge [sflag:s14], $0x1400  }
0x64: {  	[sflag:s14] =	ssyncset.done $0x0  }
0x65: {  	[sflag:s14] =	ssyncadd.s32 $0xFFFFEC00  }
0x66: {  	[tilespmem:s15], [sflag:$0x3] =	stream.linear.gather [hbm4b:s12+s26], $0x1400, $0x38;
	[tilespmem:$0x1E400] =	vst v63  }
0x67: {  	_ =	swait.ge [sflag:s14], $0x1400  }
0x68: {  	[sflag:s14] =	ssyncset.done $0x0  }
0x69: {  	[sflag:s14] =	ssyncadd.s32 $0xFFFFEC00  }
0x6a: {  	[tilespmem:s17], [sflag:$0x1] =	stream.indirect.gather [hbm4b:s4+s16], $0x80, s26, s16, $0xb8;
	[tilespmem:$0x1E400] =	vst v63  }
0x6b: {  	s28 =	simm.s32 $0x80  }
0x6c: {  	[tilespmem:s18], [sflag:$0x2] =	stream.indirect.gather [hbm4b:s4+s16], $0x80, s28, s16, $0xb8;
	[tilespmem:$0x1E400] =	vst v63  }
0x6d: {  	_ =	swait.ge [sflag:s19], $0x4000  }
0x6e: {  	[sflag:s19] =	ssyncset.done $0x0  }
0x6f: {  	s29 =	simm.s32 $0x1400;
	[sflag:s19] =	ssyncadd.s32 $0xFFFFC000  }
0x70: {  	[spmem:s2] =	stream.indirect.scatter.add.f32 [tilespmem:s17], [sflag:$0x3], $0x80, s29, s16, $0xb8;
	[tilespmem:$0x1E400] =	vst v63  }
0x71: {  	_ =	swait.ge [sflag:s14], $0x4000  }
0x72: {  	[sflag:s14] =	ssyncset.done $0x0  }
0x73: {  	s30 =	simm.s32 $0x100;
	[sflag:s14] =	ssyncadd.s32 $0xFFFFC000  }
0x74: {  	[tilespmem:s17], [sflag:$0x1] =	stream.indirect.gather [hbm4b:s4+s16], $0x80, s30, s16, $0xb8;
	[tilespmem:$0x1E400] =	vst v63  }
0x75: {  	_ =	swait.ge [sflag:s20], $0x4000  }
0x76: {  	[sflag:s20] =	ssyncset.done $0x0  }
0x77: {  	s31 =	simm.s32 $0x1480;
	[sflag:s20] =	ssyncadd.s32 $0xFFFFC000  }
0x78: {  	[spmem:s2] =	stream.indirect.scatter.add.f32 [tilespmem:s18], [sflag:$0x3], $0x80, s31, s16, $0xb8;
	[tilespmem:$0x1E400] =	vst v63  }
0x79: {  	_ =	swait.ge [sflag:s14], $0x4000  }
0x7a: {  	s25 =	simm.s32 $0x100;
	s26 =	simm.s32 $0x800;
	[sflag:s14] =	ssyncset.done $0x0  }
.LBB2_4:
0x7b: {  	s28 =	sadd.s32 $0x80, s25  }
0x7c: {  	[sflag:s14] =	ssyncadd.s32 $0xFFFFC000;
	s29 =	smov.u32 s26;
	s30 =	sadd.s32 $0x400, s26  }
0x7d: {  	[tilespmem:s18], [sflag:$0x2] =	stream.indirect.gather [hbm4b:s4+s16], $0x80, s28, s16, $0xb8;
	[tilespmem:$0x1E400] =	vst v63  }
0x7e: {  	p0 =	sne.s32 s26, $0x4800;
	_ =	swait.ge [sflag:s19], $0x4000  }
0x7f: {  	[sflag:s19] =	ssyncset.done $0x0  }
0x80: {  	s26 =	sadd.s32 $0x1400, s25;
	[sflag:s19] =	ssyncadd.s32 $0xFFFFC000  }
0x81: {  	[spmem:s2] =	stream.indirect.scatter.add.f32 [tilespmem:s17], [sflag:$0x3], $0x80, s26, s16, $0xb8;
	[tilespmem:$0x1E400] =	vst v63  }
0x82: {  	_ =	swait.ge [sflag:s14], $0x4000  }
0x83: {  	[sflag:s14] =	ssyncset.done $0x0  }
0x84: {  	s26 =	sadd.s32 $0x100, s25;
	[sflag:s14] =	ssyncadd.s32 $0xFFFFC000  }
0x85: {  	[tilespmem:s17], [sflag:$0x1] =	stream.indirect.gather [hbm4b:s4+s16], $0x80, s26, s16, $0xb8;
	[tilespmem:$0x1E400] =	vst v63  }
0x86: {  	_ =	swait.ge [sflag:s20], $0x4000  }
.Ltmp1:
0x87: {  	[sflag:s20] =	ssyncset.done $0x0;
	(pc) =	sbr.rel @p0 .LBB2_4-.Ltmp1, $4  }
0x88: {  	s25 =	sadd.s32 $0x1480, s25;
	[sflag:s20] =	ssyncadd.s32 $0xFFFFC000  }
0x89: {  	[spmem:s2] =	stream.indirect.scatter.add.f32 [tilespmem:s18], [sflag:$0x3], $0x80, s25, s16, $0xb8;
	[tilespmem:$0x1E400] =	vst v63  }
0x8a: {  	_ =	swait.ge [sflag:s14], $0x4000  }
0x8b: {  	s26 =	smov.u32 s30;
	s25 =	sshra.s32 s29, $0x2;
	[sflag:s14] =	ssyncset.done $0x0  }
0x8c: {  	s26 =	sadd.s32 $0x80, s25;
	[sflag:s14] =	ssyncadd.s32 $0xFFFFC000  }
0x8d: {  	[tilespmem:s18], [sflag:$0x2] =	stream.indirect.gather [hbm4b:s4+s16], $0x80, s26, s16, $0xb8;
	[tilespmem:$0x1E400] =	vst v63  }
0x8e: {  	_ =	swait.ge [sflag:s19], $0x4000  }
0x8f: {  	[sflag:s19] =	ssyncset.done $0x0  }
0x90: {  	s29 =	sadd.s32 $0x1400, s25;
	[sflag:s19] =	ssyncadd.s32 $0xFFFFC000  }
0x91: {  	[spmem:s2] =	stream.indirect.scatter.add.f32 [tilespmem:s17], [sflag:$0x3], $0x80, s29, s16, $0xb8;
	[tilespmem:$0x1E400] =	vst v63  }
0x92: {  	_ =	swait.ge [sflag:s14], $0x4000  }
0x93: {  	[sflag:s14] =	ssyncset.done $0x0  }
0x94: {  	s30 =	sadd.s32 $0x100, s25;
	[sflag:s14] =	ssyncadd.s32 $0xFFFFC000  }
0x95: {  	[tilespmem:s17], [sflag:$0x1] =	stream.indirect.gather [hbm4b:s4+s16], $0x80, s30, s16, $0xb8;
	[tilespmem:$0x1E400] =	vst v63  }
0x96: {  	_ =	swait.ge [sflag:s20], $0x4000  }
0x97: {  	[sflag:s20] =	ssyncset.done $0x0  }
0x98: {  	s31 =	sadd.s32 $0x1480, s25;
	[sflag:s20] =	ssyncadd.s32 $0xFFFFC000  }
0x99: {  	[spmem:s2] =	stream.indirect.scatter.add.f32 [tilespmem:s18], [sflag:$0x3], $0x80, s31, s16, $0xb8;
	[tilespmem:$0x1E400] =	vst v63  }
0x9a: {  	_ =	swait.ge [sflag:s14], $0x4000  }
0x9b: {  	[sflag:s14] =	ssyncset.done $0x0  }
0x9c: {  	[sflag:s14] =	ssyncadd.s32 $0xFFFFC000  }
0x9d: {  	[tilespmem:s18], [sflag:$0x2] =	stream.indirect.gather [hbm4b:s4+s16], $0x80, s21, s16, $0xb8;
	[tilespmem:$0x1E400] =	vst v63  }
0x9e: {  	_ =	swait.ge [sflag:s19], $0x4000  }
0x9f: {  	[sflag:s19] =	ssyncset.done $0x0  }
0xa0: {  	[sflag:s19] =	ssyncadd.s32 $0xFFFFC000  }
0xa1: {  	[spmem:s2] =	stream.indirect.scatter.add.f32 [tilespmem:s17], [sflag:$0x3], $0x80, s22, s16, $0xb8;
	[tilespmem:$0x1E400] =	vst v63  }
0xa2: {  	_ =	swait.ge [sflag:s14], $0x4000  }
0xa3: {  	[sflag:s14] =	ssyncset.done $0x0  }
0xa4: {  	[sflag:s14] =	ssyncadd.s32 $0xFFFFC000  }
0xa5: {  	_ =	swait.ge [sflag:s20], $0x4000  }
0xa6: {  	[sflag:s20] =	ssyncset.done $0x0  }
0xa7: {  	[sflag:s20] =	ssyncadd.s32 $0xFFFFC000  }
0xa8: {  	[spmem:s2] =	stream.indirect.scatter.add.f32 [tilespmem:s18], [sflag:$0x3], $0x80, s23, s16, $0xb8;
	[tilespmem:$0x1E400] =	vst v63  }
0xa9: {  	_ =	swait.ge [sflag:s14], $0x4000  }
0xaa: {  	s24 =	sadd.s32 $0x1, s24;
	[sflag:s14] =	ssyncset.done $0x0  }
0xab: {  	p0 =	sne.s32 s24, s8;
	[sflag:s14] =	ssyncadd.s32 $0xFFFFC000  }
.Ltmp2:
0xac: {  	[bflag:$0x0] =	sbarrier.arrive $0xFFFF;
	(pc) =	sbr.rel @p0 .LBB2_1-.Ltmp2, $4  }
0xad: {  	[hbm:s7], [sflag:s6] =	dma.local [spmem:s13], $0x2780  }
0xae: {  	_ =	swait.ge [sflag:s14], $0x2780  }
0xaf: {  	[sflag:s14] =	ssyncset.done $0x0  }
0xb0: {  	[sflag:s14] =	ssyncadd.s32 $0xFFFFD880  }
0xb1: {  	_ =	sfence.sel $0x180000  }
0xb2: {  	[bflag:$0x0] =	sbarrier.arrive $0xFFFF  }
0xb3: {  	p0 =	sne.s32 s1, $0x0;
	_ =	strace $0x90000050  }
0xb4: {  	s0 =	sadd.s32 @!p0 $0x100000, s0;
	[bflag:$0x2] =	sbarrier.arrive $0xFFFF  }
0xb5: {  	[sflag:s0] =	ssyncadd.tile.s32 @!p0 $0x1;
	_ =	shalt  }
.Lfunc_end2:
_tile_overlayer_lowered:
.L_overlay_start_2:
0xb6: {  	(tag) =	ssettag $0x2  }
0xb7: {  	s0 =	rddreg [dreg:$0x0];
	s2 =	stileid.u32  }
0xb8: {  	s1 =	rddreg [dreg:$0x1];
	p0 =	sne.s32 s2, $0x0  }
0xb9: {  	s3 =	rddreg [dreg:$0x2];
	[bflag:$0x3] =	sbarrier.arrive $0xFFFF;
	s2 =	simm.s32 @!p0 $0x1C03  }
0xba: {  	[timem:s3], [sflag:s2] =	dma.local @!p0 [hbm:s0], s1  }
0xbb: {  	s0 =	simm.s32 @!p0 $0x3  }
0xbc: {  	_ =	swait.ge @!p0 [sflag:s0], s1  }
0xbd: {  	s1 =	ssub.s32 @!p0 $0x0, s1;
	[sflag:s0] =	ssyncset.done @!p0 $0x0  }
0xbe: {  	[sflag:s0] =	ssyncadd.s32 @!p0 s1  }
0xbf: {  	[bflag:$0x3] =	sbarrier.arrive $0xFFFF  }
0xc0: {  	_ =	shalt  }

</sc_bundles>
